<compile_context>
chip_gen: v7x
topology: tpu7x:2x2x1
jax: 0.10.2.dev20260603
libtpu: 0.0.44.dev20260713+nightly
codegen_flags: <defaults>
</compile_context>

<pallas_src>
import functools

import jax
import jax.numpy as jnp
import numpy as np
from jax.experimental import pallas as pl
from jax.experimental.pallas import tpu as pltpu
from jax.experimental.pallas import tpu_sc as plsc

B = 2; S = 2048; D = 768; H = 12; DH = D // H
POOL = 8; SP = S // POOL
E = 16; DFF = 2 * D
BS = B * S
CAP = int(np.ceil(1.25 * BS / E))
NSLOT = E * CAP
NSLOT_PAD = NSLOT + 8
LBW = 0.01
ATT_SCALE = float(1.0 / np.sqrt(DH))
F32 = jnp.float32
BF16 = jnp.bfloat16



def _conv_ln_core(x, w_ref, g_ref, b_ref, xr_ref, h_ref):
    z = jnp.zeros((1, D), F32)
    w = w_ref[...]
    xp = jnp.concatenate([z, x[:-1, :]], axis=0)
    xn = jnp.concatenate([x[1:, :], z], axis=0)
    xr = x + xp * w[0:1, :] + x * w[1:2, :] + xn * w[2:3, :]
    xr_ref[0] = xr
    mu = jnp.mean(xr, axis=-1, keepdims=True)
    var = jnp.mean((xr - mu) ** 2, axis=-1, keepdims=True)
    h = (xr - mu) * jax.lax.rsqrt(var + 1e-5) * g_ref[...] + b_ref[...]
    h_ref[0] = h.astype(BF16)


def _conv_ln_body(x_ref, w_ref, g_ref, b_ref, xr_ref, h_ref):
    _conv_ln_core(x_ref[0], w_ref, g_ref, b_ref, xr_ref, h_ref)


def _conv_ln(x, conv_w, g, b):
    return pl.pallas_call(
        _conv_ln_body,
        grid=(B,),
        in_specs=[
            pl.BlockSpec((1, S, D), lambda i: (i, 0, 0)),
            pl.BlockSpec((3, D), lambda i: (0, 0)),
            pl.BlockSpec((1, D), lambda i: (0, 0)),
            pl.BlockSpec((1, D), lambda i: (0, 0)),
        ],
        out_specs=[
            pl.BlockSpec((1, S, D), lambda i: (i, 0, 0)),
            pl.BlockSpec((1, S, D), lambda i: (i, 0, 0)),
        ],
        out_shape=[jax.ShapeDtypeStruct((B, S, D), F32),
                   jax.ShapeDtypeStruct((B, S, D), BF16)],
    )(x, conv_w, g, b)


def _comb_conv_ln_body(x2_ref, gat_ref, kg_ref, w_ref, g_ref, b_ref,
                       xr_ref, h_ref):
    x = x2_ref[0] + gat_ref[0].astype(F32) * kg_ref[0]
    _conv_ln_core(x, w_ref, g_ref, b_ref, xr_ref, h_ref)


def _comb_conv_ln(x2, gat, kg, conv_w, g, b):
    return pl.pallas_call(
        _comb_conv_ln_body,
        grid=(B,),
        in_specs=[
            pl.BlockSpec((1, S, D), lambda i: (i, 0, 0)),
            pl.BlockSpec((1, S, D), lambda i: (i, 0, 0)),
            pl.BlockSpec((1, S, 1), lambda i: (i, 0, 0)),
            pl.BlockSpec((3, D), lambda i: (0, 0)),
            pl.BlockSpec((1, D), lambda i: (0, 0)),
            pl.BlockSpec((1, D), lambda i: (0, 0)),
        ],
        out_specs=[
            pl.BlockSpec((1, S, D), lambda i: (i, 0, 0)),
            pl.BlockSpec((1, S, D), lambda i: (i, 0, 0)),
        ],
        out_shape=[jax.ShapeDtypeStruct((B, S, D), F32),
                   jax.ShapeDtypeStruct((B, S, D), BF16)],
    )(x2, gat, kg, conv_w, g, b)


def _qkv_attn_body(h_ref, wq_ref, bq_ref, wk_ref, bk_ref, wv_ref, bv_ref,
                   o_ref):
    hb = h_ref[0]
    gi = jax.lax.broadcasted_iota(jnp.int32, (SP, S), 1)
    ci = jax.lax.broadcasted_iota(jnp.int32, (SP, S), 0)
    pm = jnp.where(gi // POOL == ci, 1.0 / POOL, 0.0).astype(BF16)
    hpb = jnp.dot(pm, hb, preferred_element_type=F32).astype(BF16)
    q = (jnp.dot(hb, wq_ref[...].astype(BF16), preferred_element_type=F32)
         + bq_ref[...]).astype(BF16)
    k = (jnp.dot(hpb, wk_ref[...].astype(BF16), preferred_element_type=F32)
         + bk_ref[...]).astype(BF16)
    v = (jnp.dot(hpb, wv_ref[...].astype(BF16), preferred_element_type=F32)
         + bv_ref[...]).astype(BF16)
    ones = jnp.ones((SP, DH), BF16)
    for j in range(H):
        qh = q[:, j * DH:(j + 1) * DH]
        kh = k[:, j * DH:(j + 1) * DH]
        vh = v[:, j * DH:(j + 1) * DH]
        s = jax.lax.dot_general(qh, kh, (((1,), (1,)), ((), ())),
                                preferred_element_type=F32) * ATT_SCALE
        eb = jnp.exp(s).astype(BF16)
        va = jnp.concatenate([vh, ones], axis=-1)
        ov = jnp.dot(eb, va, preferred_element_type=F32)
        oj = ov[:, :DH] * (1.0 / ov[:, DH:DH + 1])
        o_ref[0, :, j * DH:(j + 1) * DH] = oj.astype(BF16)


def _qkv_attn(h, wq, bq, wk, bk, wv, bv):
    wspec = pl.BlockSpec((D, D), lambda i: (0, 0))
    bspec = pl.BlockSpec((1, D), lambda i: (0, 0))
    return pl.pallas_call(
        _qkv_attn_body,
        grid=(B,),
        in_specs=[pl.BlockSpec((1, S, D), lambda i: (i, 0, 0)),
                  wspec, bspec, wspec, bspec, wspec, bspec],
        out_specs=pl.BlockSpec((1, S, D), lambda i: (i, 0, 0)),
        out_shape=jax.ShapeDtypeStruct((B, S, D), BF16),
    )(h, wq, bq, wk, bk, wv, bv)


_RCH = 512
_PBLK = S // 2


def _proj_ln_route_body(o_ref, wo_ref, bo_ref, xr_ref, g_ref, b_ref, rw_ref,
                        x2_ref, h2_ref, ss_ref, sg_ref, kg_ref, lb_ref,
                        lg_scr, oh_scr):
    bi = pl.program_id(0)
    j = pl.program_id(1)
    x2 = xr_ref[0] + jnp.dot(o_ref[0], wo_ref[...].astype(BF16),
                             preferred_element_type=F32) + bo_ref[...]
    x2_ref[0] = x2
    mu = jnp.mean(x2, axis=-1, keepdims=True)
    var = jnp.mean((x2 - mu) ** 2, axis=-1, keepdims=True)
    h2 = (x2 - mu) * jax.lax.rsqrt(var + 1e-5) * g_ref[...] + b_ref[...]
    h2_ref[0] = h2
    base = bi * S + j * _PBLK
    lg_scr[pl.ds(base, _PBLK), :] = jnp.dot(h2, rw_ref[...],
                                            preferred_element_type=F32)

    @pl.when((bi == B - 1) & (j == S // _PBLK - 1))
    def _route():
        logits = lg_scr[...]
        m = jnp.max(logits, axis=-1, keepdims=True)
        ex = jnp.exp(logits - m)
        probs = ex / jnp.sum(ex, axis=-1, keepdims=True)
        gate = jnp.max(probs, axis=-1, keepdims=True)
        ii = jax.lax.broadcasted_iota(jnp.int32, (BS, E), 1)
        eidx = jnp.min(jnp.where(probs == gate, ii, E), axis=-1, keepdims=True)
        oh = (ii == eidx).astype(F32)
        oh_scr[...] = oh
        pi = jnp.mean(probs, axis=0, keepdims=True)
        fi = jnp.mean(oh, axis=0, keepdims=True)
        lb = E * jnp.sum(fi * pi)
        lb_ref[...] = jnp.full((8, 128), lb, F32)
        sg_ref[...] = eidx
        kg_ref[...] = gate
        li = jax.lax.broadcasted_iota(jnp.int32, (_RCH, _RCH), 0)
        lj = jax.lax.broadcasted_iota(jnp.int32, (_RCH, _RCH), 1)
        ltri = jnp.where(lj <= li, 1.0, 0.0).astype(F32)

        def body(c, carry):
            sl = pl.ds(c * _RCH, _RCH)
            ohc = oh_scr[sl, :]
            within = jnp.dot(ltri, ohc, preferred_element_type=F32)
            pos = jnp.sum((within + carry) * ohc, axis=-1, keepdims=True) - 1.0
            e_c = sg_ref[sl, :]
            g_c = kg_ref[sl, :]
            keep = pos < CAP
            spos = jnp.clip(pos, 0.0, CAP - 1.0).astype(jnp.int32)
            slotg = e_c * CAP + spos
            ss_ref[sl, :] = jnp.where(keep, slotg, NSLOT)
            sg_ref[sl, :] = slotg
            kg_ref[sl, :] = jnp.where(keep, g_c, 0.0)
            return carry + within[_RCH - 1:_RCH, :]

        jax.lax.fori_loop(0, BS // _RCH, body, jnp.zeros((1, E), F32))


def _proj_ln_route(o, wo, bo, xr, g, b, rw):
    full = lambda i, j: (0, 0)
    return pl.pallas_call(
        _proj_ln_route_body,
        grid=(B, S // _PBLK),
        in_specs=[
            pl.BlockSpec((1, _PBLK, D), lambda i, j: (i, j, 0)),
            pl.BlockSpec((D, D), full),
            pl.BlockSpec((1, D), full),
            pl.BlockSpec((1, _PBLK, D), lambda i, j: (i, j, 0)),
            pl.BlockSpec((1, D), full),
            pl.BlockSpec((1, D), full),
            pl.BlockSpec((D, E), full),
        ],
        out_specs=[
            pl.BlockSpec((1, _PBLK, D), lambda i, j: (i, j, 0)),
            pl.BlockSpec((1, _PBLK, D), lambda i, j: (i, j, 0)),
            pl.BlockSpec((BS, 1), full),
            pl.BlockSpec((BS, 1), full),
            pl.BlockSpec((BS, 1), full),
            pl.BlockSpec((8, 128), full),
        ],
        out_shape=[
            jax.ShapeDtypeStruct((B, S, D), F32),
            jax.ShapeDtypeStruct((B, S, D), F32),
            jax.ShapeDtypeStruct((BS, 1), jnp.int32),
            jax.ShapeDtypeStruct((BS, 1), jnp.int32),
            jax.ShapeDtypeStruct((BS, 1), F32),
            jax.ShapeDtypeStruct((8, 128), F32),
        ],
        scratch_shapes=[pltpu.VMEM((BS, E), F32), pltpu.VMEM((BS, E), F32)],
    )(o, wo, bo, xr, g, b, rw)


def _expert_body(buf_ref, w1_ref, b1_ref, w2_ref, b2_ref, ob_ref):
    xb = buf_ref[...].astype(BF16)
    hdn = jnp.dot(xb, w1_ref[0].astype(BF16),
                  preferred_element_type=F32) + b1_ref[0]
    hdn = jax.nn.gelu(hdn).astype(BF16)
    ob_ref[...] = jnp.dot(hdn, w2_ref[0].astype(BF16),
                          preferred_element_type=F32) + b2_ref[0]


def _expert_ffn(buf, w1, b1r, w2, b2r):
    return pl.pallas_call(
        _expert_body,
        grid=(E,),
        in_specs=[
            pl.BlockSpec((CAP, D), lambda i: (i, 0)),
            pl.BlockSpec((1, D, DFF), lambda i: (i, 0, 0)),
            pl.BlockSpec((1, 1, DFF), lambda i: (i, 0, 0)),
            pl.BlockSpec((1, DFF, D), lambda i: (i, 0, 0)),
            pl.BlockSpec((1, 1, D), lambda i: (i, 0, 0)),
        ],
        out_specs=pl.BlockSpec((CAP, D), lambda i: (i, 0)),
        out_shape=jax.ShapeDtypeStruct((NSLOT, D), F32),
    )(buf, w1, b1r, w2, b2r)


_CCH = 512


def _combine_body(x2_ref, g_ref, kg_ref, x3_ref):
    x3_ref[...] = x2_ref[...] + g_ref[...].astype(F32) * kg_ref[...]


def _combine(x2f, gat, kg):
    return pl.pallas_call(
        _combine_body,
        grid=(BS // _CCH,),
        in_specs=[
            pl.BlockSpec((_CCH, D), lambda i: (i, 0)),
            pl.BlockSpec((_CCH, D), lambda i: (i, 0)),
            pl.BlockSpec((_CCH, 1), lambda i: (i, 0)),
        ],
        out_specs=pl.BlockSpec((_CCH, D), lambda i: (i, 0)),
        out_shape=jax.ShapeDtypeStruct((BS, D), F32),
    )(x2f, gat, kg)



_NC = 2
_NS = 16
_NW = _NC * _NS
_TPW = BS // _NW


def _sc_mesh():
    return plsc.VectorSubcoreMesh(core_axis_name="c", subcore_axis_name="s")


def _sc_dispatch(xf, slots):

    @functools.partial(
        pl.kernel,
        mesh=_sc_mesh(),
        out_type=jax.ShapeDtypeStruct((NSLOT_PAD, D), F32),
        scratch_types=[
            pltpu.VMEM((_TPW,), jnp.int32),
            pltpu.VMEM((_TPW, D), F32),
            pltpu.SemaphoreType.DMA,
        ],
    )
    def k(x_hbm, i_hbm, o_hbm, idx_v, rows_v, sem):
        wid = jax.lax.axis_index("s") * _NC + jax.lax.axis_index("c")
        base = wid * _TPW
        pltpu.sync_copy(i_hbm.at[pl.ds(base, _TPW)], idx_v)
        pltpu.sync_copy(x_hbm.at[pl.ds(base, _TPW)], rows_v)
        pltpu.async_copy(rows_v, o_hbm.at[idx_v], sem).wait()

    return k(xf, slots)


def _sc_combine(ob, slots):

    @functools.partial(
        pl.kernel,
        mesh=_sc_mesh(),
        out_type=jax.ShapeDtypeStruct((BS, D), F32),
        scratch_types=[
            pltpu.VMEM((_TPW,), jnp.int32),
            pltpu.VMEM((_TPW, D), F32),
            pltpu.SemaphoreType.DMA,
        ],
    )
    def k(t_hbm, i_hbm, o_hbm, idx_v, rows_v, sem):
        wid = jax.lax.axis_index("s") * _NC + jax.lax.axis_index("c")
        base = wid * _TPW
        pltpu.sync_copy(i_hbm.at[pl.ds(base, _TPW)], idx_v)
        pltpu.async_copy(t_hbm.at[idx_v], rows_v, sem).wait()
        pltpu.sync_copy(rows_v, o_hbm.at[pl.ds(base, _TPW)])

    return k(ob, slots)




def kernel(x, ln1_g, ln1_b, ln2_g, ln2_b, conv_w, Wq, bq, Wk, bk, Wv, bv,
           Wo, bo, router_w, W1, b1, W2, b2):
    ln1g = ln1_g.reshape(1, D)
    ln1b = ln1_b.reshape(1, D)
    ln2g = ln2_g.reshape(1, D)
    ln2b = ln2_b.reshape(1, D)
    bq2 = bq.reshape(1, D)
    bk2 = bk.reshape(1, D)
    bv2 = bv.reshape(1, D)
    bo2 = bo.reshape(1, D)
    b1r = b1.reshape(E, 1, DFF)
    b2r = b2.reshape(E, 1, D)
    aux = jnp.zeros((), F32)
    for li in range(2):
        if li == 0:
            xr, h = _conv_ln(x, conv_w, ln1g, ln1b)
        else:
            xr, h = _comb_conv_ln(x2, gat.reshape(B, S, D),
                                  kg.reshape(B, S, 1), conv_w, ln1g, ln1b)
        o = _qkv_attn(h, Wq, bq2, Wk, bk2, Wv, bv2)
        x2, h2, ss, sg, kg, lbarr = _proj_ln_route(o, Wo, bo2, xr,
                                                   ln2g, ln2b, router_w)
        h2f = h2.reshape(BS, D)
        buf = _sc_dispatch(h2f, ss.reshape(BS))
        ob = _expert_ffn(buf, W1, b1r, W2, b2r)
        gat = _sc_combine(ob, sg.reshape(BS))
        aux = aux + LBW * lbarr[0, 0]
    x3f = _combine(x2.reshape(BS, D), gat, kg)
    return x3f.reshape(B, S, D), aux

# --- scband reference (transcript-rebuilt; emitter-appended) ---
"""Pipeline reference for scband-bert-71536975283022 (READ-ONLY COPY).

The authoritative reference and input builder live on the scoring server;
editing this copy changes nothing except your own understanding.
"""

import jax, jax.numpy as jnp
import numpy as np

B = 2; S = 2048; D = 768; H = 12; DH = D // H
KS = 3; POOL = 8; E = 16; DFF = 2 * D
LAYERS = 2; CAPF = 1.25; LBW = 0.01
CAP = int(np.ceil(CAPF * (B * S) / E))
SCALE = 0.02


def setup_inputs(seed: int = 0):
    key = jax.random.key(seed)
    ks = jax.random.split(key, 16)
    inp = {}
    inp['x'] = jax.random.normal(ks[0], (B, S, D), jnp.float32)
    inp['ln1_g'] = jnp.ones((D,), jnp.float32)
    inp['ln1_b'] = jnp.zeros((D,), jnp.float32)
    inp['ln2_g'] = jnp.ones((D,), jnp.float32)
    inp['ln2_b'] = jnp.zeros((D,), jnp.float32)
    inp['conv_w'] = jax.random.normal(ks[1], (KS, D), jnp.float32) * SCALE
    inp['Wq'] = jax.random.normal(ks[2], (D, D), jnp.float32) * SCALE
    inp['bq'] = jnp.zeros((D,), jnp.float32)
    inp['Wk'] = jax.random.normal(ks[3], (D, D), jnp.float32) * SCALE
    inp['bk'] = jnp.zeros((D,), jnp.float32)
    inp['Wv'] = jax.random.normal(ks[4], (D, D), jnp.float32) * SCALE
    inp['bv'] = jnp.zeros((D,), jnp.float32)
    inp['Wo'] = jax.random.normal(ks[5], (D, D), jnp.float32) * SCALE
    inp['bo'] = jnp.zeros((D,), jnp.float32)
    inp['router_w'] = jax.random.normal(ks[6], (D, E), jnp.float32) * SCALE
    inp['W1'] = jax.random.normal(ks[7], (E, D, DFF), jnp.float32) * SCALE
    inp['b1'] = jnp.zeros((E, DFF), jnp.float32)
    inp['W2'] = jax.random.normal(ks[8], (E, DFF, D), jnp.float32) * SCALE
    inp['b2'] = jnp.zeros((E, D), jnp.float32)
    return inp


def _ln(x, g, b):
    mu = jnp.mean(x, axis=-1, keepdims=True)
    var = jnp.var(x, axis=-1, keepdims=True)
    return (x - mu) / jnp.sqrt(var + 1e-5) * g + b


def _moe(xf, rw, W1, b1, W2, b2):
    logits = xf @ rw
    probs = jax.nn.softmax(logits, axis=-1)
    eidx = jnp.argmax(probs, axis=-1)
    gate = jnp.max(probs, axis=-1)
    oh = jax.nn.one_hot(eidx, E, dtype=xf.dtype)
    pos = jnp.sum(jnp.cumsum(oh, axis=0) * oh, axis=-1).astype(jnp.int32) - 1
    keep = (pos < CAP).astype(xf.dtype)
    spos = jnp.clip(pos, 0, CAP - 1)
    buf = jnp.zeros((E, CAP, D), xf.dtype).at[eidx, spos].add(xf * keep[:, None])
    hdn = jax.nn.gelu(jnp.einsum('ecd,edf->ecf', buf, W1) + b1[:, None, :])
    ob = jnp.einsum('ecf,efd->ecd', hdn, W2) + b2[:, None, :]
    y = ob[eidx, spos] * (gate * keep)[:, None]
    fi = jnp.mean(oh, axis=0)
    pi = jnp.mean(probs, axis=0)
    lb = E * jnp.sum(fi * pi)
    return y, lb


def _forward(x, ln1_g, ln1_b, ln2_g, ln2_b, conv_w, Wq, bq, Wk, bk, Wv, bv, Wo, bo, router_w, W1, b1, W2, b2):
    aux = jnp.zeros((), jnp.float32)
    for _ in range(LAYERS):
        lhs = jnp.transpose(x, (0, 2, 1))
        rhs = jnp.transpose(conv_w, (1, 0))[:, None, :]
        pe = jax.lax.conv_general_dilated(lhs, rhs, (1,), 'SAME', feature_group_count=D)
        x = x + jnp.transpose(pe, (0, 2, 1))
        h = _ln(x, ln1_g, ln1_b)
        q = (h @ Wq + bq).reshape(B, S, H, DH).transpose(0, 2, 1, 3)
        kv = h.reshape(B, S // POOL, POOL, D).mean(axis=2)
        k = (kv @ Wk + bk).reshape(B, S // POOL, H, DH).transpose(0, 2, 1, 3)
        v = (kv @ Wv + bv).reshape(B, S // POOL, H, DH).transpose(0, 2, 1, 3)
        att = jax.nn.softmax(jnp.einsum('bhqd,bhkd->bhqk', q, k) / np.sqrt(DH).astype(np.float32), axis=-1)
        o = jnp.einsum('bhqk,bhkd->bhqd', att, v).transpose(0, 2, 1, 3).reshape(B, S, D)
        x = x + (o @ Wo + bo)
        h2 = _ln(x, ln2_g, ln2_b)
        y, lb = _moe(h2.reshape(-1, D), router_w, W1, b1, W2, b2)
        x = x + y.reshape(B, S, D)
        aux = aux + LBW * lb
    return x, aux


def reference(x, ln1_g, ln1_b, ln2_g, ln2_b, conv_w, Wq, bq, Wk, bk, Wv, bv, Wo, bo, router_w, W1, b1, W2, b2):
    return _forward(x, ln1_g, ln1_b, ln2_g, ln2_b, conv_w, Wq, bq, Wk, bk, Wv, bv, Wo, bo, router_w, W1, b1, W2, b2)

if __name__ == "__main__":
    import jax
    _d = setup_inputs()
    print(jax.jit(kernel)(*tuple(_d.values())))

</pallas_src>

<mosaic_0001>
#map = affine_map<(d0, d1) -> (0, 0)>
#map1 = affine_map<(d0, d1) -> (0)>
module attributes {stable_mosaic.version = 14 : i64} {
  func.func @k(%arg0: i32, %arg1: i32, %arg2: memref<5120x768xf32, #tpu.memory_space<hbm>>, %arg3: memref<4096xi32, #tpu.memory_space<hbm>>, %arg4: memref<4096x768xf32, #tpu.memory_space<hbm>>, %arg5: memref<128xi32, #tpu.memory_space<vmem>>, %arg6: memref<128x768xf32, #tpu.memory_space<vmem>>, %arg7: memref<!tpu.dma_semaphore, #tpu.memory_space<semaphore_mem>>) attributes {dimension_semantics = [#tpu.dimension_semantics<core_parallel>, #tpu.dimension_semantics<subcore_parallel>], iteration_bounds = array<i64: 2, 16>, scalar_prefetch = 0 : i64, scratch_operands = 3 : i64, tpu.core_type = #tpu.core_type<sc_vector_subcore>, window_params = [{transform_indices = #map}, {transform_indices = #map1}, {transform_indices = #map}]} {
    %mul3A = arith.constant 2 : i32
    %mul3A_0 = arith.muli %arg1, %mul3A : i32
    %add3A = arith.addi %mul3A_0, %arg0 : i32
    %mul3A_1 = arith.constant 128 : i32
    %mul3A_2 = arith.muli %add3A, %mul3A_1 : i32
    "tpu.region"() ({
      %run_scoped3A = tpu.sem_alloc : memref<!tpu.dma_semaphore, #tpu.memory_space<semaphore_mem>>
      %dma_start3A_7 = tpu.memref_slice %arg3[%mul3A_2] : memref<4096xi32, #tpu.memory_space<hbm>> -> memref<128xi32, #tpu.memory_space<hbm>>
      %dma_start3A_8 = tpu.memref_slice %arg3[%mul3A_2] : memref<4096xi32, #tpu.memory_space<hbm>> -> memref<128xi32, #tpu.memory_space<hbm>>
      tpu.enqueue_dma source(%dma_start3A_8 : memref<128xi32, #tpu.memory_space<hbm>>) target(%arg5 : memref<128xi32, #tpu.memory_space<vmem>>) target_semaphore(%run_scoped3A : memref<!tpu.dma_semaphore, #tpu.memory_space<semaphore_mem>>)
      %dma_wait3A_9 = tpu.memref_slice %arg3[%mul3A_2] : memref<4096xi32, #tpu.memory_space<hbm>> -> memref<128xi32, #tpu.memory_space<hbm>>
      %dma_wait3A_10 = tpu.memref_slice %arg3[%mul3A_2] : memref<4096xi32, #tpu.memory_space<hbm>> -> memref<128xi32, #tpu.memory_space<hbm>>
      tpu.wait_dma2 semaphore(%run_scoped3A : memref<!tpu.dma_semaphore, #tpu.memory_space<semaphore_mem>>) src(%dma_wait3A_10 : memref<128xi32, #tpu.memory_space<hbm>>) dst(%arg5 : memref<128xi32, #tpu.memory_space<vmem>>)
      tpu.yield
    }) : () -> ()
    %dma_start3A = arith.constant 0 : i32
    %dma_start3A_3 = arith.constant 0 : i32
    %dma_start3A_4 = tpu.memref_slice %arg2[%dma_start3A, %dma_start3A_3] : memref<5120x768xf32, #tpu.memory_space<hbm>> -> memref<5120x768xf32, #tpu.memory_space<hbm>>
    tpu.enqueue_indirect_dma source(%dma_start3A_4 : memref<5120x768xf32, #tpu.memory_space<hbm>>) target(%arg6 : memref<128x768xf32, #tpu.memory_space<vmem>>) offsets(%arg5 : memref<128xi32, #tpu.memory_space<vmem>>) semaphore(%arg7 : memref<!tpu.dma_semaphore, #tpu.memory_space<semaphore_mem>>)
    %dma_wait3A = arith.constant 0 : i32
    %dma_wait3A_5 = arith.constant 0 : i32
    %dma_wait3A_6 = tpu.memref_slice %arg2[%dma_wait3A, %dma_wait3A_5] : memref<5120x768xf32, #tpu.memory_space<hbm>> -> memref<5120x768xf32, #tpu.memory_space<hbm>>
    tpu.wait_indirect_dma semaphore(%arg7 : memref<!tpu.dma_semaphore, #tpu.memory_space<semaphore_mem>>) src(%dma_wait3A_6 : memref<5120x768xf32, #tpu.memory_space<hbm>>) dst(%arg6 : memref<128x768xf32, #tpu.memory_space<vmem>>)
    "tpu.region"() ({
      %run_scoped3A = tpu.sem_alloc : memref<!tpu.dma_semaphore, #tpu.memory_space<semaphore_mem>>
      %dma_start3A_7 = arith.constant 0 : i32
      %dma_start3A_8 = tpu.memref_slice %arg4[%mul3A_2, %dma_start3A_7] : memref<4096x768xf32, #tpu.memory_space<hbm>> -> memref<128x768xf32, #tpu.memory_space<hbm>>
      %dma_start3A_9 = arith.constant 0 : i32
      %dma_start3A_10 = tpu.memref_slice %arg4[%mul3A_2, %dma_start3A_9] : memref<4096x768xf32, #tpu.memory_space<hbm>> -> memref<128x768xf32, #tpu.memory_space<hbm>>
      tpu.enqueue_dma source(%arg6 : memref<128x768xf32, #tpu.memory_space<vmem>>) target(%dma_start3A_10 : memref<128x768xf32, #tpu.memory_space<hbm>>) target_semaphore(%run_scoped3A : memref<!tpu.dma_semaphore, #tpu.memory_space<semaphore_mem>>)
      %dma_wait3A_11 = arith.constant 0 : i32
      %dma_wait3A_12 = tpu.memref_slice %arg4[%mul3A_2, %dma_wait3A_11] : memref<4096x768xf32, #tpu.memory_space<hbm>> -> memref<128x768xf32, #tpu.memory_space<hbm>>
      %dma_wait3A_13 = arith.constant 0 : i32
      %dma_wait3A_14 = tpu.memref_slice %arg4[%mul3A_2, %dma_wait3A_13] : memref<4096x768xf32, #tpu.memory_space<hbm>> -> memref<128x768xf32, #tpu.memory_space<hbm>>
      tpu.wait_dma2 semaphore(%run_scoped3A : memref<!tpu.dma_semaphore, #tpu.memory_space<semaphore_mem>>) src(%arg6 : memref<128x768xf32, #tpu.memory_space<vmem>>) dst(%dma_wait3A_14 : memref<128x768xf32, #tpu.memory_space<hbm>>)
      tpu.yield
    }) : () -> ()
    return
  }
}

#map = affine_map<(d0, d1) -> (0, 0)>
#map1 = affine_map<(d0, d1) -> (0)>
module attributes {stable_mosaic.version = 14 : i64} {
  func.func @k(%arg0: i32, %arg1: i32, %arg2: memref<5120x768xf32, #tpu.memory_space<hbm>>, %arg3: memref<4096xi32, #tpu.memory_space<hbm>>, %arg4: memref<4096x768xf32, #tpu.memory_space<hbm>>, %arg5: memref<128xi32, #tpu.memory_space<vmem>>, %arg6: memref<128x768xf32, #tpu.memory_space<vmem>>, %arg7: memref<!tpu.dma_semaphore, #tpu.memory_space<semaphore_mem>>) attributes {dimension_semantics = [#tpu.dimension_semantics<core_parallel>, #tpu.dimension_semantics<subcore_parallel>], iteration_bounds = array<i64: 2, 16>, scalar_prefetch = 0 : i64, scratch_operands = 3 : i64, tpu.core_type = #tpu.core_type<sc_vector_subcore>, window_params = [{transform_indices = #map}, {transform_indices = #map1}, {transform_indices = #map}]} {
    %mul3A = arith.constant 2 : i32
    %mul3A_0 = arith.muli %arg1, %mul3A : i32
    %add3A = arith.addi %mul3A_0, %arg0 : i32
    %mul3A_1 = arith.constant 128 : i32
    %mul3A_2 = arith.muli %add3A, %mul3A_1 : i32
    "tpu.region"() ({
      %run_scoped3A = tpu.sem_alloc : memref<!tpu.dma_semaphore, #tpu.memory_space<semaphore_mem>>
      %dma_start3A_7 = tpu.memref_slice %arg3[%mul3A_2] : memref<4096xi32, #tpu.memory_space<hbm>> -> memref<128xi32, #tpu.memory_space<hbm>>
      %dma_start3A_8 = tpu.memref_slice %arg3[%mul3A_2] : memref<4096xi32, #tpu.memory_space<hbm>> -> memref<128xi32, #tpu.memory_space<hbm>>
      tpu.enqueue_dma source(%dma_start3A_8 : memref<128xi32, #tpu.memory_space<hbm>>) target(%arg5 : memref<128xi32, #tpu.memory_space<vmem>>) target_semaphore(%run_scoped3A : memref<!tpu.dma_semaphore, #tpu.memory_space<semaphore_mem>>)
      %dma_wait3A_9 = tpu.memref_slice %arg3[%mul3A_2] : memref<4096xi32, #tpu.memory_space<hbm>> -> memref<128xi32, #tpu.memory_space<hbm>>
      %dma_wait3A_10 = tpu.memref_slice %arg3[%mul3A_2] : memref<4096xi32, #tpu.memory_space<hbm>> -> memref<128xi32, #tpu.memory_space<hbm>>
      tpu.wait_dma2 semaphore(%run_scoped3A : memref<!tpu.dma_semaphore, #tpu.memory_space<semaphore_mem>>) src(%dma_wait3A_10 : memref<128xi32, #tpu.memory_space<hbm>>) dst(%arg5 : memref<128xi32, #tpu.memory_space<vmem>>)
      tpu.yield
    }) : () -> ()
    %dma_start3A = arith.constant 0 : i32
    %dma_start3A_3 = arith.constant 0 : i32
    %dma_start3A_4 = tpu.memref_slice %arg2[%dma_start3A, %dma_start3A_3] : memref<5120x768xf32, #tpu.memory_space<hbm>> -> memref<5120x768xf32, #tpu.memory_space<hbm>>
    tpu.enqueue_indirect_dma source(%dma_start3A_4 : memref<5120x768xf32, #tpu.memory_space<hbm>>) target(%arg6 : memref<128x768xf32, #tpu.memory_space<vmem>>) offsets(%arg5 : memref<128xi32, #tpu.memory_space<vmem>>) semaphore(%arg7 : memref<!tpu.dma_semaphore, #tpu.memory_space<semaphore_mem>>)
    %dma_wait3A = arith.constant 0 : i32
    %dma_wait3A_5 = arith.constant 0 : i32
    %dma_wait3A_6 = tpu.memref_slice %arg2[%dma_wait3A, %dma_wait3A_5] : memref<5120x768xf32, #tpu.memory_space<hbm>> -> memref<5120x768xf32, #tpu.memory_space<hbm>>
    tpu.wait_indirect_dma semaphore(%arg7 : memref<!tpu.dma_semaphore, #tpu.memory_space<semaphore_mem>>) src(%dma_wait3A_6 : memref<5120x768xf32, #tpu.memory_space<hbm>>) dst(%arg6 : memref<128x768xf32, #tpu.memory_space<vmem>>)
    "tpu.region"() ({
      %run_scoped3A = tpu.sem_alloc : memref<!tpu.dma_semaphore, #tpu.memory_space<semaphore_mem>>
      %dma_start3A_7 = arith.constant 0 : i32
      %dma_start3A_8 = tpu.memref_slice %arg4[%mul3A_2, %dma_start3A_7] : memref<4096x768xf32, #tpu.memory_space<hbm>> -> memref<128x768xf32, #tpu.memory_space<hbm>>
      %dma_start3A_9 = arith.constant 0 : i32
      %dma_start3A_10 = tpu.memref_slice %arg4[%mul3A_2, %dma_start3A_9] : memref<4096x768xf32, #tpu.memory_space<hbm>> -> memref<128x768xf32, #tpu.memory_space<hbm>>
      tpu.enqueue_dma source(%arg6 : memref<128x768xf32, #tpu.memory_space<vmem>>) target(%dma_start3A_10 : memref<128x768xf32, #tpu.memory_space<hbm>>) target_semaphore(%run_scoped3A : memref<!tpu.dma_semaphore, #tpu.memory_space<semaphore_mem>>)
      %dma_wait3A_11 = arith.constant 0 : i32
      %dma_wait3A_12 = tpu.memref_slice %arg4[%mul3A_2, %dma_wait3A_11] : memref<4096x768xf32, #tpu.memory_space<hbm>> -> memref<128x768xf32, #tpu.memory_space<hbm>>
      %dma_wait3A_13 = arith.constant 0 : i32
      %dma_wait3A_14 = tpu.memref_slice %arg4[%mul3A_2, %dma_wait3A_13] : memref<4096x768xf32, #tpu.memory_space<hbm>> -> memref<128x768xf32, #tpu.memory_space<hbm>>
      tpu.wait_dma2 semaphore(%run_scoped3A : memref<!tpu.dma_semaphore, #tpu.memory_space<semaphore_mem>>) src(%arg6 : memref<128x768xf32, #tpu.memory_space<vmem>>) dst(%dma_wait3A_14 : memref<128x768xf32, #tpu.memory_space<hbm>>)
      tpu.yield
    }) : () -> ()
    return
  }
}

#map = affine_map<(d0, d1) -> (0, 0)>
#map1 = affine_map<(d0, d1) -> (0)>
module attributes {stable_mosaic.version = 14 : i64} {
  func.func @k(%arg0: i32, %arg1: i32, %arg2: memref<4096x768xf32, #tpu.memory_space<hbm>>, %arg3: memref<4096xi32, #tpu.memory_space<hbm>>, %arg4: memref<5128x768xf32, #tpu.memory_space<hbm>>, %arg5: memref<128xi32, #tpu.memory_space<vmem>>, %arg6: memref<128x768xf32, #tpu.memory_space<vmem>>, %arg7: memref<!tpu.dma_semaphore, #tpu.memory_space<semaphore_mem>>) attributes {dimension_semantics = [#tpu.dimension_semantics<core_parallel>, #tpu.dimension_semantics<subcore_parallel>], iteration_bounds = array<i64: 2, 16>, scalar_prefetch = 0 : i64, scratch_operands = 3 : i64, tpu.core_type = #tpu.core_type<sc_vector_subcore>, window_params = [{transform_indices = #map}, {transform_indices = #map1}, {transform_indices = #map}]} {
    %mul3A = arith.constant 2 : i32
    %mul3A_0 = arith.muli %arg1, %mul3A : i32
    %add3A = arith.addi %mul3A_0, %arg0 : i32
    %mul3A_1 = arith.constant 128 : i32
    %mul3A_2 = arith.muli %add3A, %mul3A_1 : i32
    "tpu.region"() ({
      %run_scoped3A = tpu.sem_alloc : memref<!tpu.dma_semaphore, #tpu.memory_space<semaphore_mem>>
      %dma_start3A_7 = tpu.memref_slice %arg3[%mul3A_2] : memref<4096xi32, #tpu.memory_space<hbm>> -> memref<128xi32, #tpu.memory_space<hbm>>
      %dma_start3A_8 = tpu.memref_slice %arg3[%mul3A_2] : memref<4096xi32, #tpu.memory_space<hbm>> -> memref<128xi32, #tpu.memory_space<hbm>>
      tpu.enqueue_dma source(%dma_start3A_8 : memref<128xi32, #tpu.memory_space<hbm>>) target(%arg5 : memref<128xi32, #tpu.memory_space<vmem>>) target_semaphore(%run_scoped3A : memref<!tpu.dma_semaphore, #tpu.memory_space<semaphore_mem>>)
      %dma_wait3A_9 = tpu.memref_slice %arg3[%mul3A_2] : memref<4096xi32, #tpu.memory_space<hbm>> -> memref<128xi32, #tpu.memory_space<hbm>>
      %dma_wait3A_10 = tpu.memref_slice %arg3[%mul3A_2] : memref<4096xi32, #tpu.memory_space<hbm>> -> memref<128xi32, #tpu.memory_space<hbm>>
      tpu.wait_dma2 semaphore(%run_scoped3A : memref<!tpu.dma_semaphore, #tpu.memory_space<semaphore_mem>>) src(%dma_wait3A_10 : memref<128xi32, #tpu.memory_space<hbm>>) dst(%arg5 : memref<128xi32, #tpu.memory_space<vmem>>)
      tpu.yield
    }) : () -> ()
    "tpu.region"() ({
      %run_scoped3A = tpu.sem_alloc : memref<!tpu.dma_semaphore, #tpu.memory_space<semaphore_mem>>
      %dma_start3A_7 = arith.constant 0 : i32
      %dma_start3A_8 = tpu.memref_slice %arg2[%mul3A_2, %dma_start3A_7] : memref<4096x768xf32, #tpu.memory_space<hbm>> -> memref<128x768xf32, #tpu.memory_space<hbm>>
      %dma_start3A_9 = arith.constant 0 : i32
      %dma_start3A_10 = tpu.memref_slice %arg2[%mul3A_2, %dma_start3A_9] : memref<4096x768xf32, #tpu.memory_space<hbm>> -> memref<128x768xf32, #tpu.memory_space<hbm>>
      tpu.enqueue_dma source(%dma_start3A_10 : memref<128x768xf32, #tpu.memory_space<hbm>>) target(%arg6 : memref<128x768xf32, #tpu.memory_space<vmem>>) target_semaphore(%run_scoped3A : memref<!tpu.dma_semaphore, #tpu.memory_space<semaphore_mem>>)
      %dma_wait3A_11 = arith.constant 0 : i32
      %dma_wait3A_12 = tpu.memref_slice %arg2[%mul3A_2, %dma_wait3A_11] : memref<4096x768xf32, #tpu.memory_space<hbm>> -> memref<128x768xf32, #tpu.memory_space<hbm>>
      %dma_wait3A_13 = arith.constant 0 : i32
      %dma_wait3A_14 = tpu.memref_slice %arg2[%mul3A_2, %dma_wait3A_13] : memref<4096x768xf32, #tpu.memory_space<hbm>> -> memref<128x768xf32, #tpu.memory_space<hbm>>
      tpu.wait_dma2 semaphore(%run_scoped3A : memref<!tpu.dma_semaphore, #tpu.memory_space<semaphore_mem>>) src(%dma_wait3A_14 : memref<128x768xf32, #tpu.memory_space<hbm>>) dst(%arg6 : memref<128x768xf32, #tpu.memory_space<vmem>>)
      tpu.yield
    }) : () -> ()
    %dma_start3A = arith.constant 0 : i32
    %dma_start3A_3 = arith.constant 0 : i32
    %dma_start3A_4 = tpu.memref_slice %arg4[%dma_start3A, %dma_start3A_3] : memref<5128x768xf32, #tpu.memory_space<hbm>> -> memref<5128x768xf32, #tpu.memory_space<hbm>>
    tpu.enqueue_indirect_dma source(%arg6 : memref<128x768xf32, #tpu.memory_space<vmem>>) target(%dma_start3A_4 : memref<5128x768xf32, #tpu.memory_space<hbm>>) offsets(%arg5 : memref<128xi32, #tpu.memory_space<vmem>>) semaphore(%arg7 : memref<!tpu.dma_semaphore, #tpu.memory_space<semaphore_mem>>)
    %dma_wait3A = arith.constant 0 : i32
    %dma_wait3A_5 = arith.constant 0 : i32
    %dma_wait3A_6 = tpu.memref_slice %arg4[%dma_wait3A, %dma_wait3A_5] : memref<5128x768xf32, #tpu.memory_space<hbm>> -> memref<5128x768xf32, #tpu.memory_space<hbm>>
    tpu.wait_indirect_dma semaphore(%arg7 : memref<!tpu.dma_semaphore, #tpu.memory_space<semaphore_mem>>) src(%arg6 : memref<128x768xf32, #tpu.memory_space<vmem>>) dst(%dma_wait3A_6 : memref<5128x768xf32, #tpu.memory_space<hbm>>)
    return
  }
}

#map = affine_map<(d0, d1) -> (0, 0)>
#map1 = affine_map<(d0, d1) -> (0)>
module attributes {stable_mosaic.version = 14 : i64} {
  func.func @k(%arg0: i32, %arg1: i32, %arg2: memref<4096x768xf32, #tpu.memory_space<hbm>>, %arg3: memref<4096xi32, #tpu.memory_space<hbm>>, %arg4: memref<5128x768xf32, #tpu.memory_space<hbm>>, %arg5: memref<128xi32, #tpu.memory_space<vmem>>, %arg6: memref<128x768xf32, #tpu.memory_space<vmem>>, %arg7: memref<!tpu.dma_semaphore, #tpu.memory_space<semaphore_mem>>) attributes {dimension_semantics = [#tpu.dimension_semantics<core_parallel>, #tpu.dimension_semantics<subcore_parallel>], iteration_bounds = array<i64: 2, 16>, scalar_prefetch = 0 : i64, scratch_operands = 3 : i64, tpu.core_type = #tpu.core_type<sc_vector_subcore>, window_params = [{transform_indices = #map}, {transform_indices = #map1}, {transform_indices = #map}]} {
    %mul3A = arith.constant 2 : i32
    %mul3A_0 = arith.muli %arg1, %mul3A : i32
    %add3A = arith.addi %mul3A_0, %arg0 : i32
    %mul3A_1 = arith.constant 128 : i32
    %mul3A_2 = arith.muli %add3A, %mul3A_1 : i32
    "tpu.region"() ({
      %run_scoped3A = tpu.sem_alloc : memref<!tpu.dma_semaphore, #tpu.memory_space<semaphore_mem>>
      %dma_start3A_7 = tpu.memref_slice %arg3[%mul3A_2] : memref<4096xi32, #tpu.memory_space<hbm>> -> memref<128xi32, #tpu.memory_space<hbm>>
      %dma_start3A_8 = tpu.memref_slice %arg3[%mul3A_2] : memref<4096xi32, #tpu.memory_space<hbm>> -> memref<128xi32, #tpu.memory_space<hbm>>
      tpu.enqueue_dma source(%dma_start3A_8 : memref<128xi32, #tpu.memory_space<hbm>>) target(%arg5 : memref<128xi32, #tpu.memory_space<vmem>>) target_semaphore(%run_scoped3A : memref<!tpu.dma_semaphore, #tpu.memory_space<semaphore_mem>>)
      %dma_wait3A_9 = tpu.memref_slice %arg3[%mul3A_2] : memref<4096xi32, #tpu.memory_space<hbm>> -> memref<128xi32, #tpu.memory_space<hbm>>
      %dma_wait3A_10 = tpu.memref_slice %arg3[%mul3A_2] : memref<4096xi32, #tpu.memory_space<hbm>> -> memref<128xi32, #tpu.memory_space<hbm>>
      tpu.wait_dma2 semaphore(%run_scoped3A : memref<!tpu.dma_semaphore, #tpu.memory_space<semaphore_mem>>) src(%dma_wait3A_10 : memref<128xi32, #tpu.memory_space<hbm>>) dst(%arg5 : memref<128xi32, #tpu.memory_space<vmem>>)
      tpu.yield
    }) : () -> ()
    "tpu.region"() ({
      %run_scoped3A = tpu.sem_alloc : memref<!tpu.dma_semaphore, #tpu.memory_space<semaphore_mem>>
      %dma_start3A_7 = arith.constant 0 : i32
      %dma_start3A_8 = tpu.memref_slice %arg2[%mul3A_2, %dma_start3A_7] : memref<4096x768xf32, #tpu.memory_space<hbm>> -> memref<128x768xf32, #tpu.memory_space<hbm>>
      %dma_start3A_9 = arith.constant 0 : i32
      %dma_start3A_10 = tpu.memref_slice %arg2[%mul3A_2, %dma_start3A_9] : memref<4096x768xf32, #tpu.memory_space<hbm>> -> memref<128x768xf32, #tpu.memory_space<hbm>>
      tpu.enqueue_dma source(%dma_start3A_10 : memref<128x768xf32, #tpu.memory_space<hbm>>) target(%arg6 : memref<128x768xf32, #tpu.memory_space<vmem>>) target_semaphore(%run_scoped3A : memref<!tpu.dma_semaphore, #tpu.memory_space<semaphore_mem>>)
      %dma_wait3A_11 = arith.constant 0 : i32
      %dma_wait3A_12 = tpu.memref_slice %arg2[%mul3A_2, %dma_wait3A_11] : memref<4096x768xf32, #tpu.memory_space<hbm>> -> memref<128x768xf32, #tpu.memory_space<hbm>>
      %dma_wait3A_13 = arith.constant 0 : i32
      %dma_wait3A_14 = tpu.memref_slice %arg2[%mul3A_2, %dma_wait3A_13] : memref<4096x768xf32, #tpu.memory_space<hbm>> -> memref<128x768xf32, #tpu.memory_space<hbm>>
      tpu.wait_dma2 semaphore(%run_scoped3A : memref<!tpu.dma_semaphore, #tpu.memory_space<semaphore_mem>>) src(%dma_wait3A_14 : memref<128x768xf32, #tpu.memory_space<hbm>>) dst(%arg6 : memref<128x768xf32, #tpu.memory_space<vmem>>)
      tpu.yield
    }) : () -> ()
    %dma_start3A = arith.constant 0 : i32
    %dma_start3A_3 = arith.constant 0 : i32
    %dma_start3A_4 = tpu.memref_slice %arg4[%dma_start3A, %dma_start3A_3] : memref<5128x768xf32, #tpu.memory_space<hbm>> -> memref<5128x768xf32, #tpu.memory_space<hbm>>
    tpu.enqueue_indirect_dma source(%arg6 : memref<128x768xf32, #tpu.memory_space<vmem>>) target(%dma_start3A_4 : memref<5128x768xf32, #tpu.memory_space<hbm>>) offsets(%arg5 : memref<128xi32, #tpu.memory_space<vmem>>) semaphore(%arg7 : memref<!tpu.dma_semaphore, #tpu.memory_space<semaphore_mem>>)
    %dma_wait3A = arith.constant 0 : i32
    %dma_wait3A_5 = arith.constant 0 : i32
    %dma_wait3A_6 = tpu.memref_slice %arg4[%dma_wait3A, %dma_wait3A_5] : memref<5128x768xf32, #tpu.memory_space<hbm>> -> memref<5128x768xf32, #tpu.memory_space<hbm>>
    tpu.wait_indirect_dma semaphore(%arg7 : memref<!tpu.dma_semaphore, #tpu.memory_space<semaphore_mem>>) src(%arg6 : memref<128x768xf32, #tpu.memory_space<vmem>>) dst(%dma_wait3A_6 : memref<5128x768xf32, #tpu.memory_space<hbm>>)
    return
  }
}

module attributes {stable_mosaic.version = 14 : i64} {
  func.func @_conv_ln_body(%arg0: i32, %arg1: memref<1x2048x768xf32, #tpu.memory_space<vmem>>, %arg2: memref<3x768xf32, #tpu.memory_space<vmem>>, %arg3: memref<1x768xf32, #tpu.memory_space<vmem>>, %arg4: memref<1x768xf32, #tpu.memory_space<vmem>>, %arg5: memref<1x2048x768xf32, #tpu.memory_space<vmem>>, %arg6: memref<1x2048x768xbf16, #tpu.memory_space<vmem>>) attributes {dimension_semantics = [#tpu.dimension_semantics<arbitrary>], iteration_bounds = array<i64: 2>, scalar_prefetch = 0 : i64, scratch_operands = 0 : i64, tpu.core_type = #tpu.core_type<tc>, window_params = [{transform_indices = @transform_0, window_bounds = array<i64: 1, 2048, 768>}, {pipeline_mode = #tpu.pipeline_mode<synchronous>, transform_indices = @transform_1, window_bounds = array<i64: 3, 768>}, {pipeline_mode = #tpu.pipeline_mode<synchronous>, transform_indices = @transform_2, window_bounds = array<i64: 1, 768>}, {pipeline_mode = #tpu.pipeline_mode<synchronous>, transform_indices = @transform_3, window_bounds = array<i64: 1, 768>}, {transform_indices = @transform_4, window_bounds = array<i64: 1, 2048, 768>}, {transform_indices = @transform_5, window_bounds = array<i64: 1, 2048, 768>}]} {
    %get3A = arith.constant 0 : index
    %get3A_0 = arith.constant 0 : index
    %get3A_1 = arith.constant 0 : index
    %get3A_2 = vector.load %arg1[%get3A, %get3A_0, %get3A_1] : memref<1x2048x768xf32, #tpu.memory_space<vmem>>, vector<1x2048x768xf32>
    %get3A_3 = vector.shape_cast %get3A_2 : vector<1x2048x768xf32> to vector<2048x768xf32>
    %broadcast_in_dim3A = arith.constant 0.000000e+00 : f32
    %broadcast_in_dim3A_4 = vector.broadcast %broadcast_in_dim3A : f32 to vector<1x768xf32>
    %get3A_5 = arith.constant 0 : index
    %get3A_6 = arith.constant 0 : index
    %get3A_7 = vector.load %arg2[%get3A_5, %get3A_6] : memref<3x768xf32, #tpu.memory_space<vmem>>, vector<3x768xf32>
    %slice3A = vector.extract_strided_slice %get3A_3 {offsets = [0, 0], sizes = [2047, 768], strides = [1, 1]} : vector<2048x768xf32> to vector<2047x768xf32>
    %concatenate3A = tpu.concatenate %broadcast_in_dim3A_4, %slice3A in 0 : vector<1x768xf32>, vector<2047x768xf32> -> vector<2048x768xf32>
    %slice3A_8 = vector.extract_strided_slice %get3A_3 {offsets = [1, 0], sizes = [2047, 768], strides = [1, 1]} : vector<2048x768xf32> to vector<2047x768xf32>
    %concatenate3A_9 = tpu.concatenate %slice3A_8, %broadcast_in_dim3A_4 in 0 : vector<2047x768xf32>, vector<1x768xf32> -> vector<2048x768xf32>
    %slice3A_10 = vector.extract_strided_slice %get3A_7 {offsets = [0, 0], sizes = [1, 768], strides = [1, 1]} : vector<3x768xf32> to vector<1x768xf32>
    %mul3A = vector.broadcast %slice3A_10 : vector<1x768xf32> to vector<2048x768xf32>
    %mul3A_11 = arith.mulf %concatenate3A, %mul3A : vector<2048x768xf32>
    %add3A = arith.addf %get3A_3, %mul3A_11 : vector<2048x768xf32>
    %slice3A_12 = vector.extract_strided_slice %get3A_7 {offsets = [1, 0], sizes = [1, 768], strides = [1, 1]} : vector<3x768xf32> to vector<1x768xf32>
    %mul3A_13 = vector.broadcast %slice3A_12 : vector<1x768xf32> to vector<2048x768xf32>
    %mul3A_14 = arith.mulf %get3A_3, %mul3A_13 : vector<2048x768xf32>
    %add3A_15 = arith.addf %add3A, %mul3A_14 : vector<2048x768xf32>
    %slice3A_16 = vector.extract_strided_slice %get3A_7 {offsets = [2, 0], sizes = [1, 768], strides = [1, 1]} : vector<3x768xf32> to vector<1x768xf32>
    %mul3A_17 = vector.broadcast %slice3A_16 : vector<1x768xf32> to vector<2048x768xf32>
    %mul3A_18 = arith.mulf %concatenate3A_9, %mul3A_17 : vector<2048x768xf32>
    %add3A_19 = arith.addf %add3A_15, %mul3A_18 : vector<2048x768xf32>
    %swap3A = arith.constant 0 : index
    %swap3A_20 = arith.constant 0 : index
    %swap3A_21 = arith.constant 0 : index
    %swap3A_22 = vector.load %arg5[%swap3A, %swap3A_20, %swap3A_21] : memref<1x2048x768xf32, #tpu.memory_space<vmem>>, vector<1x2048x768xf32>
    %swap3A_23 = vector.shape_cast %swap3A_22 : vector<1x2048x768xf32> to vector<2048x768xf32>
    %swap3A_24 = vector.shape_cast %add3A_19 : vector<2048x768xf32> to vector<1x2048x768xf32>
    tpu.vector_store %arg5[%swap3A, %swap3A_20, %swap3A_21], %swap3A_24 {strides = array<i32>} : memref<1x2048x768xf32, #tpu.memory_space<vmem>>, vector<1x2048x768xf32>,
    %reduce_sum3A = arith.constant dense<0.000000e+00> : vector<2048xf32>
    %reduce_sum3A_25 = vector.multi_reduction <add>, %add3A_19, %reduce_sum3A [1] : vector<2048x768xf32> to vector<2048xf32>
    %broadcast_in_dim3A_26 = vector.shape_cast %reduce_sum3A_25 : vector<2048xf32> to vector<2048x1xf32>
    %div3A = arith.constant 7.680000e+02 : f32
    %div3A_27 = vector.broadcast %div3A : f32 to vector<2048x1xf32>
    %div3A_28 = arith.divf %broadcast_in_dim3A_26, %div3A_27 : vector<2048x1xf32>
    %sub3A = vector.broadcast %div3A_28 : vector<2048x1xf32> to vector<2048x768xf32>
    %sub3A_29 = arith.subf %add3A_19, %sub3A : vector<2048x768xf32>
    %integer_pow3A = arith.mulf %sub3A_29, %sub3A_29 : vector<2048x768xf32>
    %reduce_sum3A_30 = arith.constant dense<0.000000e+00> : vector<2048xf32>
    %reduce_sum3A_31 = vector.multi_reduction <add>, %integer_pow3A, %reduce_sum3A_30 [1] : vector<2048x768xf32> to vector<2048xf32>
    %broadcast_in_dim3A_32 = vector.shape_cast %reduce_sum3A_31 : vector<2048xf32> to vector<2048x1xf32>
    %div3A_33 = arith.constant 7.680000e+02 : f32
    %div3A_34 = vector.broadcast %div3A_33 : f32 to vector<2048x1xf32>
    %div3A_35 = arith.divf %broadcast_in_dim3A_32, %div3A_34 : vector<2048x1xf32>
    %sub3A_36 = vector.broadcast %div3A_28 : vector<2048x1xf32> to vector<2048x768xf32>
    %sub3A_37 = arith.subf %add3A_19, %sub3A_36 : vector<2048x768xf32>
    %add3A_38 = arith.constant 9.99999974E-6 : f32
    %add3A_39 = vector.broadcast %add3A_38 : f32 to vector<2048x1xf32>
    %add3A_40 = arith.addf %div3A_35, %add3A_39 : vector<2048x1xf32>
    %rsqrt3A = math.rsqrt %add3A_40 : vector<2048x1xf32>
    %mul3A_41 = vector.broadcast %rsqrt3A : vector<2048x1xf32> to vector<2048x768xf32>
    %mul3A_42 = arith.mulf %sub3A_37, %mul3A_41 : vector<2048x768xf32>
    %get3A_43 = arith.constant 0 : index
    %get3A_44 = arith.constant 0 : index
    %get3A_45 = vector.load %arg3[%get3A_43, %get3A_44] : memref<1x768xf32, #tpu.memory_space<vmem>>, vector<1x768xf32>
    %mul3A_46 = vector.broadcast %get3A_45 : vector<1x768xf32> to vector<2048x768xf32>
    %mul3A_47 = arith.mulf %mul3A_42, %mul3A_46 : vector<2048x768xf32>
    %get3A_48 = arith.constant 0 : index
    %get3A_49 = arith.constant 0 : index
    %get3A_50 = vector.load %arg4[%get3A_48, %get3A_49] : memref<1x768xf32, #tpu.memory_space<vmem>>, vector<1x768xf32>
    %add3A_51 = vector.broadcast %get3A_50 : vector<1x768xf32> to vector<2048x768xf32>
    %add3A_52 = arith.addf %mul3A_47, %add3A_51 : vector<2048x768xf32>
    %convert_element_type3A = arith.truncf %add3A_52 : vector<2048x768xf32> to vector<2048x768xbf16>
    %swap3A_53 = arith.constant 0 : index
    %swap3A_54 = arith.constant 0 : index
    %swap3A_55 = arith.constant 0 : index
    %swap3A_56 = vector.load %arg6[%swap3A_53, %swap3A_54, %swap3A_55] : memref<1x2048x768xbf16, #tpu.memory_space<vmem>>, vector<1x2048x768xbf16>
    %swap3A_57 = vector.shape_cast %swap3A_56 : vector<1x2048x768xbf16> to vector<2048x768xbf16>
    %swap3A_58 = vector.shape_cast %convert_element_type3A : vector<2048x768xbf16> to vector<1x2048x768xbf16>
    tpu.vector_store %arg6[%swap3A_53, %swap3A_54, %swap3A_55], %swap3A_58 {strides = array<i32>} : memref<1x2048x768xbf16, #tpu.memory_space<vmem>>, vector<1x2048x768xbf16>,
    return
  }
  func.func @transform_0(%arg0: i32) -> (i32, i32, i32) {
    %c0_i32 = arith.constant 0 : i32
    %c0_i32_0 = arith.constant 0 : i32
    %c0_i32_1 = arith.constant 0 : i32
    return %arg0, %c0_i32, %c0_i32_0 : i32, i32, i32
  }
  func.func @transform_1(%arg0: i32) -> (i32, i32) {
    %c0_i32 = arith.constant 0 : i32
    %c0_i32_0 = arith.constant 0 : i32
    %c0_i32_1 = arith.constant 0 : i32
    return %c0_i32, %c0_i32_0 : i32, i32
  }
  func.func @transform_2(%arg0: i32) -> (i32, i32) {
    %c0_i32 = arith.constant 0 : i32
    %c0_i32_0 = arith.constant 0 : i32
    %c0_i32_1 = arith.constant 0 : i32
    return %c0_i32, %c0_i32_0 : i32, i32
  }
  func.func @transform_3(%arg0: i32) -> (i32, i32) {
    %c0_i32 = arith.constant 0 : i32
    %c0_i32_0 = arith.constant 0 : i32
    %c0_i32_1 = arith.constant 0 : i32
    return %c0_i32, %c0_i32_0 : i32, i32
  }
  func.func @transform_4(%arg0: i32) -> (i32, i32, i32) {
    %c0_i32 = arith.constant 0 : i32
    %c0_i32_0 = arith.constant 0 : i32
    %c0_i32_1 = arith.constant 0 : i32
    return %arg0, %c0_i32, %c0_i32_0 : i32, i32, i32
  }
  func.func @transform_5(%arg0: i32) -> (i32, i32, i32) {
    %c0_i32 = arith.constant 0 : i32
    %c0_i32_0 = arith.constant 0 : i32
    %c0_i32_1 = arith.constant 0 : i32
    return %arg0, %c0_i32, %c0_i32_0 : i32, i32, i32
  }
}

module attributes {stable_mosaic.version = 14 : i64} {
  func.func @_qkv_attn_body(%arg0: i32, %arg1: memref<1x2048x768xbf16, #tpu.memory_space<vmem>>, %arg2: memref<768x768xf32, #tpu.memory_space<vmem>>, %arg3: memref<1x768xf32, #tpu.memory_space<vmem>>, %arg4: memref<768x768xf32, #tpu.memory_space<vmem>>, %arg5: memref<1x768xf32, #tpu.memory_space<vmem>>, %arg6: memref<768x768xf32, #tpu.memory_space<vmem>>, %arg7: memref<1x768xf32, #tpu.memory_space<vmem>>, %arg8: memref<1x2048x768xbf16, #tpu.memory_space<vmem>>) attributes {dimension_semantics = [#tpu.dimension_semantics<arbitrary>], iteration_bounds = array<i64: 2>, scalar_prefetch = 0 : i64, scratch_operands = 0 : i64, tpu.core_type = #tpu.core_type<tc>, window_params = [{transform_indices = @transform_0, window_bounds = array<i64: 1, 2048, 768>}, {pipeline_mode = #tpu.pipeline_mode<synchronous>, transform_indices = @transform_1, window_bounds = array<i64: 768, 768>}, {pipeline_mode = #tpu.pipeline_mode<synchronous>, transform_indices = @transform_2, window_bounds = array<i64: 1, 768>}, {pipeline_mode = #tpu.pipeline_mode<synchronous>, transform_indices = @transform_3, window_bounds = array<i64: 768, 768>}, {pipeline_mode = #tpu.pipeline_mode<synchronous>, transform_indices = @transform_4, window_bounds = array<i64: 1, 768>}, {pipeline_mode = #tpu.pipeline_mode<synchronous>, transform_indices = @transform_5, window_bounds = array<i64: 768, 768>}, {pipeline_mode = #tpu.pipeline_mode<synchronous>, transform_indices = @transform_6, window_bounds = array<i64: 1, 768>}, {transform_indices = @transform_7, window_bounds = array<i64: 1, 2048, 768>}]} {
    %get3A = arith.constant 0 : index
    %get3A_0 = arith.constant 0 : index
    %get3A_1 = arith.constant 0 : index
    %get3A_2 = vector.load %arg1[%get3A, %get3A_0, %get3A_1] : memref<1x2048x768xbf16, #tpu.memory_space<vmem>>, vector<1x2048x768xbf16>
    %get3A_3 = vector.shape_cast %get3A_2 : vector<1x2048x768xbf16> to vector<2048x768xbf16>
    %iota3A = tpu.iota {dimensions = array<i32: 1>} : vector<256x2048xi32>
    %iota3A_4 = tpu.iota {dimensions = array<i32: 0>} : vector<256x2048xi32>
    %jit3A = arith.constant 8 : i32
    %div3A = vector.broadcast %jit3A : i32 to vector<256x2048xi32>
    %div3A_5 = arith.divsi %iota3A, %div3A : vector<256x2048xi32>
    %sign3A = arith.constant 0 : i32
    %sign3A_6 = vector.broadcast %sign3A : i32 to vector<256x2048xi32>
    %sign3A_7 = arith.cmpi sgt, %iota3A, %sign3A_6 : vector<256x2048xi32>
    %sign3A_8 = arith.extui %sign3A_7 : vector<256x2048xi1> to vector<256x2048xi32>
    %sign3A_9 = arith.constant 0 : i32
    %sign3A_10 = vector.broadcast %sign3A_9 : i32 to vector<256x2048xi32>
    %sign3A_11 = arith.cmpi slt, %iota3A, %sign3A_10 : vector<256x2048xi32>
    %sign3A_12 = arith.extui %sign3A_11 : vector<256x2048xi1> to vector<256x2048xi32>
    %sign3A_13 = arith.subi %sign3A_8, %sign3A_12 : vector<256x2048xi32>
    %sign3A_14 = arith.constant 0 : i32
    %sign3A_15 = arith.cmpi sgt, %jit3A, %sign3A_14 : i32
    %sign3A_16 = arith.extui %sign3A_15 : i1 to i32
    %sign3A_17 = arith.constant 0 : i32
    %sign3A_18 = arith.cmpi slt, %jit3A, %sign3A_17 : i32
    %sign3A_19 = arith.extui %sign3A_18 : i1 to i32
    %sign3A_20 = arith.subi %sign3A_16, %sign3A_19 : i32
    %ne3A = vector.broadcast %sign3A_20 : i32 to vector<256x2048xi32>
    %ne3A_21 = arith.cmpi ne, %sign3A_13, %ne3A : vector<256x2048xi32>
    %rem3A = vector.broadcast %jit3A : i32 to vector<256x2048xi32>
    %rem3A_22 = arith.remsi %iota3A, %rem3A : vector<256x2048xi32>
    %ne3A_23 = arith.constant 0 : i32
    %ne3A_24 = vector.broadcast %ne3A_23 : i32 to vector<256x2048xi32>
    %ne3A_25 = arith.cmpi ne, %rem3A_22, %ne3A_24 : vector<256x2048xi32>
    %and3A = arith.andi %ne3A_21, %ne3A_25 : vector<256x2048xi1>
    %sub3A = arith.constant 1 : i32
    %sub3A_26 = vector.broadcast %sub3A : i32 to vector<256x2048xi32>
    %sub3A_27 = arith.subi %div3A_5, %sub3A_26 : vector<256x2048xi32>
    %select_n3A = arith.select %and3A, %sub3A_27, %div3A_5 : vector<256x2048xi1>, vector<256x2048xi32>
    %eq3A = arith.cmpi eq, %select_n3A, %iota3A_4 : vector<256x2048xi32>
    %jit3A_28 = arith.constant 1.250000e-01 : f32
    %jit3A_29 = arith.constant 0.000000e+00 : f32
    %broadcast_in_dim3A = vector.broadcast %jit3A_28 : f32 to vector<256x2048xf32>
    %broadcast_in_dim3A_30 = vector.broadcast %jit3A_29 : f32 to vector<256x2048xf32>
    %select_n3A_31 = arith.select %eq3A, %broadcast_in_dim3A, %broadcast_in_dim3A_30 : vector<256x2048xi1>, vector<256x2048xf32>
    %convert_element_type3A = arith.truncf %select_n3A_31 : vector<256x2048xf32> to vector<256x2048xbf16>
    %dot_general3A = arith.constant dense<0.000000e+00> : vector<256x768xf32>
    %dot_general3A_32 = tpu.matmul %convert_element_type3A, %get3A_3, %dot_general3A {dimension_numbers = #tpu.dot_dimension_numbers<[1], [0], [0], [1], [0, 0, 1, 1], [], []>, transpose_lhs_hint = false} : vector<256x2048xbf16>, vector<2048x768xbf16>, vector<256x768xf32> -> vector<256x768xf32>
    %convert_element_type3A_33 = arith.truncf %dot_general3A_32 : vector<256x768xf32> to vector<256x768xbf16>
    %get3A_34 = arith.constant 0 : index
    %get3A_35 = arith.constant 0 : index
    %get3A_36 = vector.load %arg2[%get3A_34, %get3A_35] : memref<768x768xf32, #tpu.memory_space<vmem>>, vector<768x768xf32>
    %convert_element_type3A_37 = arith.truncf %get3A_36 : vector<768x768xf32> to vector<768x768xbf16>
    %dot_general3A_38 = arith.constant dense<0.000000e+00> : vector<2048x768xf32>
    %dot_general3A_39 = tpu.matmul %get3A_3, %convert_element_type3A_37, %dot_general3A_38 {dimension_numbers = #tpu.dot_dimension_numbers<[1], [0], [0], [1], [0, 0, 1, 1], [], []>, transpose_lhs_hint = false} : vector<2048x768xbf16>, vector<768x768xbf16>, vector<2048x768xf32> -> vector<2048x768xf32>
    %get3A_40 = arith.constant 0 : index
    %get3A_41 = arith.constant 0 : index
    %get3A_42 = vector.load %arg3[%get3A_40, %get3A_41] : memref<1x768xf32, #tpu.memory_space<vmem>>, vector<1x768xf32>
    %add3A = vector.broadcast %get3A_42 : vector<1x768xf32> to vector<2048x768xf32>
    %add3A_43 = arith.addf %dot_general3A_39, %add3A : vector<2048x768xf32>
    %convert_element_type3A_44 = arith.truncf %add3A_43 : vector<2048x768xf32> to vector<2048x768xbf16>
    %get3A_45 = arith.constant 0 : index
    %get3A_46 = arith.constant 0 : index
    %get3A_47 = vector.load %arg4[%get3A_45, %get3A_46] : memref<768x768xf32, #tpu.memory_space<vmem>>, vector<768x768xf32>
    %convert_element_type3A_48 = arith.truncf %get3A_47 : vector<768x768xf32> to vector<768x768xbf16>
    %dot_general3A_49 = arith.constant dense<0.000000e+00> : vector<256x768xf32>
    %dot_general3A_50 = tpu.matmul %convert_element_type3A_33, %convert_element_type3A_48, %dot_general3A_49 {dimension_numbers = #tpu.dot_dimension_numbers<[1], [0], [0], [1], [0, 0, 1, 1], [], []>, transpose_lhs_hint = false} : vector<256x768xbf16>, vector<768x768xbf16>, vector<256x768xf32> -> vector<256x768xf32>
    %get3A_51 = arith.constant 0 : index
    %get3A_52 = arith.constant 0 : index
    %get3A_53 = vector.load %arg5[%get3A_51, %get3A_52] : memref<1x768xf32, #tpu.memory_space<vmem>>, vector<1x768xf32>
    %add3A_54 = vector.broadcast %get3A_53 : vector<1x768xf32> to vector<256x768xf32>
    %add3A_55 = arith.addf %dot_general3A_50, %add3A_54 : vector<256x768xf32>
    %convert_element_type3A_56 = arith.truncf %add3A_55 : vector<256x768xf32> to vector<256x768xbf16>
    %get3A_57 = arith.constant 0 : index
    %get3A_58 = arith.constant 0 : index
    %get3A_59 = vector.load %arg6[%get3A_57, %get3A_58] : memref<768x768xf32, #tpu.memory_space<vmem>>, vector<768x768xf32>
    %convert_element_type3A_60 = arith.truncf %get3A_59 : vector<768x768xf32> to vector<768x768xbf16>
    %dot_general3A_61 = arith.constant dense<0.000000e+00> : vector<256x768xf32>
    %dot_general3A_62 = tpu.matmul %convert_element_type3A_33, %convert_element_type3A_60, %dot_general3A_61 {dimension_numbers = #tpu.dot_dimension_numbers<[1], [0], [0], [1], [0, 0, 1, 1], [], []>, transpose_lhs_hint = false} : vector<256x768xbf16>, vector<768x768xbf16>, vector<256x768xf32> -> vector<256x768xf32>
    %get3A_63 = arith.constant 0 : index
    %get3A_64 = arith.constant 0 : index
    %get3A_65 = vector.load %arg7[%get3A_63, %get3A_64] : memref<1x768xf32, #tpu.memory_space<vmem>>, vector<1x768xf32>
    %add3A_66 = vector.broadcast %get3A_65 : vector<1x768xf32> to vector<256x768xf32>
    %add3A_67 = arith.addf %dot_general3A_62, %add3A_66 : vector<256x768xf32>
    %convert_element_type3A_68 = arith.truncf %add3A_67 : vector<256x768xf32> to vector<256x768xbf16>
    %broadcast_in_dim3A_69 = arith.constant 1.000000e+00 : bf16
    %broadcast_in_dim3A_70 = vector.broadcast %broadcast_in_dim3A_69 : bf16 to vector<256x64xbf16>
    %slice3A = vector.extract_strided_slice %convert_element_type3A_44 {offsets = [0, 0], sizes = [2048, 64], strides = [1, 1]} : vector<2048x768xbf16> to vector<2048x64xbf16>
    %slice3A_71 = vector.extract_strided_slice %convert_element_type3A_56 {offsets = [0, 0], sizes = [256, 64], strides = [1, 1]} : vector<256x768xbf16> to vector<256x64xbf16>
    %slice3A_72 = vector.extract_strided_slice %convert_element_type3A_68 {offsets = [0, 0], sizes = [256, 64], strides = [1, 1]} : vector<256x768xbf16> to vector<256x64xbf16>
    %dot_general3A_73 = arith.constant dense<0.000000e+00> : vector<2048x256xf32>
    %dot_general3A_74 = tpu.matmul %slice3A, %slice3A_71, %dot_general3A_73 {dimension_numbers = #tpu.dot_dimension_numbers<[1], [1], [0], [0], [0, 0, 1, 0], [], []>, transpose_lhs_hint = false} : vector<2048x64xbf16>, vector<256x64xbf16>, vector<2048x256xf32> -> vector<2048x256xf32>
    %mul3A = arith.constant 1.250000e-01 : f32
    %mul3A_75 = vector.broadcast %mul3A : f32 to vector<2048x256xf32>
    %mul3A_76 = arith.mulf %dot_general3A_74, %mul3A_75 : vector<2048x256xf32>
    %exp3A = math.exp %mul3A_76 : vector<2048x256xf32>
    %convert_element_type3A_77 = arith.truncf %exp3A : vector<2048x256xf32> to vector<2048x256xbf16>
    %concatenate3A = tpu.concatenate %slice3A_72, %broadcast_in_dim3A_70 in 1 : vector<256x64xbf16>, vector<256x64xbf16> -> vector<256x128xbf16>
    %dot_general3A_78 = arith.constant dense<0.000000e+00> : vector<2048x128xf32>
    %dot_general3A_79 = tpu.matmul %convert_element_type3A_77, %concatenate3A, %dot_general3A_78 {dimension_numbers = #tpu.dot_dimension_numbers<[1], [0], [0], [1], [0, 0, 1, 1], [], []>, transpose_lhs_hint = false} : vector<2048x256xbf16>, vector<256x128xbf16>, vector<2048x128xf32> -> vector<2048x128xf32>
    %slice3A_80 = vector.extract_strided_slice %dot_general3A_79 {offsets = [0, 0], sizes = [2048, 64], strides = [1, 1]} : vector<2048x128xf32> to vector<2048x64xf32>
    %slice3A_81 = vector.extract_strided_slice %dot_general3A_79 {offsets = [0, 64], sizes = [2048, 1], strides = [1, 1]} : vector<2048x128xf32> to vector<2048x1xf32>
    %div3A_82 = arith.constant 1.000000e+00 : f32
    %div3A_83 = vector.broadcast %div3A_82 : f32 to vector<2048x1xf32>
    %div3A_84 = arith.divf %div3A_83, %slice3A_81 : vector<2048x1xf32>
    %mul3A_85 = vector.broadcast %div3A_84 : vector<2048x1xf32> to vector<2048x64xf32>
    %mul3A_86 = arith.mulf %slice3A_80, %mul3A_85 : vector<2048x64xf32>
    %convert_element_type3A_87 = arith.truncf %mul3A_86 : vector<2048x64xf32> to vector<2048x64xbf16>
    %swap3A = arith.constant 0 : index
    %swap3A_88 = arith.constant 0 : index
    %swap3A_89 = arith.constant 0 : index
    %swap3A_90 = vector.load %arg8[%swap3A, %swap3A_88, %swap3A_89] : memref<1x2048x768xbf16, #tpu.memory_space<vmem>>, vector<1x2048x64xbf16>
    %swap3A_91 = vector.shape_cast %swap3A_90 : vector<1x2048x64xbf16> to vector<2048x64xbf16>
    %swap3A_92 = vector.shape_cast %convert_element_type3A_87 : vector<2048x64xbf16> to vector<1x2048x64xbf16>
    tpu.vector_store %arg8[%swap3A, %swap3A_88, %swap3A_89], %swap3A_92 {strides = array<i32>} : memref<1x2048x768xbf16, #tpu.memory_space<vmem>>, vector<1x2048x64xbf16>,
    %slice3A_93 = vector.extract_strided_slice %convert_element_type3A_44 {offsets = [0, 64], sizes = [2048, 64], strides = [1, 1]} : vector<2048x768xbf16> to vector<2048x64xbf16>
    %slice3A_94 = vector.extract_strided_slice %convert_element_type3A_56 {offsets = [0, 64], sizes = [256, 64], strides = [1, 1]} : vector<256x768xbf16> to vector<256x64xbf16>
    %slice3A_95 = vector.extract_strided_slice %convert_element_type3A_68 {offsets = [0, 64], sizes = [256, 64], strides = [1, 1]} : vector<256x768xbf16> to vector<256x64xbf16>
    %dot_general3A_96 = arith.constant dense<0.000000e+00> : vector<2048x256xf32>
    %dot_general3A_97 = tpu.matmul %slice3A_93, %slice3A_94, %dot_general3A_96 {dimension_numbers = #tpu.dot_dimension_numbers<[1], [1], [0], [0], [0, 0, 1, 0], [], []>, transpose_lhs_hint = false} : vector<2048x64xbf16>, vector<256x64xbf16>, vector<2048x256xf32> -> vector<2048x256xf32>
    %mul3A_98 = arith.constant 1.250000e-01 : f32
    %mul3A_99 = vector.broadcast %mul3A_98 : f32 to vector<2048x256xf32>
    %mul3A_100 = arith.mulf %dot_general3A_97, %mul3A_99 : vector<2048x256xf32>
    %exp3A_101 = math.exp %mul3A_100 : vector<2048x256xf32>
    %convert_element_type3A_102 = arith.truncf %exp3A_101 : vector<2048x256xf32> to vector<2048x256xbf16>
    %concatenate3A_103 = tpu.concatenate %slice3A_95, %broadcast_in_dim3A_70 in 1 : vector<256x64xbf16>, vector<256x64xbf16> -> vector<256x128xbf16>
    %dot_general3A_104 = arith.constant dense<0.000000e+00> : vector<2048x128xf32>
    %dot_general3A_105 = tpu.matmul %convert_element_type3A_102, %concatenate3A_103, %dot_general3A_104 {dimension_numbers = #tpu.dot_dimension_numbers<[1], [0], [0], [1], [0, 0, 1, 1], [], []>, transpose_lhs_hint = false} : vector<2048x256xbf16>, vector<256x128xbf16>, vector<2048x128xf32> -> vector<2048x128xf32>
    %slice3A_106 = vector.extract_strided_slice %dot_general3A_105 {offsets = [0, 0], sizes = [2048, 64], strides = [1, 1]} : vector<2048x128xf32> to vector<2048x64xf32>
    %slice3A_107 = vector.extract_strided_slice %dot_general3A_105 {offsets = [0, 64], sizes = [2048, 1], strides = [1, 1]} : vector<2048x128xf32> to vector<2048x1xf32>
    %div3A_108 = arith.constant 1.000000e+00 : f32
    %div3A_109 = vector.broadcast %div3A_108 : f32 to vector<2048x1xf32>
    %div3A_110 = arith.divf %div3A_109, %slice3A_107 : vector<2048x1xf32>
    %mul3A_111 = vector.broadcast %div3A_110 : vector<2048x1xf32> to vector<2048x64xf32>
    %mul3A_112 = arith.mulf %slice3A_106, %mul3A_111 : vector<2048x64xf32>
    %convert_element_type3A_113 = arith.truncf %mul3A_112 : vector<2048x64xf32> to vector<2048x64xbf16>
    %swap3A_114 = arith.constant 0 : index
    %swap3A_115 = arith.constant 0 : index
    %swap3A_116 = arith.constant 64 : index
    %swap3A_117 = vector.load %arg8[%swap3A_114, %swap3A_115, %swap3A_116] : memref<1x2048x768xbf16, #tpu.memory_space<vmem>>, vector<1x2048x64xbf16>
    %swap3A_118 = vector.shape_cast %swap3A_117 : vector<1x2048x64xbf16> to vector<2048x64xbf16>
    %swap3A_119 = vector.shape_cast %convert_element_type3A_113 : vector<2048x64xbf16> to vector<1x2048x64xbf16>
    tpu.vector_store %arg8[%swap3A_114, %swap3A_115, %swap3A_116], %swap3A_119 {strides = array<i32>} : memref<1x2048x768xbf16, #tpu.memory_space<vmem>>, vector<1x2048x64xbf16>,
    %slice3A_120 = vector.extract_strided_slice %convert_element_type3A_44 {offsets = [0, 128], sizes = [2048, 64], strides = [1, 1]} : vector<2048x768xbf16> to vector<2048x64xbf16>
    %slice3A_121 = vector.extract_strided_slice %convert_element_type3A_56 {offsets = [0, 128], sizes = [256, 64], strides = [1, 1]} : vector<256x768xbf16> to vector<256x64xbf16>
    %slice3A_122 = vector.extract_strided_slice %convert_element_type3A_68 {offsets = [0, 128], sizes = [256, 64], strides = [1, 1]} : vector<256x768xbf16> to vector<256x64xbf16>
    %dot_general3A_123 = arith.constant dense<0.000000e+00> : vector<2048x256xf32>
    %dot_general3A_124 = tpu.matmul %slice3A_120, %slice3A_121, %dot_general3A_123 {dimension_numbers = #tpu.dot_dimension_numbers<[1], [1], [0], [0], [0, 0, 1, 0], [], []>, transpose_lhs_hint = false} : vector<2048x64xbf16>, vector<256x64xbf16>, vector<2048x256xf32> -> vector<2048x256xf32>
    %mul3A_125 = arith.constant 1.250000e-01 : f32
    %mul3A_126 = vector.broadcast %mul3A_125 : f32 to vector<2048x256xf32>
    %mul3A_127 = arith.mulf %dot_general3A_124, %mul3A_126 : vector<2048x256xf32>
    %exp3A_128 = math.exp %mul3A_127 : vector<2048x256xf32>
    %convert_element_type3A_129 = arith.truncf %exp3A_128 : vector<2048x256xf32> to vector<2048x256xbf16>
    %concatenate3A_130 = tpu.concatenate %slice3A_122, %broadcast_in_dim3A_70 in 1 : vector<256x64xbf16>, vector<256x64xbf16> -> vector<256x128xbf16>
    %dot_general3A_131 = arith.constant dense<0.000000e+00> : vector<2048x128xf32>
    %dot_general3A_132 = tpu.matmul %convert_element_type3A_129, %concatenate3A_130, %dot_general3A_131 {dimension_numbers = #tpu.dot_dimension_numbers<[1], [0], [0], [1], [0, 0, 1, 1], [], []>, transpose_lhs_hint = false} : vector<2048x256xbf16>, vector<256x128xbf16>, vector<2048x128xf32> -> vector<2048x128xf32>
    %slice3A_133 = vector.extract_strided_slice %dot_general3A_132 {offsets = [0, 0], sizes = [2048, 64], strides = [1, 1]} : vector<2048x128xf32> to vector<2048x64xf32>
    %slice3A_134 = vector.extract_strided_slice %dot_general3A_132 {offsets = [0, 64], sizes = [2048, 1], strides = [1, 1]} : vector<2048x128xf32> to vector<2048x1xf32>
    %div3A_135 = arith.constant 1.000000e+00 : f32
    %div3A_136 = vector.broadcast %div3A_135 : f32 to vector<2048x1xf32>
    %div3A_137 = arith.divf %div3A_136, %slice3A_134 : vector<2048x1xf32>
    %mul3A_138 = vector.broadcast %div3A_137 : vector<2048x1xf32> to vector<2048x64xf32>
    %mul3A_139 = arith.mulf %slice3A_133, %mul3A_138 : vector<2048x64xf32>
    %convert_element_type3A_140 = arith.truncf %mul3A_139 : vector<2048x64xf32> to vector<2048x64xbf16>
    %swap3A_141 = arith.constant 0 : index
    %swap3A_142 = arith.constant 0 : index
    %swap3A_143 = arith.constant 128 : index
    %swap3A_144 = vector.load %arg8[%swap3A_141, %swap3A_142, %swap3A_143] : memref<1x2048x768xbf16, #tpu.memory_space<vmem>>, vector<1x2048x64xbf16>
    %swap3A_145 = vector.shape_cast %swap3A_144 : vector<1x2048x64xbf16> to vector<2048x64xbf16>
    %swap3A_146 = vector.shape_cast %convert_element_type3A_140 : vector<2048x64xbf16> to vector<1x2048x64xbf16>
    tpu.vector_store %arg8[%swap3A_141, %swap3A_142, %swap3A_143], %swap3A_146 {strides = array<i32>} : memref<1x2048x768xbf16, #tpu.memory_space<vmem>>, vector<1x2048x64xbf16>,
    %slice3A_147 = vector.extract_strided_slice %convert_element_type3A_44 {offsets = [0, 192], sizes = [2048, 64], strides = [1, 1]} : vector<2048x768xbf16> to vector<2048x64xbf16>
    %slice3A_148 = vector.extract_strided_slice %convert_element_type3A_56 {offsets = [0, 192], sizes = [256, 64], strides = [1, 1]} : vector<256x768xbf16> to vector<256x64xbf16>
    %slice3A_149 = vector.extract_strided_slice %convert_element_type3A_68 {offsets = [0, 192], sizes = [256, 64], strides = [1, 1]} : vector<256x768xbf16> to vector<256x64xbf16>
    %dot_general3A_150 = arith.constant dense<0.000000e+00> : vector<2048x256xf32>
    %dot_general3A_151 = tpu.matmul %slice3A_147, %slice3A_148, %dot_general3A_150 {dimension_numbers = #tpu.dot_dimension_numbers<[1], [1], [0], [0], [0, 0, 1, 0], [], []>, transpose_lhs_hint = false} : vector<2048x64xbf16>, vector<256x64xbf16>, vector<2048x256xf32> -> vector<2048x256xf32>
    %mul3A_152 = arith.constant 1.250000e-01 : f32
    %mul3A_153 = vector.broadcast %mul3A_152 : f32 to vector<2048x256xf32>
    %mul3A_154 = arith.mulf %dot_general3A_151, %mul3A_153 : vector<2048x256xf32>
    %exp3A_155 = math.exp %mul3A_154 : vector<2048x256xf32>
    %convert_element_type3A_156 = arith.truncf %exp3A_155 : vector<2048x256xf32> to vector<2048x256xbf16>
    %concatenate3A_157 = tpu.concatenate %slice3A_149, %broadcast_in_dim3A_70 in 1 : vector<256x64xbf16>, vector<256x64xbf16> -> vector<256x128xbf16>
    %dot_general3A_158 = arith.constant dense<0.000000e+00> : vector<2048x128xf32>
    %dot_general3A_159 = tpu.matmul %convert_element_type3A_156, %concatenate3A_157, %dot_general3A_158 {dimension_numbers = #tpu.dot_dimension_numbers<[1], [0], [0], [1], [0, 0, 1, 1], [], []>, transpose_lhs_hint = false} : vector<2048x256xbf16>, vector<256x128xbf16>, vector<2048x128xf32> -> vector<2048x128xf32>
    %slice3A_160 = vector.extract_strided_slice %dot_general3A_159 {offsets = [0, 0], sizes = [2048, 64], strides = [1, 1]} : vector<2048x128xf32> to vector<2048x64xf32>
    %slice3A_161 = vector.extract_strided_slice %dot_general3A_159 {offsets = [0, 64], sizes = [2048, 1], strides = [1, 1]} : vector<2048x128xf32> to vector<2048x1xf32>
    %div3A_162 = arith.constant 1.000000e+00 : f32
    %div3A_163 = vector.broadcast %div3A_162 : f32 to vector<2048x1xf32>
    %div3A_164 = arith.divf %div3A_163, %slice3A_161 : vector<2048x1xf32>
    %mul3A_165 = vector.broadcast %div3A_164 : vector<2048x1xf32> to vector<2048x64xf32>
    %mul3A_166 = arith.mulf %slice3A_160, %mul3A_165 : vector<2048x64xf32>
    %convert_element_type3A_167 = arith.truncf %mul3A_166 : vector<2048x64xf32> to vector<2048x64xbf16>
    %swap3A_168 = arith.constant 0 : index
    %swap3A_169 = arith.constant 0 : index
    %swap3A_170 = arith.constant 192 : index
    %swap3A_171 = vector.load %arg8[%swap3A_168, %swap3A_169, %swap3A_170] : memref<1x2048x768xbf16, #tpu.memory_space<vmem>>, vector<1x2048x64xbf16>
    %swap3A_172 = vector.shape_cast %swap3A_171 : vector<1x2048x64xbf16> to vector<2048x64xbf16>
    %swap3A_173 = vector.shape_cast %convert_element_type3A_167 : vector<2048x64xbf16> to vector<1x2048x64xbf16>
    tpu.vector_store %arg8[%swap3A_168, %swap3A_169, %swap3A_170], %swap3A_173 {strides = array<i32>} : memref<1x2048x768xbf16, #tpu.memory_space<vmem>>, vector<1x2048x64xbf16>,
    %slice3A_174 = vector.extract_strided_slice %convert_element_type3A_44 {offsets = [0, 256], sizes = [2048, 64], strides = [1, 1]} : vector<2048x768xbf16> to vector<2048x64xbf16>
    %slice3A_175 = vector.extract_strided_slice %convert_element_type3A_56 {offsets = [0, 256], sizes = [256, 64], strides = [1, 1]} : vector<256x768xbf16> to vector<256x64xbf16>
    %slice3A_176 = vector.extract_strided_slice %convert_element_type3A_68 {offsets = [0, 256], sizes = [256, 64], strides = [1, 1]} : vector<256x768xbf16> to vector<256x64xbf16>
    %dot_general3A_177 = arith.constant dense<0.000000e+00> : vector<2048x256xf32>
    %dot_general3A_178 = tpu.matmul %slice3A_174, %slice3A_175, %dot_general3A_177 {dimension_numbers = #tpu.dot_dimension_numbers<[1], [1], [0], [0], [0, 0, 1, 0], [], []>, transpose_lhs_hint = false} : vector<2048x64xbf16>, vector<256x64xbf16>, vector<2048x256xf32> -> vector<2048x256xf32>
    %mul3A_179 = arith.constant 1.250000e-01 : f32
    %mul3A_180 = vector.broadcast %mul3A_179 : f32 to vector<2048x256xf32>
    %mul3A_181 = arith.mulf %dot_general3A_178, %mul3A_180 : vector<2048x256xf32>
    %exp3A_182 = math.exp %mul3A_181 : vector<2048x256xf32>
    %convert_element_type3A_183 = arith.truncf %exp3A_182 : vector<2048x256xf32> to vector<2048x256xbf16>
    %concatenate3A_184 = tpu.concatenate %slice3A_176, %broadcast_in_dim3A_70 in 1 : vector<256x64xbf16>, vector<256x64xbf16> -> vector<256x128xbf16>
    %dot_general3A_185 = arith.constant dense<0.000000e+00> : vector<2048x128xf32>
    %dot_general3A_186 = tpu.matmul %convert_element_type3A_183, %concatenate3A_184, %dot_general3A_185 {dimension_numbers = #tpu.dot_dimension_numbers<[1], [0], [0], [1], [0, 0, 1, 1], [], []>, transpose_lhs_hint = false} : vector<2048x256xbf16>, vector<256x128xbf16>, vector<2048x128xf32> -> vector<2048x128xf32>
    %slice3A_187 = vector.extract_strided_slice %dot_general3A_186 {offsets = [0, 0], sizes = [2048, 64], strides = [1, 1]} : vector<2048x128xf32> to vector<2048x64xf32>
    %slice3A_188 = vector.extract_strided_slice %dot_general3A_186 {offsets = [0, 64], sizes = [2048, 1], strides = [1, 1]} : vector<2048x128xf32> to vector<2048x1xf32>
    %div3A_189 = arith.constant 1.000000e+00 : f32
    %div3A_190 = vector.broadcast %div3A_189 : f32 to vector<2048x1xf32>
    %div3A_191 = arith.divf %div3A_190, %slice3A_188 : vector<2048x1xf32>
    %mul3A_192 = vector.broadcast %div3A_191 : vector<2048x1xf32> to vector<2048x64xf32>
    %mul3A_193 = arith.mulf %slice3A_187, %mul3A_192 : vector<2048x64xf32>
    %convert_element_type3A_194 = arith.truncf %mul3A_193 : vector<2048x64xf32> to vector<2048x64xbf16>
    %swap3A_195 = arith.constant 0 : index
    %swap3A_196 = arith.constant 0 : index
    %swap3A_197 = arith.constant 256 : index
    %swap3A_198 = vector.load %arg8[%swap3A_195, %swap3A_196, %swap3A_197] : memref<1x2048x768xbf16, #tpu.memory_space<vmem>>, vector<1x2048x64xbf16>
    %swap3A_199 = vector.shape_cast %swap3A_198 : vector<1x2048x64xbf16> to vector<2048x64xbf16>
    %swap3A_200 = vector.shape_cast %convert_element_type3A_194 : vector<2048x64xbf16> to vector<1x2048x64xbf16>
    tpu.vector_store %arg8[%swap3A_195, %swap3A_196, %swap3A_197], %swap3A_200 {strides = array<i32>} : memref<1x2048x768xbf16, #tpu.memory_space<vmem>>, vector<1x2048x64xbf16>,
    %slice3A_201 = vector.extract_strided_slice %convert_element_type3A_44 {offsets = [0, 320], sizes = [2048, 64], strides = [1, 1]} : vector<2048x768xbf16> to vector<2048x64xbf16>
    %slice3A_202 = vector.extract_strided_slice %convert_element_type3A_56 {offsets = [0, 320], sizes = [256, 64], strides = [1, 1]} : vector<256x768xbf16> to vector<256x64xbf16>
    %slice3A_203 = vector.extract_strided_slice %convert_element_type3A_68 {offsets = [0, 320], sizes = [256, 64], strides = [1, 1]} : vector<256x768xbf16> to vector<256x64xbf16>
    %dot_general3A_204 = arith.constant dense<0.000000e+00> : vector<2048x256xf32>
    %dot_general3A_205 = tpu.matmul %slice3A_201, %slice3A_202, %dot_general3A_204 {dimension_numbers = #tpu.dot_dimension_numbers<[1], [1], [0], [0], [0, 0, 1, 0], [], []>, transpose_lhs_hint = false} : vector<2048x64xbf16>, vector<256x64xbf16>, vector<2048x256xf32> -> vector<2048x256xf32>
    %mul3A_206 = arith.constant 1.250000e-01 : f32
    %mul3A_207 = vector.broadcast %mul3A_206 : f32 to vector<2048x256xf32>
    %mul3A_208 = arith.mulf %dot_general3A_205, %mul3A_207 : vector<2048x256xf32>
    %exp3A_209 = math.exp %mul3A_208 : vector<2048x256xf32>
    %convert_element_type3A_210 = arith.truncf %exp3A_209 : vector<2048x256xf32> to vector<2048x256xbf16>
    %concatenate3A_211 = tpu.concatenate %slice3A_203, %broadcast_in_dim3A_70 in 1 : vector<256x64xbf16>, vector<256x64xbf16> -> vector<256x128xbf16>
    %dot_general3A_212 = arith.constant dense<0.000000e+00> : vector<2048x128xf32>
    %dot_general3A_213 = tpu.matmul %convert_element_type3A_210, %concatenate3A_211, %dot_general3A_212 {dimension_numbers = #tpu.dot_dimension_numbers<[1], [0], [0], [1], [0, 0, 1, 1], [], []>, transpose_lhs_hint = false} : vector<2048x256xbf16>, vector<256x128xbf16>, vector<2048x128xf32> -> vector<2048x128xf32>
    %slice3A_214 = vector.extract_strided_slice %dot_general3A_213 {offsets = [0, 0], sizes = [2048, 64], strides = [1, 1]} : vector<2048x128xf32> to vector<2048x64xf32>
    %slice3A_215 = vector.extract_strided_slice %dot_general3A_213 {offsets = [0, 64], sizes = [2048, 1], strides = [1, 1]} : vector<2048x128xf32> to vector<2048x1xf32>
    %div3A_216 = arith.constant 1.000000e+00 : f32
    %div3A_217 = vector.broadcast %div3A_216 : f32 to vector<2048x1xf32>
    %div3A_218 = arith.divf %div3A_217, %slice3A_215 : vector<2048x1xf32>
    %mul3A_219 = vector.broadcast %div3A_218 : vector<2048x1xf32> to vector<2048x64xf32>
    %mul3A_220 = arith.mulf %slice3A_214, %mul3A_219 : vector<2048x64xf32>
    %convert_element_type3A_221 = arith.truncf %mul3A_220 : vector<2048x64xf32> to vector<2048x64xbf16>
    %swap3A_222 = arith.constant 0 : index
    %swap3A_223 = arith.constant 0 : index
    %swap3A_224 = arith.constant 320 : index
    %swap3A_225 = vector.load %arg8[%swap3A_222, %swap3A_223, %swap3A_224] : memref<1x2048x768xbf16, #tpu.memory_space<vmem>>, vector<1x2048x64xbf16>
    %swap3A_226 = vector.shape_cast %swap3A_225 : vector<1x2048x64xbf16> to vector<2048x64xbf16>
    %swap3A_227 = vector.shape_cast %convert_element_type3A_221 : vector<2048x64xbf16> to vector<1x2048x64xbf16>
    tpu.vector_store %arg8[%swap3A_222, %swap3A_223, %swap3A_224], %swap3A_227 {strides = array<i32>} : memref<1x2048x768xbf16, #tpu.memory_space<vmem>>, vector<1x2048x64xbf16>,
    %slice3A_228 = vector.extract_strided_slice %convert_element_type3A_44 {offsets = [0, 384], sizes = [2048, 64], strides = [1, 1]} : vector<2048x768xbf16> to vector<2048x64xbf16>
    %slice3A_229 = vector.extract_strided_slice %convert_element_type3A_56 {offsets = [0, 384], sizes = [256, 64], strides = [1, 1]} : vector<256x768xbf16> to vector<256x64xbf16>
    %slice3A_230 = vector.extract_strided_slice %convert_element_type3A_68 {offsets = [0, 384], sizes = [256, 64], strides = [1, 1]} : vector<256x768xbf16> to vector<256x64xbf16>
    %dot_general3A_231 = arith.constant dense<0.000000e+00> : vector<2048x256xf32>
    %dot_general3A_232 = tpu.matmul %slice3A_228, %slice3A_229, %dot_general3A_231 {dimension_numbers = #tpu.dot_dimension_numbers<[1], [1], [0], [0], [0, 0, 1, 0], [], []>, transpose_lhs_hint = false} : vector<2048x64xbf16>, vector<256x64xbf16>, vector<2048x256xf32> -> vector<2048x256xf32>
    %mul3A_233 = arith.constant 1.250000e-01 : f32
    %mul3A_234 = vector.broadcast %mul3A_233 : f32 to vector<2048x256xf32>
    %mul3A_235 = arith.mulf %dot_general3A_232, %mul3A_234 : vector<2048x256xf32>
    %exp3A_236 = math.exp %mul3A_235 : vector<2048x256xf32>
    %convert_element_type3A_237 = arith.truncf %exp3A_236 : vector<2048x256xf32> to vector<2048x256xbf16>
    %concatenate3A_238 = tpu.concatenate %slice3A_230, %broadcast_in_dim3A_70 in 1 : vector<256x64xbf16>, vector<256x64xbf16> -> vector<256x128xbf16>
    %dot_general3A_239 = arith.constant dense<0.000000e+00> : vector<2048x128xf32>
    %dot_general3A_240 = tpu.matmul %convert_element_type3A_237, %concatenate3A_238, %dot_general3A_239 {dimension_numbers = #tpu.dot_dimension_numbers<[1], [0], [0], [1], [0, 0, 1, 1], [], []>, transpose_lhs_hint = false} : vector<2048x256xbf16>, vector<256x128xbf16>, vector<2048x128xf32> -> vector<2048x128xf32>
    %slice3A_241 = vector.extract_strided_slice %dot_general3A_240 {offsets = [0, 0], sizes = [2048, 64], strides = [1, 1]} : vector<2048x128xf32> to vector<2048x64xf32>
    %slice3A_242 = vector.extract_strided_slice %dot_general3A_240 {offsets = [0, 64], sizes = [2048, 1], strides = [1, 1]} : vector<2048x128xf32> to vector<2048x1xf32>
    %div3A_243 = arith.constant 1.000000e+00 : f32
    %div3A_244 = vector.broadcast %div3A_243 : f32 to vector<2048x1xf32>
    %div3A_245 = arith.divf %div3A_244, %slice3A_242 : vector<2048x1xf32>
    %mul3A_246 = vector.broadcast %div3A_245 : vector<2048x1xf32> to vector<2048x64xf32>
    %mul3A_247 = arith.mulf %slice3A_241, %mul3A_246 : vector<2048x64xf32>
    %convert_element_type3A_248 = arith.truncf %mul3A_247 : vector<2048x64xf32> to vector<2048x64xbf16>
    %swap3A_249 = arith.constant 0 : index
    %swap3A_250 = arith.constant 0 : index
    %swap3A_251 = arith.constant 384 : index
    %swap3A_252 = vector.load %arg8[%swap3A_249, %swap3A_250, %swap3A_251] : memref<1x2048x768xbf16, #tpu.memory_space<vmem>>, vector<1x2048x64xbf16>
    %swap3A_253 = vector.shape_cast %swap3A_252 : vector<1x2048x64xbf16> to vector<2048x64xbf16>
    %swap3A_254 = vector.shape_cast %convert_element_type3A_248 : vector<2048x64xbf16> to vector<1x2048x64xbf16>
    tpu.vector_store %arg8[%swap3A_249, %swap3A_250, %swap3A_251], %swap3A_254 {strides = array<i32>} : memref<1x2048x768xbf16, #tpu.memory_space<vmem>>, vector<1x2048x64xbf16>,
    %slice3A_255 = vector.extract_strided_slice %convert_element_type3A_44 {offsets = [0, 448], sizes = [2048, 64], strides = [1, 1]} : vector<2048x768xbf16> to vector<2048x64xbf16>
    %slice3A_256 = vector.extract_strided_slice %convert_element_type3A_56 {offsets = [0, 448], sizes = [256, 64], strides = [1, 1]} : vector<256x768xbf16> to vector<256x64xbf16>
    %slice3A_257 = vector.extract_strided_slice %convert_element_type3A_68 {offsets = [0, 448], sizes = [256, 64], strides = [1, 1]} : vector<256x768xbf16> to vector<256x64xbf16>
    %dot_general3A_258 = arith.constant dense<0.000000e+00> : vector<2048x256xf32>
    %dot_general3A_259 = tpu.matmul %slice3A_255, %slice3A_256, %dot_general3A_258 {dimension_numbers = #tpu.dot_dimension_numbers<[1], [1], [0], [0], [0, 0, 1, 0], [], []>, transpose_lhs_hint = false} : vector<2048x64xbf16>, vector<256x64xbf16>, vector<2048x256xf32> -> vector<2048x256xf32>
    %mul3A_260 = arith.constant 1.250000e-01 : f32
    %mul3A_261 = vector.broadcast %mul3A_260 : f32 to vector<2048x256xf32>
    %mul3A_262 = arith.mulf %dot_general3A_259, %mul3A_261 : vector<2048x256xf32>
    %exp3A_263 = math.exp %mul3A_262 : vector<2048x256xf32>
    %convert_element_type3A_264 = arith.truncf %exp3A_263 : vector<2048x256xf32> to vector<2048x256xbf16>
    %concatenate3A_265 = tpu.concatenate %slice3A_257, %broadcast_in_dim3A_70 in 1 : vector<256x64xbf16>, vector<256x64xbf16> -> vector<256x128xbf16>
    %dot_general3A_266 = arith.constant dense<0.000000e+00> : vector<2048x128xf32>
    %dot_general3A_267 = tpu.matmul %convert_element_type3A_264, %concatenate3A_265, %dot_general3A_266 {dimension_numbers = #tpu.dot_dimension_numbers<[1], [0], [0], [1], [0, 0, 1, 1], [], []>, transpose_lhs_hint = false} : vector<2048x256xbf16>, vector<256x128xbf16>, vector<2048x128xf32> -> vector<2048x128xf32>
    %slice3A_268 = vector.extract_strided_slice %dot_general3A_267 {offsets = [0, 0], sizes = [2048, 64], strides = [1, 1]} : vector<2048x128xf32> to vector<2048x64xf32>
    %slice3A_269 = vector.extract_strided_slice %dot_general3A_267 {offsets = [0, 64], sizes = [2048, 1], strides = [1, 1]} : vector<2048x128xf32> to vector<2048x1xf32>
    %div3A_270 = arith.constant 1.000000e+00 : f32
    %div3A_271 = vector.broadcast %div3A_270 : f32 to vector<2048x1xf32>
    %div3A_272 = arith.divf %div3A_271, %slice3A_269 : vector<2048x1xf32>
    %mul3A_273 = vector.broadcast %div3A_272 : vector<2048x1xf32> to vector<2048x64xf32>
    %mul3A_274 = arith.mulf %slice3A_268, %mul3A_273 : vector<2048x64xf32>
    %convert_element_type3A_275 = arith.truncf %mul3A_274 : vector<2048x64xf32> to vector<2048x64xbf16>
    %swap3A_276 = arith.constant 0 : index
    %swap3A_277 = arith.constant 0 : index
    %swap3A_278 = arith.constant 448 : index
    %swap3A_279 = vector.load %arg8[%swap3A_276, %swap3A_277, %swap3A_278] : memref<1x2048x768xbf16, #tpu.memory_space<vmem>>, vector<1x2048x64xbf16>
    %swap3A_280 = vector.shape_cast %swap3A_279 : vector<1x2048x64xbf16> to vector<2048x64xbf16>
    %swap3A_281 = vector.shape_cast %convert_element_type3A_275 : vector<2048x64xbf16> to vector<1x2048x64xbf16>
    tpu.vector_store %arg8[%swap3A_276, %swap3A_277, %swap3A_278], %swap3A_281 {strides = array<i32>} : memref<1x2048x768xbf16, #tpu.memory_space<vmem>>, vector<1x2048x64xbf16>,
    %slice3A_282 = vector.extract_strided_slice %convert_element_type3A_44 {offsets = [0, 512], sizes = [2048, 64], strides = [1, 1]} : vector<2048x768xbf16> to vector<2048x64xbf16>
    %slice3A_283 = vector.extract_strided_slice %convert_element_type3A_56 {offsets = [0, 512], sizes = [256, 64], strides = [1, 1]} : vector<256x768xbf16> to vector<256x64xbf16>
    %slice3A_284 = vector.extract_strided_slice %convert_element_type3A_68 {offsets = [0, 512], sizes = [256, 64], strides = [1, 1]} : vector<256x768xbf16> to vector<256x64xbf16>
    %dot_general3A_285 = arith.constant dense<0.000000e+00> : vector<2048x256xf32>
    %dot_general3A_286 = tpu.matmul %slice3A_282, %slice3A_283, %dot_general3A_285 {dimension_numbers = #tpu.dot_dimension_numbers<[1], [1], [0], [0], [0, 0, 1, 0], [], []>, transpose_lhs_hint = false} : vector<2048x64xbf16>, vector<256x64xbf16>, vector<2048x256xf32> -> vector<2048x256xf32>
    %mul3A_287 = arith.constant 1.250000e-01 : f32
    %mul3A_288 = vector.broadcast %mul3A_287 : f32 to vector<2048x256xf32>
    %mul3A_289 = arith.mulf %dot_general3A_286, %mul3A_288 : vector<2048x256xf32>
    %exp3A_290 = math.exp %mul3A_289 : vector<2048x256xf32>
    %convert_element_type3A_291 = arith.truncf %exp3A_290 : vector<2048x256xf32> to vector<2048x256xbf16>
    %concatenate3A_292 = tpu.concatenate %slice3A_284, %broadcast_in_dim3A_70 in 1 : vector<256x64xbf16>, vector<256x64xbf16> -> vector<256x128xbf16>
    %dot_general3A_293 = arith.constant dense<0.000000e+00> : vector<2048x128xf32>
    %dot_general3A_294 = tpu.matmul %convert_element_type3A_291, %concatenate3A_292, %dot_general3A_293 {dimension_numbers = #tpu.dot_dimension_numbers<[1], [0], [0], [1], [0, 0, 1, 1], [], []>, transpose_lhs_hint = false} : vector<2048x256xbf16>, vector<256x128xbf16>, vector<2048x128xf32> -> vector<2048x128xf32>
    %slice3A_295 = vector.extract_strided_slice %dot_general3A_294 {offsets = [0, 0], sizes = [2048, 64], strides = [1, 1]} : vector<2048x128xf32> to vector<2048x64xf32>
    %slice3A_296 = vector.extract_strided_slice %dot_general3A_294 {offsets = [0, 64], sizes = [2048, 1], strides = [1, 1]} : vector<2048x128xf32> to vector<2048x1xf32>
    %div3A_297 = arith.constant 1.000000e+00 : f32
    %div3A_298 = vector.broadcast %div3A_297 : f32 to vector<2048x1xf32>
    %div3A_299 = arith.divf %div3A_298, %slice3A_296 : vector<2048x1xf32>
    %mul3A_300 = vector.broadcast %div3A_299 : vector<2048x1xf32> to vector<2048x64xf32>
    %mul3A_301 = arith.mulf %slice3A_295, %mul3A_300 : vector<2048x64xf32>
    %convert_element_type3A_302 = arith.truncf %mul3A_301 : vector<2048x64xf32> to vector<2048x64xbf16>
    %swap3A_303 = arith.constant 0 : index
    %swap3A_304 = arith.constant 0 : index
    %swap3A_305 = arith.constant 512 : index
    %swap3A_306 = vector.load %arg8[%swap3A_303, %swap3A_304, %swap3A_305] : memref<1x2048x768xbf16, #tpu.memory_space<vmem>>, vector<1x2048x64xbf16>
    %swap3A_307 = vector.shape_cast %swap3A_306 : vector<1x2048x64xbf16> to vector<2048x64xbf16>
    %swap3A_308 = vector.shape_cast %convert_element_type3A_302 : vector<2048x64xbf16> to vector<1x2048x64xbf16>
    tpu.vector_store %arg8[%swap3A_303, %swap3A_304, %swap3A_305], %swap3A_308 {strides = array<i32>} : memref<1x2048x768xbf16, #tpu.memory_space<vmem>>, vector<1x2048x64xbf16>,
    %slice3A_309 = vector.extract_strided_slice %convert_element_type3A_44 {offsets = [0, 576], sizes = [2048, 64], strides = [1, 1]} : vector<2048x768xbf16> to vector<2048x64xbf16>
    %slice3A_310 = vector.extract_strided_slice %convert_element_type3A_56 {offsets = [0, 576], sizes = [256, 64], strides = [1, 1]} : vector<256x768xbf16> to vector<256x64xbf16>
    %slice3A_311 = vector.extract_strided_slice %convert_element_type3A_68 {offsets = [0, 576], sizes = [256, 64], strides = [1, 1]} : vector<256x768xbf16> to vector<256x64xbf16>
    %dot_general3A_312 = arith.constant dense<0.000000e+00> : vector<2048x256xf32>
    %dot_general3A_313 = tpu.matmul %slice3A_309, %slice3A_310, %dot_general3A_312 {dimension_numbers = #tpu.dot_dimension_numbers<[1], [1], [0], [0], [0, 0, 1, 0], [], []>, transpose_lhs_hint = false} : vector<2048x64xbf16>, vector<256x64xbf16>, vector<2048x256xf32> -> vector<2048x256xf32>
    %mul3A_314 = arith.constant 1.250000e-01 : f32
    %mul3A_315 = vector.broadcast %mul3A_314 : f32 to vector<2048x256xf32>
    %mul3A_316 = arith.mulf %dot_general3A_313, %mul3A_315 : vector<2048x256xf32>
    %exp3A_317 = math.exp %mul3A_316 : vector<2048x256xf32>
    %convert_element_type3A_318 = arith.truncf %exp3A_317 : vector<2048x256xf32> to vector<2048x256xbf16>
    %concatenate3A_319 = tpu.concatenate %slice3A_311, %broadcast_in_dim3A_70 in 1 : vector<256x64xbf16>, vector<256x64xbf16> -> vector<256x128xbf16>
    %dot_general3A_320 = arith.constant dense<0.000000e+00> : vector<2048x128xf32>
    %dot_general3A_321 = tpu.matmul %convert_element_type3A_318, %concatenate3A_319, %dot_general3A_320 {dimension_numbers = #tpu.dot_dimension_numbers<[1], [0], [0], [1], [0, 0, 1, 1], [], []>, transpose_lhs_hint = false} : vector<2048x256xbf16>, vector<256x128xbf16>, vector<2048x128xf32> -> vector<2048x128xf32>
    %slice3A_322 = vector.extract_strided_slice %dot_general3A_321 {offsets = [0, 0], sizes = [2048, 64], strides = [1, 1]} : vector<2048x128xf32> to vector<2048x64xf32>
    %slice3A_323 = vector.extract_strided_slice %dot_general3A_321 {offsets = [0, 64], sizes = [2048, 1], strides = [1, 1]} : vector<2048x128xf32> to vector<2048x1xf32>
    %div3A_324 = arith.constant 1.000000e+00 : f32
    %div3A_325 = vector.broadcast %div3A_324 : f32 to vector<2048x1xf32>
    %div3A_326 = arith.divf %div3A_325, %slice3A_323 : vector<2048x1xf32>
    %mul3A_327 = vector.broadcast %div3A_326 : vector<2048x1xf32> to vector<2048x64xf32>
    %mul3A_328 = arith.mulf %slice3A_322, %mul3A_327 : vector<2048x64xf32>
    %convert_element_type3A_329 = arith.truncf %mul3A_328 : vector<2048x64xf32> to vector<2048x64xbf16>
    %swap3A_330 = arith.constant 0 : index
    %swap3A_331 = arith.constant 0 : index
    %swap3A_332 = arith.constant 576 : index
    %swap3A_333 = vector.load %arg8[%swap3A_330, %swap3A_331, %swap3A_332] : memref<1x2048x768xbf16, #tpu.memory_space<vmem>>, vector<1x2048x64xbf16>
    %swap3A_334 = vector.shape_cast %swap3A_333 : vector<1x2048x64xbf16> to vector<2048x64xbf16>
    %swap3A_335 = vector.shape_cast %convert_element_type3A_329 : vector<2048x64xbf16> to vector<1x2048x64xbf16>
    tpu.vector_store %arg8[%swap3A_330, %swap3A_331, %swap3A_332], %swap3A_335 {strides = array<i32>} : memref<1x2048x768xbf16, #tpu.memory_space<vmem>>, vector<1x2048x64xbf16>,
    %slice3A_336 = vector.extract_strided_slice %convert_element_type3A_44 {offsets = [0, 640], sizes = [2048, 64], strides = [1, 1]} : vector<2048x768xbf16> to vector<2048x64xbf16>
    %slice3A_337 = vector.extract_strided_slice %convert_element_type3A_56 {offsets = [0, 640], sizes = [256, 64], strides = [1, 1]} : vector<256x768xbf16> to vector<256x64xbf16>
    %slice3A_338 = vector.extract_strided_slice %convert_element_type3A_68 {offsets = [0, 640], sizes = [256, 64], strides = [1, 1]} : vector<256x768xbf16> to vector<256x64xbf16>
    %dot_general3A_339 = arith.constant dense<0.000000e+00> : vector<2048x256xf32>
    %dot_general3A_340 = tpu.matmul %slice3A_336, %slice3A_337, %dot_general3A_339 {dimension_numbers = #tpu.dot_dimension_numbers<[1], [1], [0], [0], [0, 0, 1, 0], [], []>, transpose_lhs_hint = false} : vector<2048x64xbf16>, vector<256x64xbf16>, vector<2048x256xf32> -> vector<2048x256xf32>
    %mul3A_341 = arith.constant 1.250000e-01 : f32
    %mul3A_342 = vector.broadcast %mul3A_341 : f32 to vector<2048x256xf32>
    %mul3A_343 = arith.mulf %dot_general3A_340, %mul3A_342 : vector<2048x256xf32>
    %exp3A_344 = math.exp %mul3A_343 : vector<2048x256xf32>
    %convert_element_type3A_345 = arith.truncf %exp3A_344 : vector<2048x256xf32> to vector<2048x256xbf16>
    %concatenate3A_346 = tpu.concatenate %slice3A_338, %broadcast_in_dim3A_70 in 1 : vector<256x64xbf16>, vector<256x64xbf16> -> vector<256x128xbf16>
    %dot_general3A_347 = arith.constant dense<0.000000e+00> : vector<2048x128xf32>
    %dot_general3A_348 = tpu.matmul %convert_element_type3A_345, %concatenate3A_346, %dot_general3A_347 {dimension_numbers = #tpu.dot_dimension_numbers<[1], [0], [0], [1], [0, 0, 1, 1], [], []>, transpose_lhs_hint = false} : vector<2048x256xbf16>, vector<256x128xbf16>, vector<2048x128xf32> -> vector<2048x128xf32>
    %slice3A_349 = vector.extract_strided_slice %dot_general3A_348 {offsets = [0, 0], sizes = [2048, 64], strides = [1, 1]} : vector<2048x128xf32> to vector<2048x64xf32>
    %slice3A_350 = vector.extract_strided_slice %dot_general3A_348 {offsets = [0, 64], sizes = [2048, 1], strides = [1, 1]} : vector<2048x128xf32> to vector<2048x1xf32>
    %div3A_351 = arith.constant 1.000000e+00 : f32
    %div3A_352 = vector.broadcast %div3A_351 : f32 to vector<2048x1xf32>
    %div3A_353 = arith.divf %div3A_352, %slice3A_350 : vector<2048x1xf32>
    %mul3A_354 = vector.broadcast %div3A_353 : vector<2048x1xf32> to vector<2048x64xf32>
    %mul3A_355 = arith.mulf %slice3A_349, %mul3A_354 : vector<2048x64xf32>
    %convert_element_type3A_356 = arith.truncf %mul3A_355 : vector<2048x64xf32> to vector<2048x64xbf16>
    %swap3A_357 = arith.constant 0 : index
    %swap3A_358 = arith.constant 0 : index
    %swap3A_359 = arith.constant 640 : index
    %swap3A_360 = vector.load %arg8[%swap3A_357, %swap3A_358, %swap3A_359] : memref<1x2048x768xbf16, #tpu.memory_space<vmem>>, vector<1x2048x64xbf16>
    %swap3A_361 = vector.shape_cast %swap3A_360 : vector<1x2048x64xbf16> to vector<2048x64xbf16>
    %swap3A_362 = vector.shape_cast %convert_element_type3A_356 : vector<2048x64xbf16> to vector<1x2048x64xbf16>
    tpu.vector_store %arg8[%swap3A_357, %swap3A_358, %swap3A_359], %swap3A_362 {strides = array<i32>} : memref<1x2048x768xbf16, #tpu.memory_space<vmem>>, vector<1x2048x64xbf16>,
    %slice3A_363 = vector.extract_strided_slice %convert_element_type3A_44 {offsets = [0, 704], sizes = [2048, 64], strides = [1, 1]} : vector<2048x768xbf16> to vector<2048x64xbf16>
    %slice3A_364 = vector.extract_strided_slice %convert_element_type3A_56 {offsets = [0, 704], sizes = [256, 64], strides = [1, 1]} : vector<256x768xbf16> to vector<256x64xbf16>
    %slice3A_365 = vector.extract_strided_slice %convert_element_type3A_68 {offsets = [0, 704], sizes = [256, 64], strides = [1, 1]} : vector<256x768xbf16> to vector<256x64xbf16>
    %dot_general3A_366 = arith.constant dense<0.000000e+00> : vector<2048x256xf32>
    %dot_general3A_367 = tpu.matmul %slice3A_363, %slice3A_364, %dot_general3A_366 {dimension_numbers = #tpu.dot_dimension_numbers<[1], [1], [0], [0], [0, 0, 1, 0], [], []>, transpose_lhs_hint = false} : vector<2048x64xbf16>, vector<256x64xbf16>, vector<2048x256xf32> -> vector<2048x256xf32>
    %mul3A_368 = arith.constant 1.250000e-01 : f32
    %mul3A_369 = vector.broadcast %mul3A_368 : f32 to vector<2048x256xf32>
    %mul3A_370 = arith.mulf %dot_general3A_367, %mul3A_369 : vector<2048x256xf32>
    %exp3A_371 = math.exp %mul3A_370 : vector<2048x256xf32>
    %convert_element_type3A_372 = arith.truncf %exp3A_371 : vector<2048x256xf32> to vector<2048x256xbf16>
    %concatenate3A_373 = tpu.concatenate %slice3A_365, %broadcast_in_dim3A_70 in 1 : vector<256x64xbf16>, vector<256x64xbf16> -> vector<256x128xbf16>
    %dot_general3A_374 = arith.constant dense<0.000000e+00> : vector<2048x128xf32>
    %dot_general3A_375 = tpu.matmul %convert_element_type3A_372, %concatenate3A_373, %dot_general3A_374 {dimension_numbers = #tpu.dot_dimension_numbers<[1], [0], [0], [1], [0, 0, 1, 1], [], []>, transpose_lhs_hint = false} : vector<2048x256xbf16>, vector<256x128xbf16>, vector<2048x128xf32> -> vector<2048x128xf32>
    %slice3A_376 = vector.extract_strided_slice %dot_general3A_375 {offsets = [0, 0], sizes = [2048, 64], strides = [1, 1]} : vector<2048x128xf32> to vector<2048x64xf32>
    %slice3A_377 = vector.extract_strided_slice %dot_general3A_375 {offsets = [0, 64], sizes = [2048, 1], strides = [1, 1]} : vector<2048x128xf32> to vector<2048x1xf32>
    %div3A_378 = arith.constant 1.000000e+00 : f32
    %div3A_379 = vector.broadcast %div3A_378 : f32 to vector<2048x1xf32>
    %div3A_380 = arith.divf %div3A_379, %slice3A_377 : vector<2048x1xf32>
    %mul3A_381 = vector.broadcast %div3A_380 : vector<2048x1xf32> to vector<2048x64xf32>
    %mul3A_382 = arith.mulf %slice3A_376, %mul3A_381 : vector<2048x64xf32>
    %convert_element_type3A_383 = arith.truncf %mul3A_382 : vector<2048x64xf32> to vector<2048x64xbf16>
    %swap3A_384 = arith.constant 0 : index
    %swap3A_385 = arith.constant 0 : index
    %swap3A_386 = arith.constant 704 : index
    %swap3A_387 = vector.load %arg8[%swap3A_384, %swap3A_385, %swap3A_386] : memref<1x2048x768xbf16, #tpu.memory_space<vmem>>, vector<1x2048x64xbf16>
    %swap3A_388 = vector.shape_cast %swap3A_387 : vector<1x2048x64xbf16> to vector<2048x64xbf16>
    %swap3A_389 = vector.shape_cast %convert_element_type3A_383 : vector<2048x64xbf16> to vector<1x2048x64xbf16>
    tpu.vector_store %arg8[%swap3A_384, %swap3A_385, %swap3A_386], %swap3A_389 {strides = array<i32>} : memref<1x2048x768xbf16, #tpu.memory_space<vmem>>, vector<1x2048x64xbf16>,
    return
  }
  func.func @transform_0(%arg0: i32) -> (i32, i32, i32) {
    %c0_i32 = arith.constant 0 : i32
    %c0_i32_0 = arith.constant 0 : i32
    %c0_i32_1 = arith.constant 0 : i32
    return %arg0, %c0_i32, %c0_i32_0 : i32, i32, i32
  }
  func.func @transform_1(%arg0: i32) -> (i32, i32) {
    %c0_i32 = arith.constant 0 : i32
    %c0_i32_0 = arith.constant 0 : i32
    %c0_i32_1 = arith.constant 0 : i32
    return %c0_i32, %c0_i32_0 : i32, i32
  }
  func.func @transform_2(%arg0: i32) -> (i32, i32) {
    %c0_i32 = arith.constant 0 : i32
    %c0_i32_0 = arith.constant 0 : i32
    %c0_i32_1 = arith.constant 0 : i32
    return %c0_i32, %c0_i32_0 : i32, i32
  }
  func.func @transform_3(%arg0: i32) -> (i32, i32) {
    %c0_i32 = arith.constant 0 : i32
    %c0_i32_0 = arith.constant 0 : i32
    %c0_i32_1 = arith.constant 0 : i32
    return %c0_i32, %c0_i32_0 : i32, i32
  }
  func.func @transform_4(%arg0: i32) -> (i32, i32) {
    %c0_i32 = arith.constant 0 : i32
    %c0_i32_0 = arith.constant 0 : i32
    %c0_i32_1 = arith.constant 0 : i32
    return %c0_i32, %c0_i32_0 : i32, i32
  }
  func.func @transform_5(%arg0: i32) -> (i32, i32) {
    %c0_i32 = arith.constant 0 : i32
    %c0_i32_0 = arith.constant 0 : i32
    %c0_i32_1 = arith.constant 0 : i32
    return %c0_i32, %c0_i32_0 : i32, i32
  }
  func.func @transform_6(%arg0: i32) -> (i32, i32) {
    %c0_i32 = arith.constant 0 : i32
    %c0_i32_0 = arith.constant 0 : i32
    %c0_i32_1 = arith.constant 0 : i32
    return %c0_i32, %c0_i32_0 : i32, i32
  }
  func.func @transform_7(%arg0: i32) -> (i32, i32, i32) {
    %c0_i32 = arith.constant 0 : i32
    %c0_i32_0 = arith.constant 0 : i32
    %c0_i32_1 = arith.constant 0 : i32
    return %arg0, %c0_i32, %c0_i32_0 : i32, i32, i32
  }
}

module attributes {stable_mosaic.version = 14 : i64} {
  func.func @_proj_ln_route_body(%arg0: i32, %arg1: i32, %arg2: memref<1x1024x768xbf16, #tpu.memory_space<vmem>>, %arg3: memref<768x768xf32, #tpu.memory_space<vmem>>, %arg4: memref<1x768xf32, #tpu.memory_space<vmem>>, %arg5: memref<1x1024x768xf32, #tpu.memory_space<vmem>>, %arg6: memref<1x768xf32, #tpu.memory_space<vmem>>, %arg7: memref<1x768xf32, #tpu.memory_space<vmem>>, %arg8: memref<768x16xf32, #tpu.memory_space<vmem>>, %arg9: memref<1x1024x768xf32, #tpu.memory_space<vmem>>, %arg10: memref<1x1024x768xf32, #tpu.memory_space<vmem>>, %arg11: memref<4096x1xi32, #tpu.memory_space<vmem>>, %arg12: memref<4096x1xi32, #tpu.memory_space<vmem>>, %arg13: memref<4096x1xf32, #tpu.memory_space<vmem>>, %arg14: memref<8x128xf32, #tpu.memory_space<vmem>>, %arg15: memref<4096x16xf32, #tpu.memory_space<vmem>>, %arg16: memref<4096x16xf32, #tpu.memory_space<vmem>>) attributes {dimension_semantics = [#tpu.dimension_semantics<arbitrary>, #tpu.dimension_semantics<arbitrary>], iteration_bounds = array<i64: 2, 2>, scalar_prefetch = 0 : i64, scratch_operands = 2 : i64, tpu.core_type = #tpu.core_type<tc>, window_params = [{transform_indices = @transform_0, window_bounds = array<i64: 1, 1024, 768>}, {pipeline_mode = #tpu.pipeline_mode<synchronous>, transform_indices = @transform_1, window_bounds = array<i64: 768, 768>}, {pipeline_mode = #tpu.pipeline_mode<synchronous>, transform_indices = @transform_2, window_bounds = array<i64: 1, 768>}, {transform_indices = @transform_3, window_bounds = array<i64: 1, 1024, 768>}, {pipeline_mode = #tpu.pipeline_mode<synchronous>, transform_indices = @transform_4, window_bounds = array<i64: 1, 768>}, {pipeline_mode = #tpu.pipeline_mode<synchronous>, transform_indices = @transform_5, window_bounds = array<i64: 1, 768>}, {pipeline_mode = #tpu.pipeline_mode<synchronous>, transform_indices = @transform_6, window_bounds = array<i64: 768, 16>}, {transform_indices = @transform_7, window_bounds = array<i64: 1, 1024, 768>}, {transform_indices = @transform_8, window_bounds = array<i64: 1, 1024, 768>}, {pipeline_mode = #tpu.pipeline_mode<synchronous>, transform_indices = @transform_9, window_bounds = array<i64: 4096, 1>}, {pipeline_mode = #tpu.pipeline_mode<synchronous>, transform_indices = @transform_10, window_bounds = array<i64: 4096, 1>}, {pipeline_mode = #tpu.pipeline_mode<synchronous>, transform_indices = @transform_11, window_bounds = array<i64: 4096, 1>}, {pipeline_mode = #tpu.pipeline_mode<synchronous>, transform_indices = @transform_12, window_bounds = array<i64: 8, 128>}]} {
    %get3A = arith.constant 0 : index
    %get3A_0 = arith.constant 0 : index
    %get3A_1 = arith.constant 0 : index
    %get3A_2 = vector.load %arg5[%get3A, %get3A_0, %get3A_1] : memref<1x1024x768xf32, #tpu.memory_space<vmem>>, vector<1x1024x768xf32>
    %get3A_3 = vector.shape_cast %get3A_2 : vector<1x1024x768xf32> to vector<1024x768xf32>
    %get3A_4 = arith.constant 0 : index
    %get3A_5 = arith.constant 0 : index
    %get3A_6 = arith.constant 0 : index
    %get3A_7 = vector.load %arg2[%get3A_4, %get3A_5, %get3A_6] : memref<1x1024x768xbf16, #tpu.memory_space<vmem>>, vector<1x1024x768xbf16>
    %get3A_8 = vector.shape_cast %get3A_7 : vector<1x1024x768xbf16> to vector<1024x768xbf16>
    %get3A_9 = arith.constant 0 : index
    %get3A_10 = arith.constant 0 : index
    %get3A_11 = vector.load %arg3[%get3A_9, %get3A_10] : memref<768x768xf32, #tpu.memory_space<vmem>>, vector<768x768xf32>
    %convert_element_type3A = arith.truncf %get3A_11 : vector<768x768xf32> to vector<768x768xbf16>
    %dot_general3A = arith.constant dense<0.000000e+00> : vector<1024x768xf32>
    %dot_general3A_12 = tpu.matmul %get3A_8, %convert_element_type3A, %dot_general3A {dimension_numbers = #tpu.dot_dimension_numbers<[1], [0], [0], [1], [0, 0, 1, 1], [], []>, transpose_lhs_hint = false} : vector<1024x768xbf16>, vector<768x768xbf16>, vector<1024x768xf32> -> vector<1024x768xf32>
    %add3A = arith.addf %get3A_3, %dot_general3A_12 : vector<1024x768xf32>
    %get3A_13 = arith.constant 0 : index
    %get3A_14 = arith.constant 0 : index
    %get3A_15 = vector.load %arg4[%get3A_13, %get3A_14] : memref<1x768xf32, #tpu.memory_space<vmem>>, vector<1x768xf32>
    %add3A_16 = vector.broadcast %get3A_15 : vector<1x768xf32> to vector<1024x768xf32>
    %add3A_17 = arith.addf %add3A, %add3A_16 : vector<1024x768xf32>
    %swap3A = arith.constant 0 : index
    %swap3A_18 = arith.constant 0 : index
    %swap3A_19 = arith.constant 0 : index
    %swap3A_20 = vector.load %arg9[%swap3A, %swap3A_18, %swap3A_19] : memref<1x1024x768xf32, #tpu.memory_space<vmem>>, vector<1x1024x768xf32>
    %swap3A_21 = vector.shape_cast %swap3A_20 : vector<1x1024x768xf32> to vector<1024x768xf32>
    %swap3A_22 = vector.shape_cast %add3A_17 : vector<1024x768xf32> to vector<1x1024x768xf32>
    tpu.vector_store %arg9[%swap3A, %swap3A_18, %swap3A_19], %swap3A_22 {strides = array<i32>} : memref<1x1024x768xf32, #tpu.memory_space<vmem>>, vector<1x1024x768xf32>,
    %reduce_sum3A = arith.constant dense<0.000000e+00> : vector<1024xf32>
    %reduce_sum3A_23 = vector.multi_reduction <add>, %add3A_17, %reduce_sum3A [1] : vector<1024x768xf32> to vector<1024xf32>
    %broadcast_in_dim3A = vector.shape_cast %reduce_sum3A_23 : vector<1024xf32> to vector<1024x1xf32>
    %div3A = arith.constant 7.680000e+02 : f32
    %div3A_24 = vector.broadcast %div3A : f32 to vector<1024x1xf32>
    %div3A_25 = arith.divf %broadcast_in_dim3A, %div3A_24 : vector<1024x1xf32>
    %sub3A = vector.broadcast %div3A_25 : vector<1024x1xf32> to vector<1024x768xf32>
    %sub3A_26 = arith.subf %add3A_17, %sub3A : vector<1024x768xf32>
    %integer_pow3A = arith.mulf %sub3A_26, %sub3A_26 : vector<1024x768xf32>
    %reduce_sum3A_27 = arith.constant dense<0.000000e+00> : vector<1024xf32>
    %reduce_sum3A_28 = vector.multi_reduction <add>, %integer_pow3A, %reduce_sum3A_27 [1] : vector<1024x768xf32> to vector<1024xf32>
    %broadcast_in_dim3A_29 = vector.shape_cast %reduce_sum3A_28 : vector<1024xf32> to vector<1024x1xf32>
    %div3A_30 = arith.constant 7.680000e+02 : f32
    %div3A_31 = vector.broadcast %div3A_30 : f32 to vector<1024x1xf32>
    %div3A_32 = arith.divf %broadcast_in_dim3A_29, %div3A_31 : vector<1024x1xf32>
    %sub3A_33 = vector.broadcast %div3A_25 : vector<1024x1xf32> to vector<1024x768xf32>
    %sub3A_34 = arith.subf %add3A_17, %sub3A_33 : vector<1024x768xf32>
    %add3A_35 = arith.constant 9.99999974E-6 : f32
    %add3A_36 = vector.broadcast %add3A_35 : f32 to vector<1024x1xf32>
    %add3A_37 = arith.addf %div3A_32, %add3A_36 : vector<1024x1xf32>
    %rsqrt3A = math.rsqrt %add3A_37 : vector<1024x1xf32>
    %mul3A = vector.broadcast %rsqrt3A : vector<1024x1xf32> to vector<1024x768xf32>
    %mul3A_38 = arith.mulf %sub3A_34, %mul3A : vector<1024x768xf32>
    %get3A_39 = arith.constant 0 : index
    %get3A_40 = arith.constant 0 : index
    %get3A_41 = vector.load %arg6[%get3A_39, %get3A_40] : memref<1x768xf32, #tpu.memory_space<vmem>>, vector<1x768xf32>
    %mul3A_42 = vector.broadcast %get3A_41 : vector<1x768xf32> to vector<1024x768xf32>
    %mul3A_43 = arith.mulf %mul3A_38, %mul3A_42 : vector<1024x768xf32>
    %get3A_44 = arith.constant 0 : index
    %get3A_45 = arith.constant 0 : index
    %get3A_46 = vector.load %arg7[%get3A_44, %get3A_45] : memref<1x768xf32, #tpu.memory_space<vmem>>, vector<1x768xf32>
    %add3A_47 = vector.broadcast %get3A_46 : vector<1x768xf32> to vector<1024x768xf32>
    %add3A_48 = arith.addf %mul3A_43, %add3A_47 : vector<1024x768xf32>
    %swap3A_49 = arith.constant 0 : index
    %swap3A_50 = arith.constant 0 : index
    %swap3A_51 = arith.constant 0 : index
    %swap3A_52 = vector.load %arg10[%swap3A_49, %swap3A_50, %swap3A_51] : memref<1x1024x768xf32, #tpu.memory_space<vmem>>, vector<1x1024x768xf32>
    %swap3A_53 = vector.shape_cast %swap3A_52 : vector<1x1024x768xf32> to vector<1024x768xf32>
    %swap3A_54 = vector.shape_cast %add3A_48 : vector<1024x768xf32> to vector<1x1024x768xf32>
    tpu.vector_store %arg10[%swap3A_49, %swap3A_50, %swap3A_51], %swap3A_54 {strides = array<i32>} : memref<1x1024x768xf32, #tpu.memory_space<vmem>>, vector<1x1024x768xf32>,
    %mul3A_55 = arith.constant 2048 : i32
    %mul3A_56 = arith.muli %arg0, %mul3A_55 : i32
    %mul3A_57 = arith.constant 1024 : i32
    %mul3A_58 = arith.muli %arg1, %mul3A_57 : i32
    %add3A_59 = arith.addi %mul3A_56, %mul3A_58 : i32
    %get3A_60 = arith.constant 0 : index
    %get3A_61 = arith.constant 0 : index
    %get3A_62 = vector.load %arg8[%get3A_60, %get3A_61] : memref<768x16xf32, #tpu.memory_space<vmem>>, vector<768x16xf32>
    %dot_general3A_63 = arith.constant dense<0.000000e+00> : vector<1024x16xf32>
    %dot_general3A_64 = tpu.matmul %add3A_48, %get3A_62, %dot_general3A_63 {dimension_numbers = #tpu.dot_dimension_numbers<[1], [0], [0], [1], [0, 0, 1, 1], [], []>, transpose_lhs_hint = false} : vector<1024x768xf32>, vector<768x16xf32>, vector<1024x16xf32> -> vector<1024x16xf32>
    %swap3A_65 = arith.index_cast %add3A_59 : i32 to index
    %swap3A_66 = arith.constant 0 : index
    %swap3A_67 = vector.load %arg15[%swap3A_65, %swap3A_66] : memref<4096x16xf32, #tpu.memory_space<vmem>>, vector<1024x16xf32>
    tpu.vector_store %arg15[%swap3A_65, %swap3A_66], %dot_general3A_64 {strides = array<i32>} : memref<4096x16xf32, #tpu.memory_space<vmem>>, vector<1024x16xf32>,
    %eq3A = arith.constant 1 : i32
    %eq3A_68 = arith.cmpi eq, %arg0, %eq3A : i32
    %eq3A_69 = arith.constant 1 : i32
    %eq3A_70 = arith.cmpi eq, %arg1, %eq3A_69 : i32
    %and3A = arith.andi %eq3A_68, %eq3A_70 : i1
    %convert_element_type3A_71 = arith.extui %and3A : i1 to i32
    %cond3A = arith.constant 0 : i32
    %cond3A_72 = arith.cmpi ne, %convert_element_type3A_71, %cond3A : i32
    scf.if %cond3A_72 {
      %get3A_73 = arith.constant 0 : index
      %get3A_74 = arith.constant 0 : index
      %get3A_75 = vector.load %arg15[%get3A_73, %get3A_74] : memref<4096x16xf32, #tpu.memory_space<vmem>>, vector<4096x16xf32>
      %reduce_max3A = arith.constant dense<0xFF800000> : vector<4096xf32>
      %reduce_max3A_76 = vector.multi_reduction <maximumf>, %get3A_75, %reduce_max3A [1] : vector<4096x16xf32> to vector<4096xf32>
      %broadcast_in_dim3A_77 = vector.shape_cast %reduce_max3A_76 : vector<4096xf32> to vector<4096x1xf32>
      %sub3A_78 = vector.broadcast %broadcast_in_dim3A_77 : vector<4096x1xf32> to vector<4096x16xf32>
      %sub3A_79 = arith.subf %get3A_75, %sub3A_78 : vector<4096x16xf32>
      %exp3A = math.exp %sub3A_79 : vector<4096x16xf32>
      %reduce_sum3A_80 = arith.constant dense<0.000000e+00> : vector<4096xf32>
      %reduce_sum3A_81 = vector.multi_reduction <add>, %exp3A, %reduce_sum3A_80 [1] : vector<4096x16xf32> to vector<4096xf32>
      %broadcast_in_dim3A_82 = vector.shape_cast %reduce_sum3A_81 : vector<4096xf32> to vector<4096x1xf32>
      %div3A_83 = vector.broadcast %broadcast_in_dim3A_82 : vector<4096x1xf32> to vector<4096x16xf32>
      %div3A_84 = arith.divf %exp3A, %div3A_83 : vector<4096x16xf32>
      %reduce_max3A_85 = arith.constant dense<0xFF800000> : vector<4096xf32>
      %reduce_max3A_86 = vector.multi_reduction <maximumf>, %div3A_84, %reduce_max3A_85 [1] : vector<4096x16xf32> to vector<4096xf32>
      %broadcast_in_dim3A_87 = vector.shape_cast %reduce_max3A_86 : vector<4096xf32> to vector<4096x1xf32>
      %iota3A = tpu.iota {dimensions = array<i32: 1>} : vector<4096x16xi32>
      %eq3A_88 = vector.broadcast %broadcast_in_dim3A_87 : vector<4096x1xf32> to vector<4096x16xf32>
      %eq3A_89 = arith.cmpf oeq, %div3A_84, %eq3A_88 : vector<4096x16xf32>
      %jit3A = arith.constant 16 : i32
      %broadcast_in_dim3A_90 = vector.broadcast %jit3A : i32 to vector<4096x16xi32>
      %select_n3A = arith.select %eq3A_89, %iota3A, %broadcast_in_dim3A_90 : vector<4096x16xi1>, vector<4096x16xi32>
      %reduce_min3A = arith.constant dense<2147483647> : vector<4096xi32>
      %reduce_min3A_91 = vector.multi_reduction <minsi>, %select_n3A, %reduce_min3A [1] : vector<4096x16xi32> to vector<4096xi32>
      %broadcast_in_dim3A_92 = vector.shape_cast %reduce_min3A_91 : vector<4096xi32> to vector<4096x1xi32>
      %eq3A_93 = vector.broadcast %broadcast_in_dim3A_92 : vector<4096x1xi32> to vector<4096x16xi32>
      %eq3A_94 = arith.cmpi eq, %iota3A, %eq3A_93 : vector<4096x16xi32>
      %convert_element_type3A_95 = arith.extui %eq3A_94 : vector<4096x16xi1> to vector<4096x16xi32>
      %convert_element_type3A_96 = arith.sitofp %convert_element_type3A_95 : vector<4096x16xi32> to vector<4096x16xf32>
      %swap3A_97 = arith.constant 0 : index
      %swap3A_98 = arith.constant 0 : index
      %swap3A_99 = vector.load %arg16[%swap3A_97, %swap3A_98] : memref<4096x16xf32, #tpu.memory_space<vmem>>, vector<4096x16xf32>
      tpu.vector_store %arg16[%swap3A_97, %swap3A_98], %convert_element_type3A_96 {strides = array<i32>} : memref<4096x16xf32, #tpu.memory_space<vmem>>, vector<4096x16xf32>,
      %reduce_sum3A_100 = arith.constant dense<0.000000e+00> : vector<16xf32>
      %reduce_sum3A_101 = vector.multi_reduction <add>, %div3A_84, %reduce_sum3A_100 [0] : vector<4096x16xf32> to vector<16xf32>
      %broadcast_in_dim3A_102 = vector.shape_cast %reduce_sum3A_101 : vector<16xf32> to vector<1x16xf32>
      %div3A_103 = arith.constant 4.096000e+03 : f32
      %div3A_104 = vector.broadcast %div3A_103 : f32 to vector<1x16xf32>
      %div3A_105 = arith.divf %broadcast_in_dim3A_102, %div3A_104 : vector<1x16xf32>
      %reduce_sum3A_106 = arith.constant dense<0.000000e+00> : vector<16xf32>
      %reduce_sum3A_107 = vector.multi_reduction <add>, %convert_element_type3A_96, %reduce_sum3A_106 [0] : vector<4096x16xf32> to vector<16xf32>
      %broadcast_in_dim3A_108 = vector.shape_cast %reduce_sum3A_107 : vector<16xf32> to vector<1x16xf32>
      %div3A_109 = arith.constant 4.096000e+03 : f32
      %div3A_110 = vector.broadcast %div3A_109 : f32 to vector<1x16xf32>
      %div3A_111 = arith.divf %broadcast_in_dim3A_108, %div3A_110 : vector<1x16xf32>
      %mul3A_112 = arith.mulf %div3A_111, %div3A_105 : vector<1x16xf32>
      %reduce_sum3A_113 = vector.shape_cast %mul3A_112 : vector<1x16xf32> to vector<1x1x16xf32>
      %reduce_sum3A_114 = arith.constant dense<0.000000e+00> : vector<1xf32>
      %reduce_sum3A_115 = vector.multi_reduction <add>, %reduce_sum3A_113, %reduce_sum3A_114 [1, 2] : vector<1x1x16xf32> to vector<1xf32>
      %reduce_sum3A_116 = vector.shape_cast %reduce_sum3A_115 : vector<1xf32> to vector<1x1x1xf32>
      %reduce_sum3A_117 = vector.extract %reduce_sum3A_116[0, 0, 0] : f32 from vector<1x1x1xf32>
      %mul3A_118 = arith.constant 1.600000e+01 : f32
      %mul3A_119 = arith.mulf %mul3A_118, %reduce_sum3A_117 : f32
      %broadcast_in_dim3A_120 = vector.broadcast %mul3A_119 : f32 to vector<8x128xf32>
      %swap3A_121 = arith.constant 0 : index
      %swap3A_122 = arith.constant 0 : index
      %swap3A_123 = vector.load %arg14[%swap3A_121, %swap3A_122] : memref<8x128xf32, #tpu.memory_space<vmem>>, vector<8x128xf32>
      tpu.vector_store %arg14[%swap3A_121, %swap3A_122], %broadcast_in_dim3A_120 {strides = array<i32>} : memref<8x128xf32, #tpu.memory_space<vmem>>, vector<8x128xf32>,
      %swap3A_124 = arith.constant 0 : index
      %swap3A_125 = arith.constant 0 : index
      %swap3A_126 = vector.load %arg12[%swap3A_124, %swap3A_125] : memref<4096x1xi32, #tpu.memory_space<vmem>>, vector<4096x1xi32>
      tpu.vector_store %arg12[%swap3A_124, %swap3A_125], %broadcast_in_dim3A_92 {strides = array<i32>} : memref<4096x1xi32, #tpu.memory_space<vmem>>, vector<4096x1xi32>,
      %swap3A_127 = arith.constant 0 : index
      %swap3A_128 = arith.constant 0 : index
      %swap3A_129 = vector.load %arg13[%swap3A_127, %swap3A_128] : memref<4096x1xf32, #tpu.memory_space<vmem>>, vector<4096x1xf32>
      tpu.vector_store %arg13[%swap3A_127, %swap3A_128], %broadcast_in_dim3A_87 {strides = array<i32>} : memref<4096x1xf32, #tpu.memory_space<vmem>>, vector<4096x1xf32>,
      %iota3A_130 = tpu.iota {dimensions = array<i32: 0>} : vector<512x512xi32>
      %iota3A_131 = tpu.iota {dimensions = array<i32: 1>} : vector<512x512xi32>
      %le3A = arith.cmpi sle, %iota3A_131, %iota3A_130 : vector<512x512xi32>
      %jit3A_132 = arith.constant 1.000000e+00 : f32
      %jit3A_133 = arith.constant 0.000000e+00 : f32
      %broadcast_in_dim3A_134 = vector.broadcast %jit3A_132 : f32 to vector<512x512xf32>
      %broadcast_in_dim3A_135 = vector.broadcast %jit3A_133 : f32 to vector<512x512xf32>
      %select_n3A_136 = arith.select %le3A, %broadcast_in_dim3A_134, %broadcast_in_dim3A_135 : vector<512x512xi1>, vector<512x512xf32>
      %broadcast_in_dim3A_137 = arith.constant 0.000000e+00 : f32
      %broadcast_in_dim3A_138 = vector.broadcast %broadcast_in_dim3A_137 : f32 to vector<1x16xf32>
      %scan3A = arith.constant 0 : i32
      %scan3A_139 = arith.constant 8 : i32
      %scan3A_140 = arith.addi %scan3A, %scan3A_139 : i32
      %scan3A_141 = arith.constant 1 : i32
      %scan3A_142 = scf.for %scan3A_144 = %scan3A to %scan3A_140 step %scan3A_141 iter_args(%scan3A_145 = %broadcast_in_dim3A_138) -> (vector<1x16xf32>)  : i32 {
        %mul3A_146 = arith.constant 512 : i32
        %mul3A_147 = arith.muli %scan3A_144, %mul3A_146 : i32
        %get3A_148 = arith.index_cast %mul3A_147 : i32 to index
        %get3A_149 = arith.constant 0 : index
        %get3A_150 = vector.load %arg16[%get3A_148, %get3A_149] : memref<4096x16xf32, #tpu.memory_space<vmem>>, vector<512x16xf32>
        %dot_general3A_151 = arith.constant dense<0.000000e+00> : vector<512x16xf32>
        %dot_general3A_152 = tpu.matmul %select_n3A_136, %get3A_150, %dot_general3A_151 {dimension_numbers = #tpu.dot_dimension_numbers<[1], [0], [0], [1], [0, 0, 1, 1], [], []>, transpose_lhs_hint = false} : vector<512x512xf32>, vector<512x16xf32>, vector<512x16xf32> -> vector<512x16xf32>
        %add3A_153 = vector.broadcast %scan3A_145 : vector<1x16xf32> to vector<512x16xf32>
        %add3A_154 = arith.addf %dot_general3A_152, %add3A_153 : vector<512x16xf32>
        %mul3A_155 = arith.mulf %add3A_154, %get3A_150 : vector<512x16xf32>
        %reduce_sum3A_156 = arith.constant dense<0.000000e+00> : vector<512xf32>
        %reduce_sum3A_157 = vector.multi_reduction <add>, %mul3A_155, %reduce_sum3A_156 [1] : vector<512x16xf32> to vector<512xf32>
        %broadcast_in_dim3A_158 = vector.shape_cast %reduce_sum3A_157 : vector<512xf32> to vector<512x1xf32>
        %sub3A_159 = arith.constant 1.000000e+00 : f32
        %sub3A_160 = vector.broadcast %sub3A_159 : f32 to vector<512x1xf32>
        %sub3A_161 = arith.subf %broadcast_in_dim3A_158, %sub3A_160 : vector<512x1xf32>
        %get3A_162 = arith.index_cast %mul3A_147 : i32 to index
        %get3A_163 = arith.constant 0 : index
        %get3A_164 = vector.load %arg12[%get3A_162, %get3A_163] : memref<4096x1xi32, #tpu.memory_space<vmem>>, vector<512x1xi32>
        %get3A_165 = arith.index_cast %mul3A_147 : i32 to index
        %get3A_166 = arith.constant 0 : index
        %get3A_167 = vector.load %arg13[%get3A_165, %get3A_166] : memref<4096x1xf32, #tpu.memory_space<vmem>>, vector<512x1xf32>
        %lt3A = arith.constant 3.200000e+02 : f32
        %lt3A_168 = vector.broadcast %lt3A : f32 to vector<512x1xf32>
        %lt3A_169 = arith.cmpf olt, %sub3A_161, %lt3A_168 : vector<512x1xf32>
        %jit3A_170 = arith.constant 0.000000e+00 : f32
        %jit3A_171 = arith.constant 3.190000e+02 : f32
        %max3A = vector.broadcast %jit3A_170 : f32 to vector<512x1xf32>
        %max3A_172 = arith.maximumf %max3A, %sub3A_161 : vector<512x1xf32>
        %min3A = vector.broadcast %jit3A_171 : f32 to vector<512x1xf32>
        %min3A_173 = arith.minimumf %min3A, %max3A_172 : vector<512x1xf32>
        %convert_element_type3A_174 = arith.fptosi %min3A_173 : vector<512x1xf32> to vector<512x1xi32>
        %mul3A_175 = arith.constant 320 : i32
        %mul3A_176 = vector.broadcast %mul3A_175 : i32 to vector<512x1xi32>
        %mul3A_177 = arith.muli %get3A_164, %mul3A_176 : vector<512x1xi32>
        %add3A_178 = arith.addi %mul3A_177, %convert_element_type3A_174 : vector<512x1xi32>
        %jit3A_179 = arith.constant 5120 : i32
        %broadcast_in_dim3A_180 = vector.broadcast %jit3A_179 : i32 to vector<512x1xi32>
        %select_n3A_181 = arith.select %lt3A_169, %add3A_178, %broadcast_in_dim3A_180 : vector<512x1xi1>, vector<512x1xi32>
        %swap3A_182 = arith.index_cast %mul3A_147 : i32 to index
        %swap3A_183 = arith.constant 0 : index
        %swap3A_184 = vector.load %arg11[%swap3A_182, %swap3A_183] : memref<4096x1xi32, #tpu.memory_space<vmem>>, vector<512x1xi32>
        tpu.vector_store %arg11[%swap3A_182, %swap3A_183], %select_n3A_181 {strides = array<i32>} : memref<4096x1xi32, #tpu.memory_space<vmem>>, vector<512x1xi32>,
        %swap3A_185 = arith.index_cast %mul3A_147 : i32 to index
        %swap3A_186 = arith.constant 0 : index
        %swap3A_187 = vector.load %arg12[%swap3A_185, %swap3A_186] : memref<4096x1xi32, #tpu.memory_space<vmem>>, vector<512x1xi32>
        tpu.vector_store %arg12[%swap3A_185, %swap3A_186], %add3A_178 {strides = array<i32>} : memref<4096x1xi32, #tpu.memory_space<vmem>>, vector<512x1xi32>,
        %jit3A_188 = arith.constant 0.000000e+00 : f32
        %broadcast_in_dim3A_189 = vector.broadcast %jit3A_188 : f32 to vector<512x1xf32>
        %select_n3A_190 = arith.select %lt3A_169, %get3A_167, %broadcast_in_dim3A_189 : vector<512x1xi1>, vector<512x1xf32>
        %swap3A_191 = arith.index_cast %mul3A_147 : i32 to index
        %swap3A_192 = arith.constant 0 : index
        %swap3A_193 = vector.load %arg13[%swap3A_191, %swap3A_192] : memref<4096x1xf32, #tpu.memory_space<vmem>>, vector<512x1xf32>
        tpu.vector_store %arg13[%swap3A_191, %swap3A_192], %select_n3A_190 {strides = array<i32>} : memref<4096x1xf32, #tpu.memory_space<vmem>>, vector<512x1xf32>,
        %slice3A = vector.extract_strided_slice %dot_general3A_152 {offsets = [511, 0], sizes = [1, 16], strides = [1, 1]} : vector<512x16xf32> to vector<1x16xf32>
        %add3A_194 = arith.addf %scan3A_145, %slice3A : vector<1x16xf32>
        scf.yield %add3A_194 : vector<1x16xf32>
      }
      %scan3A_143 = arith.constant 8 : i32
    } else {
    }
    return
  }
  func.func @transform_0(%arg0: i32, %arg1: i32) -> (i32, i32, i32) {
    %c0_i32 = arith.constant 0 : i32
    %c0_i32_0 = arith.constant 0 : i32
    return %arg0, %arg1, %c0_i32 : i32, i32, i32
  }
  func.func @transform_1(%arg0: i32, %arg1: i32) -> (i32, i32) {
    %c0_i32 = arith.constant 0 : i32
    %c0_i32_0 = arith.constant 0 : i32
    %c0_i32_1 = arith.constant 0 : i32
    return %c0_i32, %c0_i32_0 : i32, i32
  }
  func.func @transform_2(%arg0: i32, %arg1: i32) -> (i32, i32) {
    %c0_i32 = arith.constant 0 : i32
    %c0_i32_0 = arith.constant 0 : i32
    %c0_i32_1 = arith.constant 0 : i32
    return %c0_i32, %c0_i32_0 : i32, i32
  }
  func.func @transform_3(%arg0: i32, %arg1: i32) -> (i32, i32, i32) {
    %c0_i32 = arith.constant 0 : i32
    %c0_i32_0 = arith.constant 0 : i32
    return %arg0, %arg1, %c0_i32 : i32, i32, i32
  }
  func.func @transform_4(%arg0: i32, %arg1: i32) -> (i32, i32) {
    %c0_i32 = arith.constant 0 : i32
    %c0_i32_0 = arith.constant 0 : i32
    %c0_i32_1 = arith.constant 0 : i32
    return %c0_i32, %c0_i32_0 : i32, i32
  }
  func.func @transform_5(%arg0: i32, %arg1: i32) -> (i32, i32) {
    %c0_i32 = arith.constant 0 : i32
    %c0_i32_0 = arith.constant 0 : i32
    %c0_i32_1 = arith.constant 0 : i32
    return %c0_i32, %c0_i32_0 : i32, i32
  }
  func.func @transform_6(%arg0: i32, %arg1: i32) -> (i32, i32) {
    %c0_i32 = arith.constant 0 : i32
    %c0_i32_0 = arith.constant 0 : i32
    %c0_i32_1 = arith.constant 0 : i32
    return %c0_i32, %c0_i32_0 : i32, i32
  }
  func.func @transform_7(%arg0: i32, %arg1: i32) -> (i32, i32, i32) {
    %c0_i32 = arith.constant 0 : i32
    %c0_i32_0 = arith.constant 0 : i32
    return %arg0, %arg1, %c0_i32 : i32, i32, i32
  }
  func.func @transform_8(%arg0: i32, %arg1: i32) -> (i32, i32, i32) {
    %c0_i32 = arith.constant 0 : i32
    %c0_i32_0 = arith.constant 0 : i32
    return %arg0, %arg1, %c0_i32 : i32, i32, i32
  }
  func.func @transform_9(%arg0: i32, %arg1: i32) -> (i32, i32) {
    %c0_i32 = arith.constant 0 : i32
    %c0_i32_0 = arith.constant 0 : i32
    %c0_i32_1 = arith.constant 0 : i32
    return %c0_i32, %c0_i32_0 : i32, i32
  }
  func.func @transform_10(%arg0: i32, %arg1: i32) -> (i32, i32) {
    %c0_i32 = arith.constant 0 : i32
    %c0_i32_0 = arith.constant 0 : i32
    %c0_i32_1 = arith.constant 0 : i32
    return %c0_i32, %c0_i32_0 : i32, i32
  }
  func.func @transform_11(%arg0: i32, %arg1: i32) -> (i32, i32) {
    %c0_i32 = arith.constant 0 : i32
    %c0_i32_0 = arith.constant 0 : i32
    %c0_i32_1 = arith.constant 0 : i32
    return %c0_i32, %c0_i32_0 : i32, i32
  }
  func.func @transform_12(%arg0: i32, %arg1: i32) -> (i32, i32) {
    %c0_i32 = arith.constant 0 : i32
    %c0_i32_0 = arith.constant 0 : i32
    %c0_i32_1 = arith.constant 0 : i32
    return %c0_i32, %c0_i32_0 : i32, i32
  }
}

module attributes {stable_mosaic.version = 14 : i64} {
  func.func @_expert_body(%arg0: i32, %arg1: memref<320x768xf32, #tpu.memory_space<vmem>>, %arg2: memref<1x768x1536xf32, #tpu.memory_space<vmem>>, %arg3: memref<1x1x1536xf32, #tpu.memory_space<vmem>>, %arg4: memref<1x1536x768xf32, #tpu.memory_space<vmem>>, %arg5: memref<1x1x768xf32, #tpu.memory_space<vmem>>, %arg6: memref<320x768xf32, #tpu.memory_space<vmem>>) attributes {dimension_semantics = [#tpu.dimension_semantics<arbitrary>], iteration_bounds = array<i64: 16>, scalar_prefetch = 0 : i64, scratch_operands = 0 : i64, tpu.core_type = #tpu.core_type<tc>, window_params = [{transform_indices = @transform_0, window_bounds = array<i64: 320, 768>}, {transform_indices = @transform_1, window_bounds = array<i64: 1, 768, 1536>}, {transform_indices = @transform_2, window_bounds = array<i64: 1, 1, 1536>}, {transform_indices = @transform_3, window_bounds = array<i64: 1, 1536, 768>}, {transform_indices = @transform_4, window_bounds = array<i64: 1, 1, 768>}, {transform_indices = @transform_5, window_bounds = array<i64: 320, 768>}]} {
    %get3A = arith.constant 0 : index
    %get3A_0 = arith.constant 0 : index
    %get3A_1 = vector.load %arg1[%get3A, %get3A_0] : memref<320x768xf32, #tpu.memory_space<vmem>>, vector<320x768xf32>
    %convert_element_type3A = arith.truncf %get3A_1 : vector<320x768xf32> to vector<320x768xbf16>
    %get3A_2 = arith.constant 0 : index
    %get3A_3 = arith.constant 0 : index
    %get3A_4 = arith.constant 0 : index
    %get3A_5 = vector.load %arg2[%get3A_2, %get3A_3, %get3A_4] : memref<1x768x1536xf32, #tpu.memory_space<vmem>>, vector<1x768x1536xf32>
    %get3A_6 = vector.shape_cast %get3A_5 : vector<1x768x1536xf32> to vector<768x1536xf32>
    %convert_element_type3A_7 = arith.truncf %get3A_6 : vector<768x1536xf32> to vector<768x1536xbf16>
    %dot_general3A = arith.constant dense<0.000000e+00> : vector<320x1536xf32>
    %dot_general3A_8 = tpu.matmul %convert_element_type3A, %convert_element_type3A_7, %dot_general3A {dimension_numbers = #tpu.dot_dimension_numbers<[1], [0], [0], [1], [0, 0, 1, 1], [], []>, transpose_lhs_hint = false} : vector<320x768xbf16>, vector<768x1536xbf16>, vector<320x1536xf32> -> vector<320x1536xf32>
    %get3A_9 = arith.constant 0 : index
    %get3A_10 = arith.constant 0 : index
    %get3A_11 = arith.constant 0 : index
    %get3A_12 = vector.load %arg3[%get3A_9, %get3A_10, %get3A_11] : memref<1x1x1536xf32, #tpu.memory_space<vmem>>, vector<1x1x1536xf32>
    %get3A_13 = vector.shape_cast %get3A_12 : vector<1x1x1536xf32> to vector<1x1536xf32>
    %add3A = vector.broadcast %get3A_13 : vector<1x1536xf32> to vector<320x1536xf32>
    %add3A_14 = arith.addf %dot_general3A_8, %add3A : vector<320x1536xf32>
    %integer_pow3A = arith.mulf %add3A_14, %add3A_14 : vector<320x1536xf32>
    %integer_pow3A_15 = arith.mulf %add3A_14, %integer_pow3A : vector<320x1536xf32>
    %mul3A = arith.constant 4.471500e-02 : f32
    %mul3A_16 = vector.broadcast %mul3A : f32 to vector<320x1536xf32>
    %mul3A_17 = arith.mulf %mul3A_16, %integer_pow3A_15 : vector<320x1536xf32>
    %add3A_18 = arith.addf %add3A_14, %mul3A_17 : vector<320x1536xf32>
    %mul3A_19 = arith.constant 0.797884583 : f32
    %mul3A_20 = vector.broadcast %mul3A_19 : f32 to vector<320x1536xf32>
    %mul3A_21 = arith.mulf %mul3A_20, %add3A_18 : vector<320x1536xf32>
    %tanh3A = math.tanh %mul3A_21 : vector<320x1536xf32>
    %add3A_22 = arith.constant 1.000000e+00 : f32
    %add3A_23 = vector.broadcast %add3A_22 : f32 to vector<320x1536xf32>
    %add3A_24 = arith.addf %add3A_23, %tanh3A : vector<320x1536xf32>
    %mul3A_25 = arith.constant 5.000000e-01 : f32
    %mul3A_26 = vector.broadcast %mul3A_25 : f32 to vector<320x1536xf32>
    %mul3A_27 = arith.mulf %mul3A_26, %add3A_24 : vector<320x1536xf32>
    %mul3A_28 = arith.mulf %add3A_14, %mul3A_27 : vector<320x1536xf32>
    %convert_element_type3A_29 = arith.truncf %mul3A_28 : vector<320x1536xf32> to vector<320x1536xbf16>
    %get3A_30 = arith.constant 0 : index
    %get3A_31 = arith.constant 0 : index
    %get3A_32 = arith.constant 0 : index
    %get3A_33 = vector.load %arg4[%get3A_30, %get3A_31, %get3A_32] : memref<1x1536x768xf32, #tpu.memory_space<vmem>>, vector<1x1536x768xf32>
    %get3A_34 = vector.shape_cast %get3A_33 : vector<1x1536x768xf32> to vector<1536x768xf32>
    %convert_element_type3A_35 = arith.truncf %get3A_34 : vector<1536x768xf32> to vector<1536x768xbf16>
    %dot_general3A_36 = arith.constant dense<0.000000e+00> : vector<320x768xf32>
    %dot_general3A_37 = tpu.matmul %convert_element_type3A_29, %convert_element_type3A_35, %dot_general3A_36 {dimension_numbers = #tpu.dot_dimension_numbers<[1], [0], [0], [1], [0, 0, 1, 1], [], []>, transpose_lhs_hint = false} : vector<320x1536xbf16>, vector<1536x768xbf16>, vector<320x768xf32> -> vector<320x768xf32>
    %get3A_38 = arith.constant 0 : index
    %get3A_39 = arith.constant 0 : index
    %get3A_40 = arith.constant 0 : index
    %get3A_41 = vector.load %arg5[%get3A_38, %get3A_39, %get3A_40] : memref<1x1x768xf32, #tpu.memory_space<vmem>>, vector<1x1x768xf32>
    %get3A_42 = vector.shape_cast %get3A_41 : vector<1x1x768xf32> to vector<1x768xf32>
    %add3A_43 = vector.broadcast %get3A_42 : vector<1x768xf32> to vector<320x768xf32>
    %add3A_44 = arith.addf %dot_general3A_37, %add3A_43 : vector<320x768xf32>
    %swap3A = arith.constant 0 : index
    %swap3A_45 = arith.constant 0 : index
    %swap3A_46 = vector.load %arg6[%swap3A, %swap3A_45] : memref<320x768xf32, #tpu.memory_space<vmem>>, vector<320x768xf32>
    tpu.vector_store %arg6[%swap3A, %swap3A_45], %add3A_44 {strides = array<i32>} : memref<320x768xf32, #tpu.memory_space<vmem>>, vector<320x768xf32>,
    return
  }
  func.func @transform_0(%arg0: i32) -> (i32, i32) {
    %c0_i32 = arith.constant 0 : i32
    %c0_i32_0 = arith.constant 0 : i32
    return %arg0, %c0_i32 : i32, i32
  }
  func.func @transform_1(%arg0: i32) -> (i32, i32, i32) {
    %c0_i32 = arith.constant 0 : i32
    %c0_i32_0 = arith.constant 0 : i32
    %c0_i32_1 = arith.constant 0 : i32
    return %arg0, %c0_i32, %c0_i32_0 : i32, i32, i32
  }
  func.func @transform_2(%arg0: i32) -> (i32, i32, i32) {
    %c0_i32 = arith.constant 0 : i32
    %c0_i32_0 = arith.constant 0 : i32
    %c0_i32_1 = arith.constant 0 : i32
    return %arg0, %c0_i32, %c0_i32_0 : i32, i32, i32
  }
  func.func @transform_3(%arg0: i32) -> (i32, i32, i32) {
    %c0_i32 = arith.constant 0 : i32
    %c0_i32_0 = arith.constant 0 : i32
    %c0_i32_1 = arith.constant 0 : i32
    return %arg0, %c0_i32, %c0_i32_0 : i32, i32, i32
  }
  func.func @transform_4(%arg0: i32) -> (i32, i32, i32) {
    %c0_i32 = arith.constant 0 : i32
    %c0_i32_0 = arith.constant 0 : i32
    %c0_i32_1 = arith.constant 0 : i32
    return %arg0, %c0_i32, %c0_i32_0 : i32, i32, i32
  }
  func.func @transform_5(%arg0: i32) -> (i32, i32) {
    %c0_i32 = arith.constant 0 : i32
    %c0_i32_0 = arith.constant 0 : i32
    return %arg0, %c0_i32 : i32, i32
  }
}

module attributes {stable_mosaic.version = 14 : i64} {
  func.func @_comb_conv_ln_body(%arg0: i32, %arg1: memref<1x2048x768xf32, #tpu.memory_space<vmem>>, %arg2: memref<1x2048x768xf32, #tpu.memory_space<vmem>>, %arg3: memref<1x2048x1xf32, #tpu.memory_space<vmem>>, %arg4: memref<3x768xf32, #tpu.memory_space<vmem>>, %arg5: memref<1x768xf32, #tpu.memory_space<vmem>>, %arg6: memref<1x768xf32, #tpu.memory_space<vmem>>, %arg7: memref<1x2048x768xf32, #tpu.memory_space<vmem>>, %arg8: memref<1x2048x768xbf16, #tpu.memory_space<vmem>>) attributes {dimension_semantics = [#tpu.dimension_semantics<arbitrary>], iteration_bounds = array<i64: 2>, scalar_prefetch = 0 : i64, scratch_operands = 0 : i64, tpu.core_type = #tpu.core_type<tc>, window_params = [{transform_indices = @transform_0, window_bounds = array<i64: 1, 2048, 768>}, {transform_indices = @transform_1, window_bounds = array<i64: 1, 2048, 768>}, {transform_indices = @transform_2, window_bounds = array<i64: 1, 2048, 1>}, {pipeline_mode = #tpu.pipeline_mode<synchronous>, transform_indices = @transform_3, window_bounds = array<i64: 3, 768>}, {pipeline_mode = #tpu.pipeline_mode<synchronous>, transform_indices = @transform_4, window_bounds = array<i64: 1, 768>}, {pipeline_mode = #tpu.pipeline_mode<synchronous>, transform_indices = @transform_5, window_bounds = array<i64: 1, 768>}, {transform_indices = @transform_6, window_bounds = array<i64: 1, 2048, 768>}, {transform_indices = @transform_7, window_bounds = array<i64: 1, 2048, 768>}]} {
    %get3A = arith.constant 0 : index
    %get3A_0 = arith.constant 0 : index
    %get3A_1 = arith.constant 0 : index
    %get3A_2 = vector.load %arg1[%get3A, %get3A_0, %get3A_1] : memref<1x2048x768xf32, #tpu.memory_space<vmem>>, vector<1x2048x768xf32>
    %get3A_3 = vector.shape_cast %get3A_2 : vector<1x2048x768xf32> to vector<2048x768xf32>
    %get3A_4 = arith.constant 0 : index
    %get3A_5 = arith.constant 0 : index
    %get3A_6 = arith.constant 0 : index
    %get3A_7 = vector.load %arg2[%get3A_4, %get3A_5, %get3A_6] : memref<1x2048x768xf32, #tpu.memory_space<vmem>>, vector<1x2048x768xf32>
    %get3A_8 = vector.shape_cast %get3A_7 : vector<1x2048x768xf32> to vector<2048x768xf32>
    %get3A_9 = arith.constant 0 : index
    %get3A_10 = arith.constant 0 : index
    %get3A_11 = arith.constant 0 : index
    %get3A_12 = vector.load %arg3[%get3A_9, %get3A_10, %get3A_11] : memref<1x2048x1xf32, #tpu.memory_space<vmem>>, vector<1x2048x1xf32>
    %get3A_13 = vector.shape_cast %get3A_12 : vector<1x2048x1xf32> to vector<2048x1xf32>
    %mul3A = vector.broadcast %get3A_13 : vector<2048x1xf32> to vector<2048x768xf32>
    %mul3A_14 = arith.mulf %get3A_8, %mul3A : vector<2048x768xf32>
    %add3A = arith.addf %get3A_3, %mul3A_14 : vector<2048x768xf32>
    %broadcast_in_dim3A = arith.constant 0.000000e+00 : f32
    %broadcast_in_dim3A_15 = vector.broadcast %broadcast_in_dim3A : f32 to vector<1x768xf32>
    %get3A_16 = arith.constant 0 : index
    %get3A_17 = arith.constant 0 : index
    %get3A_18 = vector.load %arg4[%get3A_16, %get3A_17] : memref<3x768xf32, #tpu.memory_space<vmem>>, vector<3x768xf32>
    %slice3A = vector.extract_strided_slice %add3A {offsets = [0, 0], sizes = [2047, 768], strides = [1, 1]} : vector<2048x768xf32> to vector<2047x768xf32>
    %concatenate3A = tpu.concatenate %broadcast_in_dim3A_15, %slice3A in 0 : vector<1x768xf32>, vector<2047x768xf32> -> vector<2048x768xf32>
    %slice3A_19 = vector.extract_strided_slice %add3A {offsets = [1, 0], sizes = [2047, 768], strides = [1, 1]} : vector<2048x768xf32> to vector<2047x768xf32>
    %concatenate3A_20 = tpu.concatenate %slice3A_19, %broadcast_in_dim3A_15 in 0 : vector<2047x768xf32>, vector<1x768xf32> -> vector<2048x768xf32>
    %slice3A_21 = vector.extract_strided_slice %get3A_18 {offsets = [0, 0], sizes = [1, 768], strides = [1, 1]} : vector<3x768xf32> to vector<1x768xf32>
    %mul3A_22 = vector.broadcast %slice3A_21 : vector<1x768xf32> to vector<2048x768xf32>
    %mul3A_23 = arith.mulf %concatenate3A, %mul3A_22 : vector<2048x768xf32>
    %add3A_24 = arith.addf %add3A, %mul3A_23 : vector<2048x768xf32>
    %slice3A_25 = vector.extract_strided_slice %get3A_18 {offsets = [1, 0], sizes = [1, 768], strides = [1, 1]} : vector<3x768xf32> to vector<1x768xf32>
    %mul3A_26 = vector.broadcast %slice3A_25 : vector<1x768xf32> to vector<2048x768xf32>
    %mul3A_27 = arith.mulf %add3A, %mul3A_26 : vector<2048x768xf32>
    %add3A_28 = arith.addf %add3A_24, %mul3A_27 : vector<2048x768xf32>
    %slice3A_29 = vector.extract_strided_slice %get3A_18 {offsets = [2, 0], sizes = [1, 768], strides = [1, 1]} : vector<3x768xf32> to vector<1x768xf32>
    %mul3A_30 = vector.broadcast %slice3A_29 : vector<1x768xf32> to vector<2048x768xf32>
    %mul3A_31 = arith.mulf %concatenate3A_20, %mul3A_30 : vector<2048x768xf32>
    %add3A_32 = arith.addf %add3A_28, %mul3A_31 : vector<2048x768xf32>
    %swap3A = arith.constant 0 : index
    %swap3A_33 = arith.constant 0 : index
    %swap3A_34 = arith.constant 0 : index
    %swap3A_35 = vector.load %arg7[%swap3A, %swap3A_33, %swap3A_34] : memref<1x2048x768xf32, #tpu.memory_space<vmem>>, vector<1x2048x768xf32>
    %swap3A_36 = vector.shape_cast %swap3A_35 : vector<1x2048x768xf32> to vector<2048x768xf32>
    %swap3A_37 = vector.shape_cast %add3A_32 : vector<2048x768xf32> to vector<1x2048x768xf32>
    tpu.vector_store %arg7[%swap3A, %swap3A_33, %swap3A_34], %swap3A_37 {strides = array<i32>} : memref<1x2048x768xf32, #tpu.memory_space<vmem>>, vector<1x2048x768xf32>,
    %reduce_sum3A = arith.constant dense<0.000000e+00> : vector<2048xf32>
    %reduce_sum3A_38 = vector.multi_reduction <add>, %add3A_32, %reduce_sum3A [1] : vector<2048x768xf32> to vector<2048xf32>
    %broadcast_in_dim3A_39 = vector.shape_cast %reduce_sum3A_38 : vector<2048xf32> to vector<2048x1xf32>
    %div3A = arith.constant 7.680000e+02 : f32
    %div3A_40 = vector.broadcast %div3A : f32 to vector<2048x1xf32>
    %div3A_41 = arith.divf %broadcast_in_dim3A_39, %div3A_40 : vector<2048x1xf32>
    %sub3A = vector.broadcast %div3A_41 : vector<2048x1xf32> to vector<2048x768xf32>
    %sub3A_42 = arith.subf %add3A_32, %sub3A : vector<2048x768xf32>
    %integer_pow3A = arith.mulf %sub3A_42, %sub3A_42 : vector<2048x768xf32>
    %reduce_sum3A_43 = arith.constant dense<0.000000e+00> : vector<2048xf32>
    %reduce_sum3A_44 = vector.multi_reduction <add>, %integer_pow3A, %reduce_sum3A_43 [1] : vector<2048x768xf32> to vector<2048xf32>
    %broadcast_in_dim3A_45 = vector.shape_cast %reduce_sum3A_44 : vector<2048xf32> to vector<2048x1xf32>
    %div3A_46 = arith.constant 7.680000e+02 : f32
    %div3A_47 = vector.broadcast %div3A_46 : f32 to vector<2048x1xf32>
    %div3A_48 = arith.divf %broadcast_in_dim3A_45, %div3A_47 : vector<2048x1xf32>
    %sub3A_49 = vector.broadcast %div3A_41 : vector<2048x1xf32> to vector<2048x768xf32>
    %sub3A_50 = arith.subf %add3A_32, %sub3A_49 : vector<2048x768xf32>
    %add3A_51 = arith.constant 9.99999974E-6 : f32
    %add3A_52 = vector.broadcast %add3A_51 : f32 to vector<2048x1xf32>
    %add3A_53 = arith.addf %div3A_48, %add3A_52 : vector<2048x1xf32>
    %rsqrt3A = math.rsqrt %add3A_53 : vector<2048x1xf32>
    %mul3A_54 = vector.broadcast %rsqrt3A : vector<2048x1xf32> to vector<2048x768xf32>
    %mul3A_55 = arith.mulf %sub3A_50, %mul3A_54 : vector<2048x768xf32>
    %get3A_56 = arith.constant 0 : index
    %get3A_57 = arith.constant 0 : index
    %get3A_58 = vector.load %arg5[%get3A_56, %get3A_57] : memref<1x768xf32, #tpu.memory_space<vmem>>, vector<1x768xf32>
    %mul3A_59 = vector.broadcast %get3A_58 : vector<1x768xf32> to vector<2048x768xf32>
    %mul3A_60 = arith.mulf %mul3A_55, %mul3A_59 : vector<2048x768xf32>
    %get3A_61 = arith.constant 0 : index
    %get3A_62 = arith.constant 0 : index
    %get3A_63 = vector.load %arg6[%get3A_61, %get3A_62] : memref<1x768xf32, #tpu.memory_space<vmem>>, vector<1x768xf32>
    %add3A_64 = vector.broadcast %get3A_63 : vector<1x768xf32> to vector<2048x768xf32>
    %add3A_65 = arith.addf %mul3A_60, %add3A_64 : vector<2048x768xf32>
    %convert_element_type3A = arith.truncf %add3A_65 : vector<2048x768xf32> to vector<2048x768xbf16>
    %swap3A_66 = arith.constant 0 : index
    %swap3A_67 = arith.constant 0 : index
    %swap3A_68 = arith.constant 0 : index
    %swap3A_69 = vector.load %arg8[%swap3A_66, %swap3A_67, %swap3A_68] : memref<1x2048x768xbf16, #tpu.memory_space<vmem>>, vector<1x2048x768xbf16>
    %swap3A_70 = vector.shape_cast %swap3A_69 : vector<1x2048x768xbf16> to vector<2048x768xbf16>
    %swap3A_71 = vector.shape_cast %convert_element_type3A : vector<2048x768xbf16> to vector<1x2048x768xbf16>
    tpu.vector_store %arg8[%swap3A_66, %swap3A_67, %swap3A_68], %swap3A_71 {strides = array<i32>} : memref<1x2048x768xbf16, #tpu.memory_space<vmem>>, vector<1x2048x768xbf16>,
    return
  }
  func.func @transform_0(%arg0: i32) -> (i32, i32, i32) {
    %c0_i32 = arith.constant 0 : i32
    %c0_i32_0 = arith.constant 0 : i32
    %c0_i32_1 = arith.constant 0 : i32
    return %arg0, %c0_i32, %c0_i32_0 : i32, i32, i32
  }
  func.func @transform_1(%arg0: i32) -> (i32, i32, i32) {
    %c0_i32 = arith.constant 0 : i32
    %c0_i32_0 = arith.constant 0 : i32
    %c0_i32_1 = arith.constant 0 : i32
    return %arg0, %c0_i32, %c0_i32_0 : i32, i32, i32
  }
  func.func @transform_2(%arg0: i32) -> (i32, i32, i32) {
    %c0_i32 = arith.constant 0 : i32
    %c0_i32_0 = arith.constant 0 : i32
    %c0_i32_1 = arith.constant 0 : i32
    return %arg0, %c0_i32, %c0_i32_0 : i32, i32, i32
  }
  func.func @transform_3(%arg0: i32) -> (i32, i32) {
    %c0_i32 = arith.constant 0 : i32
    %c0_i32_0 = arith.constant 0 : i32
    %c0_i32_1 = arith.constant 0 : i32
    return %c0_i32, %c0_i32_0 : i32, i32
  }
  func.func @transform_4(%arg0: i32) -> (i32, i32) {
    %c0_i32 = arith.constant 0 : i32
    %c0_i32_0 = arith.constant 0 : i32
    %c0_i32_1 = arith.constant 0 : i32
    return %c0_i32, %c0_i32_0 : i32, i32
  }
  func.func @transform_5(%arg0: i32) -> (i32, i32) {
    %c0_i32 = arith.constant 0 : i32
    %c0_i32_0 = arith.constant 0 : i32
    %c0_i32_1 = arith.constant 0 : i32
    return %c0_i32, %c0_i32_0 : i32, i32
  }
  func.func @transform_6(%arg0: i32) -> (i32, i32, i32) {
    %c0_i32 = arith.constant 0 : i32
    %c0_i32_0 = arith.constant 0 : i32
    %c0_i32_1 = arith.constant 0 : i32
    return %arg0, %c0_i32, %c0_i32_0 : i32, i32, i32
  }
  func.func @transform_7(%arg0: i32) -> (i32, i32, i32) {
    %c0_i32 = arith.constant 0 : i32
    %c0_i32_0 = arith.constant 0 : i32
    %c0_i32_1 = arith.constant 0 : i32
    return %arg0, %c0_i32, %c0_i32_0 : i32, i32, i32
  }
}

module attributes {stable_mosaic.version = 14 : i64} {
  func.func @_combine_body(%arg0: i32, %arg1: memref<512x768xf32, #tpu.memory_space<vmem>>, %arg2: memref<512x768xf32, #tpu.memory_space<vmem>>, %arg3: memref<512x1xf32, #tpu.memory_space<vmem>>, %arg4: memref<512x768xf32, #tpu.memory_space<vmem>>) attributes {dimension_semantics = [#tpu.dimension_semantics<arbitrary>], iteration_bounds = array<i64: 8>, scalar_prefetch = 0 : i64, scratch_operands = 0 : i64, tpu.core_type = #tpu.core_type<tc>, window_params = [{transform_indices = @transform_0, window_bounds = array<i64: 512, 768>}, {transform_indices = @transform_1, window_bounds = array<i64: 512, 768>}, {transform_indices = @transform_2, window_bounds = array<i64: 512, 1>}, {transform_indices = @transform_3, window_bounds = array<i64: 512, 768>}]} {
    %get3A = arith.constant 0 : index
    %get3A_0 = arith.constant 0 : index
    %get3A_1 = vector.load %arg1[%get3A, %get3A_0] : memref<512x768xf32, #tpu.memory_space<vmem>>, vector<512x768xf32>
    %get3A_2 = arith.constant 0 : index
    %get3A_3 = arith.constant 0 : index
    %get3A_4 = vector.load %arg2[%get3A_2, %get3A_3] : memref<512x768xf32, #tpu.memory_space<vmem>>, vector<512x768xf32>
    %get3A_5 = arith.constant 0 : index
    %get3A_6 = arith.constant 0 : index
    %get3A_7 = vector.load %arg3[%get3A_5, %get3A_6] : memref<512x1xf32, #tpu.memory_space<vmem>>, vector<512x1xf32>
    %mul3A = vector.broadcast %get3A_7 : vector<512x1xf32> to vector<512x768xf32>
    %mul3A_8 = arith.mulf %get3A_4, %mul3A : vector<512x768xf32>
    %add3A = arith.addf %get3A_1, %mul3A_8 : vector<512x768xf32>
    %swap3A = arith.constant 0 : index
    %swap3A_9 = arith.constant 0 : index
    %swap3A_10 = vector.load %arg4[%swap3A, %swap3A_9] : memref<512x768xf32, #tpu.memory_space<vmem>>, vector<512x768xf32>
    tpu.vector_store %arg4[%swap3A, %swap3A_9], %add3A {strides = array<i32>} : memref<512x768xf32, #tpu.memory_space<vmem>>, vector<512x768xf32>,
    return
  }
  func.func @transform_0(%arg0: i32) -> (i32, i32) {
    %c0_i32 = arith.constant 0 : i32
    %c0_i32_0 = arith.constant 0 : i32
    return %arg0, %c0_i32 : i32, i32
  }
  func.func @transform_1(%arg0: i32) -> (i32, i32) {
    %c0_i32 = arith.constant 0 : i32
    %c0_i32_0 = arith.constant 0 : i32
    return %arg0, %c0_i32 : i32, i32
  }
  func.func @transform_2(%arg0: i32) -> (i32, i32) {
    %c0_i32 = arith.constant 0 : i32
    %c0_i32_0 = arith.constant 0 : i32
    return %arg0, %c0_i32 : i32, i32
  }
  func.func @transform_3(%arg0: i32) -> (i32, i32) {
    %c0_i32 = arith.constant 0 : i32
    %c0_i32_0 = arith.constant 0 : i32
    return %arg0, %c0_i32 : i32, i32
  }
}

</mosaic_0001>

<sc_bundles>
// kernel: kernel.15.cloned.1.call-start
scs
__scs_entry_jumppad:
0x0: {  	(pc) =	sbr.rel $0x88, $3  }
0x1: {  	(tag) =	ssettag $0x0;
	lr =	simm.s32 $0x1  }
0x2: {  	[smem:$0x3F8E] =	sst lr;
	_ =	strace $0xD0000000  }
0x3: {  	_ = 	snop  }
0x4: {  	_ = 	snop  }
0x5: {  	_ = 	snop  }
0x6: {  	_ = 	snop  }
0x7: {  	_ = 	snop  }
__scs_overlays_trampoline_lowered:
0x8: {  	[smem:$0x3F9D] =	sst s0  }
0x9: {  	[smem:$0x3F9E] =	sst s1  }
0xa: {  	[smem:$0x3F9F] =	sst s2  }
0xb: {  	[smem:$0x3FA0] =	sst s3  }
0xc: {  	[smem:$0x3FA1] =	sst s4  }
0xd: {  	[smem:$0x3FA2] =	sst s5  }
0xe: {  	[smem:$0x3FA3] =	sst s6  }
0xf: {  	[smem:$0x3FA4] =	sst s7  }
0x10: {  	[smem:$0x3FA5] =	sst s8  }
0x11: {  	[smem:$0x3FA6] =	sst s9;
	s0 =	simm.s32 @!p0 $0x0  }
0x12: {  	s1 =	sld [smem:$0x3F8C];
	s0 =	simm.s32 @p0 $0x1  }
0x13: {  	[smem:$0x3FA7] =	sst s0;
	s0 =	simm.s32 @!p1 $0x0  }
0x14: {  	s2 =	sld [smem:$0x3F8B];
	s0 =	simm.s32 @p1 $0x1  }
0x15: {  	[smem:$0x3FA8] =	sst s0;
	s0 =	simm.s32 @!p2 $0x0  }
0x16: {  	s3 =	sld [smem:$0x3FDB];
	s0 =	simm.s32 @p2 $0x1  }
0x17: {  	s4 =	simm.s32 $0x1BF5;
	[smem:$0x3FAA] =	sst s0  }
0x18: {  	s0 =	sld [smem:$0x3F8D];
	_ =	swait.ge [sflag:s4], $0x0  }
0x19: {  	s7 =	sld [smem:$0x3F8E]  }
0x1a: {  	s8 =	sadd.s32 $0xFFFFE003, lr  }
0x1b: {  	s9 =	sadd.s32 $0xFFFFFEF7, lr;
	s5 =	simm.s32 $0xFFFFFFFF;
	p2 =	slt.u32 s8, $0xFFFFF086  }
0x1c: {  	p1 =	slt.u32 s9, $0xF7A;
	s5 =	simm.s32 @!p2 $0x0  }
0x1d: {  	s5 =	simm.s32 @p1 $0x1;
	p0 =	seq.s32 s7, s2  }
0x1e: {  	s7 =	smul.u32 @!p0 $0xF7A, s2;
	p2 =	seq.s32 @!p0 s5, $0x0  }
0x1f: {  	s9 =	smul.u32 $0xF7A, s1;
	s8 =	simm.s32 @!p0 $0x1BF5;
	p2 =	por !p2, p0  }
0x20: {  	[sflag:s8] =	ssyncset.s32 @!p0 $0xFFFFF086;
	s6 =	sadd.s32 @!p0 s3, s7;
	s7 =	simm.s32 @!p0 $0x108  }
0x21: {  	s3 =	sadd.s32 s3, s9;
	s6 =	sadd.s32 @!p0 $0x88, s6;
	s7 =	simm.s32 @p2 $0x1082  }
0x22: {  	[simem:s7], [sflag:s8] =	dma.local @!p0 [hbm:s6], $0xF7A  }
0x23: {  	s9 =	sor.u32 $0xD0000000, s2;
	s6 =	simm.s32 $0x108;
	_ =	swait.ge @!p0 [sflag:s8], $0x0  }
0x24: {  	s3 =	sadd.s32 $0x88, s3;
	s6 =	simm.s32 @!p1 $0x1082;
	[sflag:s4] =	ssyncset.s32 $0xFFFFF086  }
0x25: {  	[simem:s6], [sflag:s4] =	dma.local [hbm:s3], $0xF7A  }
0x26: {  	[smem:$0x3F8E] =	sst s1;
	(tag) =	ssettag s2;
	_ =	strace s9  }
0x27: {  	s1 =	sld [smem:$0x3F9E]  }
0x28: {  	s2 =	sld [smem:$0x3F9F]  }
0x29: {  	s4 =	sld [smem:$0x3FA1]  }
0x2a: {  	p0 =	seq.s32 s5, $0x0;
	s5 =	sld [smem:$0x3FA2]  }
0x2b: {  	s6 =	sld [smem:$0x3FA3]  }
0x2c: {  	s7 =	sld [smem:$0x3FA4]  }
0x2d: {  	s3 =	simm.s32 $0x108;
	s8 =	sld [smem:$0x3FA5]  }
0x2e: {  	s3 =	simm.s32 @!p0 $0x1082;
	s9 =	sld [smem:$0x3FA6]  }
0x2f: {  	lr =	sadd.s32 s0, s3;
	s0 =	sld [smem:$0x3F9D]  }
0x30: {  	s3 =	sld [smem:$0x3FA0]  }
0x31: {  	[smem:$0x3FA9] =	sst s10  }
0x32: {  	s10 =	sld [smem:$0x3FA7];
	_ =	sdelay $0x3  }
0x33: {  	p0 =	seq.s32 s10, $0x1;
	s10 =	sld [smem:$0x3FA9];
	_ =	sdelay $0x3  }
0x34: {  	[smem:$0x3FA9] =	sst s10  }
0x35: {  	s10 =	sld [smem:$0x3FA8];
	_ =	sdelay $0x3  }
0x36: {  	p1 =	seq.s32 s10, $0x1;
	s10 =	sld [smem:$0x3FA9];
	_ =	sdelay $0x3  }
0x37: {  	[smem:$0x3FA9] =	sst s10  }
0x38: {  	s10 =	sld [smem:$0x3FAA]  }
0x39: {  	_ = 	snop;
	(pc) =	sbr.ind lr, $3  }
0x3a: {  	_ = 	snop  }
0x3b: {  	_ = 	snop  }
0x3c: {  	p2 =	seq.s32 s10, $0x1;
	s10 =	sld [smem:$0x3FA9]  }
0x3d: {  	_ =	shalt  }
0x3e: {  	_ =	shalt  }
0x3f: {  	_ =	shalt  }
0x40: {  	_ =	shalt  }
0x41: {  	_ =	shalt  }
0x42: {  	_ =	shalt  }
0x43: {  	_ =	shalt  }
0x44: {  	_ =	shalt  }
0x45: {  	_ =	shalt  }
0x46: {  	_ =	shalt  }
0x47: {  	_ =	shalt  }
0x48: {  	_ =	shalt  }
0x49: {  	_ =	shalt  }
0x4a: {  	_ =	shalt  }
0x4b: {  	_ =	shalt  }
0x4c: {  	_ =	shalt  }
0x4d: {  	_ =	shalt  }
0x4e: {  	_ =	shalt  }
0x4f: {  	_ =	shalt  }
0x50: {  	_ =	shalt  }
0x51: {  	_ =	shalt  }
0x52: {  	_ =	shalt  }
0x53: {  	_ =	shalt  }
0x54: {  	_ =	shalt  }
0x55: {  	_ =	shalt  }
0x56: {  	_ =	shalt  }
0x57: {  	_ =	shalt  }
0x58: {  	_ =	shalt  }
0x59: {  	_ =	shalt  }
0x5a: {  	_ =	shalt  }
0x5b: {  	_ =	shalt  }
0x5c: {  	_ =	shalt  }
0x5d: {  	_ =	shalt  }
0x5e: {  	_ =	shalt  }
0x5f: {  	_ =	shalt  }
0x60: {  	_ =	shalt  }
0x61: {  	_ =	shalt  }
0x62: {  	_ =	shalt  }
0x63: {  	_ =	shalt  }
0x64: {  	_ =	shalt  }
0x65: {  	_ =	shalt  }
0x66: {  	_ =	shalt  }
0x67: {  	_ =	shalt  }
0x68: {  	_ =	shalt  }
0x69: {  	_ =	shalt  }
0x6a: {  	_ =	shalt  }
0x6b: {  	_ =	shalt  }
0x6c: {  	_ =	shalt  }
0x6d: {  	_ =	shalt  }
0x6e: {  	_ =	shalt  }
0x6f: {  	_ =	shalt  }
0x70: {  	_ =	shalt  }
0x71: {  	_ =	shalt  }
0x72: {  	_ =	shalt  }
0x73: {  	_ =	shalt  }
0x74: {  	_ =	shalt  }
0x75: {  	_ =	shalt  }
0x76: {  	_ =	shalt  }
0x77: {  	_ =	shalt  }
0x78: {  	_ =	shalt  }
0x79: {  	_ =	shalt  }
0x7a: {  	_ =	shalt  }
0x7b: {  	_ =	shalt  }
0x7c: {  	_ =	shalt  }
0x7d: {  	_ =	shalt  }
0x7e: {  	_ =	shalt  }
0x7f: {  	_ =	shalt  }
0x80: {  	_ =	shalt  }
0x81: {  	_ =	shalt  }
0x82: {  	_ =	shalt  }
0x83: {  	_ =	shalt  }
0x84: {  	_ =	shalt  }
0x85: {  	_ =	shalt  }
0x86: {  	_ =	shalt  }
0x87: {  	_ =	shalt  }
.Lfunc_end0:
.L_simem_size_0:
called_computation_lowered:
.L_overlay_start_0:
0x88: {  	s2 =	sld [smem:$0x3FD9]  }
0x89: {  	s3 =	sld [smem:$0x3FFE];
	_ =	sdelay $0x1  }
0x8a: {  	s1 =	srdreg.scid  }
0x8b: {  	s0 =	sand.u32 $0x1, s1  }
0x8c: {  	s14 =	sshll.u32 s0, $0xA;
	s2 =	sadd.s32 s3, s2  }
0x8d: {  	s2 =	sadd.s32 s2, s14  }
0x8e: {  	[smem:$0x3FB5] =	sst s2  }
0x8f: {  	_ = 	snop  }
0x90: {  	s2 =	sld [smem:$0x3FD0];
	_ =	sdelay $0x2  }
0x91: {  	s15 =	simm.s32 $0xA;
	s4 =	simm.s32 $0x10  }
0x92: {  	[smem:s4], [sflag:s15] =	dma.local [hbm:s2], $0x1  }
0x93: {  	_ =	swait.eq [sflag:s15], $0x1  }
0x94: {  	[sflag:s15] =	ssyncset.done $0x0  }
0x95: {  	[sflag:s15] =	ssyncadd.s32 $0xFFFFFFFF  }
0x96: {  	s16 =	sld [smem:$0x10];
	(tm) =	ssettm $0x1  }
0x97: {  	s17 =	sld [smem:$0x3FFB];
	_ =	sdelay $0x3  }
0x98: {  	_ =	strace s17  }
0x99: {  	s3 =	sld [smem:$0x3FFC];
	_ =	sdelay $0x3  }
0x9a: {  	_ =	strace s3  }
0x9b: {  	s3 =	sld [smem:$0x3FFD];
	_ =	sdelay $0x3  }
0x9c: {  	_ =	strace s3  }
0x9d: {  	_ =	strace $0x8FFFFFFF  }
0x9e: {  	s18 =	sld [smem:$0x3FDB];
	_ =	sdelay $0x1  }
0x9f: {  	s19 =	simm.s32 $_scs_section_size  }
0xa0: {  	s5 =	simm.s32 $_size__tile_overlayer_lowered;
	s6 =	simm.s32 $_tile_overlayer_lowered  }
0xa1: {  	s22 =	simm.s32 $0x1BFF;
	s21 =	sshll.u32 s6, $0x1;
	s3 =	sadd.s32 s19, s18  }
0xa2: {  	s7 =	simm.s32 $0x0;
	s20 =	sshll.u32 s5, $0x1;
	s5 =	sadd.s32 s21, s3  }
0xa3: {  	[timem:s7], [sflag:s22] =	dma.local [hbm:s5], s20  }
0xa4: {  	_ =	swait.ge [sflag:s22], s20  }
0xa5: {  	s4 =	ssub.s32 $0x0, s20;
	[sflag:s22] =	ssyncset.done $0x0  }
0xa6: {  	[sflag:s22] =	ssyncadd.s32 s4;
	_ =	sdelay $0x1  }
0xa7: {  	s23 =	simm.s32 $0x1B8B  }
0xa8: {  	_ =	swait.ge [sflag:s23], $0x1  }
0xa9: {  	[sflag:s23] =	ssyncset.done $0x0  }
0xaa: {  	s25 =	simm.s32 $0x1B8E;
	s24 =	sld [smem:$0x3FFE];
	[sflag:s23] =	ssyncadd.s32 $0xFFFFFFFF  }
0xab: {  	s26 =	simm.s32 $execute0_lowered;
	[smem:$0x3FD2] =	sst s25  }
0xac: {  	s5 =	sshll.u32 s26, $0x1;
	_ =	strace $0x80000046;
	[dreg:$0x1] =	wrdreg $0xFFFFFFFF  }
0xad: {  	s28 =	simm.s32 $_size_execute0_lowered;
	s3 =	sadd.s32 s3, s5;
	[dreg:$0x0] =	wrdreg $0x0  }
0xae: {  	s5 =	sshll.u32 s28, $0x1;
	[dreg:$0x2] =	wrdreg s3  }
0xaf: {  	[dreg:$0x3] =	wrdreg s5  }
0xb0: {  	[dreg:$0x4] =	wrdreg $0xC0  }
0xb1: {  	_ =	task [dreg:s7], $0x5FFFF  }
0xb2: {  	[dreg:$0x1] =	wrdreg $0xFFFFFFFF  }
0xb3: {  	[dreg:$0x0] =	wrdreg $0x60  }
0xb4: {  	[dreg:$0x2] =	wrdreg s24  }
0xb5: {  	[dreg:$0x3] =	wrdreg s16  }
0xb6: {  	[dreg:$0x4] =	wrdreg $0x9  }
0xb7: {  	_ =	task.clear_ibuf [dreg:s7], $0x5FFFF;
	_ =	strace $0x90000046  }
0xb8: {  	s29 =	simm.s32 $0x9;
	_ =	strace $0x80000048  }
0xb9: {  	_ =	swait.ge [sflag:s29], $0x1  }
0xba: {  	[sflag:s29] =	ssyncadd.s32 $0xFFFFFFFF  }
0xbb: {  	_ =	strace $0x90000048  }
0xbc: {  	_ =	sfence  }
0xbd: {  	s30 =	sld [smem:$0x0];
	_ =	sdelay $0x2  }
0xbe: {  	s31 =	sshll.u32 s1, $0xD;
	s1 =	sshrl.u32 s1, $0x2  }
0xbf: {  	s3 =	sand.u32 $0x4000, s31;
	s1 =	sadd.s32 s1, s30  }
0xc0: {  	s0 =	sor.u32 s3, s0;
	s1 =	sshll.u32 s1, $0x11  }
0xc1: {  	s0 =	sor.u32 s1, s0  }
0xc2: {  	s0 =	sadd.s32 $0x8F2B, s0  }
0xc3: {  	[sflag:s0] =	ssyncadd.remote.s32 $0x1  }
0xc4: {  	_ =	sfence.sel $0xFFFF  }
0xc5: {  	[dreg:$0x0] =	wrdreg $0xFFFFFFFF;
	(pc) =	sbr.abs _section_cstart, $3  }
0xc6: {  	[dreg:$0x1] =	wrdreg $0xFFFFFFFF  }
0xc7: {  	_ =	task.clear_ibuf [dreg:s7], $0x2FFFF;
	_ =	strace $0x9FFFFFFF  }
0xc8: {  	(tm) =	ssettm $0x7FFFFFFF  }
0xc9: {  	_ =	shalt  }
tec
execute0_lowered:
.L_overlay_start_1:
0x0: {  	(tag) =	ssettag $0x1  }
0x1: {  	s1 =	srdreg.scid  }
0x2: {  	s0 =	stileid.u32;
	s1 =	sand.u32 $0x1, s1  }
0x3: {  	s5 =	rddreg [dreg:$0x0];
	s2 =	sshll.u32 s0, $0x5;
	s3 =	sshll.u32 s1, $0x4  }
0x4: {  	s4 =	rddreg [dreg:$0x1];
	s3 =	sor.u32 s3, s2;
	s2 =	simm.s32 $0x0  }
0x5: {  	s6 =	smul.u32 $0x300, s3;
	[smem:$0x7FF] =	sst s2;
	s3 =	sadd.s32 s4, s3  }
0x6: {  	s25 =	simm.s32 $0x880;
	_ =	strace $0x80000047;
	[dreg:$0x3] =	wrdreg s3  }
0x7: {  	s26 =	simm.s32 $0x1080;
	[dreg:$0x5] =	wrdreg s25  }
0x8: {  	s0 =	simm.s32 $0x1880;
	[dreg:$0x6] =	wrdreg s26  }
0x9: {  	s4 =	simm.s32 $0x2080;
	[dreg:$0x7] =	wrdreg s0  }
0xa: {  	s7 =	simm.s32 $0x3080;
	[dreg:$0x8] =	wrdreg s4  }
0xb: {  	s8 =	simm.s32 $0x3880;
	[dreg:$0xa] =	wrdreg s7  }
0xc: {  	s9 =	simm.s32 $0x4080;
	[dreg:$0xb] =	wrdreg s8  }
0xd: {  	s10 =	simm.s32 $0x4880;
	[dreg:$0xc] =	wrdreg s9  }
0xe: {  	s11 =	simm.s32 $0x5080;
	[dreg:$0xd] =	wrdreg s10  }
0xf: {  	s12 =	simm.s32 $0x5880;
	[dreg:$0xe] =	wrdreg s11  }
0x10: {  	s13 =	simm.s32 $0x6080;
	[dreg:$0xf] =	wrdreg s12  }
0x11: {  	s14 =	simm.s32 $0x6880;
	s15 =	simm.s32 $0x7080;
	[dreg:$0x10] =	wrdreg s13  }
0x12: {  	s16 =	simm.s32 $0x7880;
	s17 =	simm.s32 $0x8080;
	[dreg:$0x11] =	wrdreg s14  }
0x13: {  	s18 =	simm.s32 $0x8880;
	s19 =	simm.s32 $0x9080;
	[dreg:$0x12] =	wrdreg s15  }
0x14: {  	s21 =	simm.s32 $0x9880;
	s22 =	simm.s32 $0xA080;
	[dreg:$0x13] =	wrdreg s16  }
0x15: {  	s23 =	simm.s32 $0xA880;
	s28 =	simm.s32 $0x16080;
	[dreg:$0x14] =	wrdreg s17  }
0x16: {  	s29 =	simm.s32 $0x16880;
	s1 =	ssub.s32 $0x2, s1;
	[dreg:$0x15] =	wrdreg s18  }
0x17: {  	s30 =	simm.s32 $0x17080;
	s20 =	sshrl.u32 s1, $0x1;
	[dreg:$0x16] =	wrdreg s19  }
0x18: {  	s31 =	simm.s32 $0x17880;
	s1 =	ssub.s32 s1, s20;
	[dreg:$0x17] =	wrdreg s21  }
0x19: {  	s20 =	simm.s32 $0x12880;
	s3 =	sadd.s32 $0xD3A00, s5;
	[dreg:$0x18] =	wrdreg s22  }
0x1a: {  	s4 =	sadd.s32 $0xD3B00, s5;
	[dreg:$0x19] =	wrdreg s23;
	s7 =	simm.s32 $0xB080  }
0x1b: {  	s25 =	simm.s32 $0xC080;
	s8 =	simm.s32 $0x80;
	s26 =	simm.s32 $0xC880  }
0x1c: {  	s10 =	simm.s32 $0xD880;
	s11 =	simm.s32 $0xE080;
	s12 =	simm.s32 $0xE880  }
0x1d: {  	s13 =	simm.s32 $0xF080;
	s14 =	simm.s32 $0xF880;
	s15 =	simm.s32 $0x10080  }
0x1e: {  	s16 =	simm.s32 $0x10880;
	s17 =	simm.s32 $0x11080;
	s18 =	simm.s32 $0x11880  }
0x1f: {  	s19 =	simm.s32 $0x12080;
	s21 =	simm.s32 $0x13080;
	s22 =	simm.s32 $0x13880  }
0x20: {  	s23 =	simm.s32 $0x14080;
	s6 =	sadd.s32 s6, s5;
	[dreg:$0x1a] =	wrdreg s7  }
0x21: {  	s5 =	sadd.s32 $0xD3C00, s5;
	s7 =	simm.s32 $0x2;
	[dreg:$0x1c] =	wrdreg s25  }
0x22: {  	[dreg:$0x1d] =	wrdreg s26;
	s25 =	simm.s32 $0x15080;
	s24 =	sadd.s32 $0x3800, s6  }
0x23: {  	v2 =	vlaneseq.u32;
	s26 =	simm.s32 $0x15880;
	s6 =	simm.s32 $0x2880;
	[dreg:$0x4] =	wrdreg s24  }
0x24: {  	vm0 =	vmmov $0xffff;
	v1 =	vshrl.u32 v2, $0x3;
	[dreg:$0x9] =	wrdreg s6;
	s6 =	smax.u32 s1, $0x1;
	s24 =	simm.s32 $0xB880  }
0x25: {  	v0 =	vand.u32 $0x7, v2;
	v2 =	vor.u32 $0x8, v2;
	v1 =	vmul.u32 $0x8, v1;
	s1 =	simm.s32 $0x1;
	[dreg:$0x1b] =	wrdreg s24;
	s24 =	simm.s32 $0x14880  }
.LBB2_1:
0x26: {  	s0 =	rddreg [dreg:$0x3]  }
0x27: {  	[tilespmem:s2], [sflag:$0x2] =	stream.linear.gather [hbm4b:s0+s2], $0x80, $0x38;
	[tilespmem:$0x18080] =	vst v63  }
0x28: {  	_ =	swait.ge [sflag:s7], $0x80  }
0x29: {  	[sflag:s7] =	ssyncset.done $0x0  }
0x2a: {  	s9 =	rddreg [dreg:$0x4];
	[sflag:s7] =	ssyncadd.s32 $0xFFFFFF80  }
0x2b: {  	[tilespmem:s8], [sflag:$0x2] =	stream.linear.gather [hbm4b:s9+s2], $0x18000, $0x38;
	[tilespmem:$0x18080] =	vst v63  }
0x2c: {  	_ =	swait.ge [sflag:s7], $0x18000  }
0x2d: {  	[sflag:s7] =	ssyncset.done $0x0  }
0x2e: {  	[sflag:s7] =	ssyncadd.s32 $0xFFFE8000  }
0x2f: {  	v3 =	vld [tilespmem:$0x0];
	_ =	sdelay $0x4  }
0x30: {  	v4 =	vshrl.u32 v3, $0x3  }
0x31: {  	v4 =	vmul.u32 $0x30, v4  }
0x32: {  	v3 =	vand.u32 $0x7, v3  }
0x33: {  	v3 =	vor.u32 v3, v4  }
0x34: {  	v4 =	vperm.xlane v3, v0;
	_ =	sdelay $0x1  }
0x35: {  	v4 =	vadd.s32 v1, v4;
	_ =	sdelay $0x3  }
0x36: {  	v3 =	vperm.xlane v3, v2  }
0x37: {  	[hbm4b:s3+s2] =	stream.indirect_vreg.scatter [tilespmem:s8], [sflag:$0x1], $0x80, v4, vm0, $0xb8;
	[tilespmem:$0x18080] =	vst v63  }
0x38: {  	s0 =	rddreg [dreg:$0x5];
	v3 =	vadd.s32 v1, v3  }
0x39: {  	[hbm4b:s4+s2] =	stream.indirect_vreg.scatter [tilespmem:s0], [sflag:$0x1], $0x80, v4, vm0, $0xb8;
	[tilespmem:$0x18080] =	vst v63  }
0x3a: {  	s9 =	rddreg [dreg:$0x6]  }
0x3b: {  	[hbm4b:s5+s2] =	stream.indirect_vreg.scatter [tilespmem:s9], [sflag:$0x1], $0x80, v4, vm0, $0xb8;
	[tilespmem:$0x18080] =	vst v63  }
0x3c: {  	s0 =	rddreg [dreg:$0x7]  }
0x3d: {  	[hbm4b:s3+s2] =	stream.indirect_vreg.scatter [tilespmem:s0], [sflag:$0x1], $0x80, v3, vm0, $0xb8;
	[tilespmem:$0x18080] =	vst v63  }
0x3e: {  	s9 =	rddreg [dreg:$0x8]  }
0x3f: {  	[hbm4b:s4+s2] =	stream.indirect_vreg.scatter [tilespmem:s9], [sflag:$0x1], $0x80, v3, vm0, $0xb8;
	[tilespmem:$0x18080] =	vst v63  }
0x40: {  	s0 =	rddreg [dreg:$0x9]  }
0x41: {  	[hbm4b:s5+s2] =	stream.indirect_vreg.scatter [tilespmem:s0], [sflag:$0x1], $0x80, v3, vm0, $0xb8;
	[tilespmem:$0x18080] =	vst v63  }
0x42: {  	v3 =	vld [tilespmem:$0x10];
	_ =	sdelay $0x4  }
0x43: {  	v57 =	vshrl.u32 v3, $0x3  }
0x44: {  	v4 =	vmul.u32 $0x30, v57  }
0x45: {  	v3 =	vand.u32 $0x7, v3  }
0x46: {  	v3 =	vor.u32 v3, v4  }
0x47: {  	v4 =	vperm.xlane v3, v0;
	_ =	sdelay $0x1  }
0x48: {  	v4 =	vadd.s32 v1, v4;
	_ =	sdelay $0x3  }
0x49: {  	s0 =	rddreg [dreg:$0xa];
	v3 =	vperm.xlane v3, v2  }
0x4a: {  	[hbm4b:s3+s2] =	stream.indirect_vreg.scatter [tilespmem:s0], [sflag:$0x1], $0x80, v4, vm0, $0xb8;
	[tilespmem:$0x18080] =	vst v63  }
0x4b: {  	s9 =	rddreg [dreg:$0xb];
	v3 =	vadd.s32 v1, v3  }
0x4c: {  	[hbm4b:s4+s2] =	stream.indirect_vreg.scatter [tilespmem:s9], [sflag:$0x1], $0x80, v4, vm0, $0xb8;
	[tilespmem:$0x18080] =	vst v63  }
0x4d: {  	s0 =	rddreg [dreg:$0xc]  }
0x4e: {  	[hbm4b:s5+s2] =	stream.indirect_vreg.scatter [tilespmem:s0], [sflag:$0x1], $0x80, v4, vm0, $0xb8;
	[tilespmem:$0x18080] =	vst v63  }
0x4f: {  	s9 =	rddreg [dreg:$0xd]  }
0x50: {  	[hbm4b:s3+s2] =	stream.indirect_vreg.scatter [tilespmem:s9], [sflag:$0x1], $0x80, v3, vm0, $0xb8;
	[tilespmem:$0x18080] =	vst v63  }
0x51: {  	s0 =	rddreg [dreg:$0xe]  }
0x52: {  	[hbm4b:s4+s2] =	stream.indirect_vreg.scatter [tilespmem:s0], [sflag:$0x1], $0x80, v3, vm0, $0xb8;
	[tilespmem:$0x18080] =	vst v63  }
0x53: {  	s9 =	rddreg [dreg:$0xf]  }
0x54: {  	[hbm4b:s5+s2] =	stream.indirect_vreg.scatter [tilespmem:s9], [sflag:$0x1], $0x80, v3, vm0, $0xb8;
	[tilespmem:$0x18080] =	vst v63  }
0x55: {  	v3 =	vld [tilespmem:$0x20];
	_ =	sdelay $0x4  }
0x56: {  	v58 =	vshrl.u32 v3, $0x3  }
0x57: {  	v4 =	vmul.u32 $0x30, v58  }
0x58: {  	v3 =	vand.u32 $0x7, v3  }
0x59: {  	v3 =	vor.u32 v3, v4  }
0x5a: {  	v4 =	vperm.xlane v3, v0;
	_ =	sdelay $0x1  }
0x5b: {  	v4 =	vadd.s32 v1, v4;
	_ =	sdelay $0x3  }
0x5c: {  	s0 =	rddreg [dreg:$0x10];
	v3 =	vperm.xlane v3, v2  }
0x5d: {  	[hbm4b:s3+s2] =	stream.indirect_vreg.scatter [tilespmem:s0], [sflag:$0x1], $0x80, v4, vm0, $0xb8;
	[tilespmem:$0x18080] =	vst v63  }
0x5e: {  	s9 =	rddreg [dreg:$0x11];
	v3 =	vadd.s32 v1, v3  }
0x5f: {  	[hbm4b:s4+s2] =	stream.indirect_vreg.scatter [tilespmem:s9], [sflag:$0x1], $0x80, v4, vm0, $0xb8;
	[tilespmem:$0x18080] =	vst v63  }
0x60: {  	s0 =	rddreg [dreg:$0x12]  }
0x61: {  	[hbm4b:s5+s2] =	stream.indirect_vreg.scatter [tilespmem:s0], [sflag:$0x1], $0x80, v4, vm0, $0xb8;
	[tilespmem:$0x18080] =	vst v63  }
0x62: {  	s9 =	rddreg [dreg:$0x13]  }
0x63: {  	[hbm4b:s3+s2] =	stream.indirect_vreg.scatter [tilespmem:s9], [sflag:$0x1], $0x80, v3, vm0, $0xb8;
	[tilespmem:$0x18080] =	vst v63  }
0x64: {  	s0 =	rddreg [dreg:$0x14]  }
0x65: {  	[hbm4b:s4+s2] =	stream.indirect_vreg.scatter [tilespmem:s0], [sflag:$0x1], $0x80, v3, vm0, $0xb8;
	[tilespmem:$0x18080] =	vst v63  }
0x66: {  	s9 =	rddreg [dreg:$0x15]  }
0x67: {  	[hbm4b:s5+s2] =	stream.indirect_vreg.scatter [tilespmem:s9], [sflag:$0x1], $0x80, v3, vm0, $0xb8;
	[tilespmem:$0x18080] =	vst v63  }
0x68: {  	v3 =	vld [tilespmem:$0x30];
	_ =	sdelay $0x4  }
0x69: {  	v59 =	vshrl.u32 v3, $0x3  }
0x6a: {  	v4 =	vmul.u32 $0x30, v59  }
0x6b: {  	v3 =	vand.u32 $0x7, v3  }
0x6c: {  	v3 =	vor.u32 v3, v4  }
0x6d: {  	v4 =	vperm.xlane v3, v0;
	_ =	sdelay $0x1  }
0x6e: {  	v4 =	vadd.s32 v1, v4;
	_ =	sdelay $0x3  }
0x6f: {  	s0 =	rddreg [dreg:$0x16];
	v3 =	vperm.xlane v3, v2  }
0x70: {  	[hbm4b:s3+s2] =	stream.indirect_vreg.scatter [tilespmem:s0], [sflag:$0x1], $0x80, v4, vm0, $0xb8;
	[tilespmem:$0x18080] =	vst v63  }
0x71: {  	s9 =	rddreg [dreg:$0x17];
	v3 =	vadd.s32 v1, v3  }
0x72: {  	[hbm4b:s4+s2] =	stream.indirect_vreg.scatter [tilespmem:s9], [sflag:$0x1], $0x80, v4, vm0, $0xb8;
	[tilespmem:$0x18080] =	vst v63  }
0x73: {  	s0 =	rddreg [dreg:$0x18]  }
0x74: {  	[hbm4b:s5+s2] =	stream.indirect_vreg.scatter [tilespmem:s0], [sflag:$0x1], $0x80, v4, vm0, $0xb8;
	[tilespmem:$0x18080] =	vst v63  }
0x75: {  	s9 =	rddreg [dreg:$0x19]  }
0x76: {  	[hbm4b:s3+s2] =	stream.indirect_vreg.scatter [tilespmem:s9], [sflag:$0x1], $0x80, v3, vm0, $0xb8;
	[tilespmem:$0x18080] =	vst v63  }
0x77: {  	s0 =	rddreg [dreg:$0x1a]  }
0x78: {  	[hbm4b:s4+s2] =	stream.indirect_vreg.scatter [tilespmem:s0], [sflag:$0x1], $0x80, v3, vm0, $0xb8;
	[tilespmem:$0x18080] =	vst v63  }
0x79: {  	s9 =	rddreg [dreg:$0x1b]  }
0x7a: {  	[hbm4b:s5+s2] =	stream.indirect_vreg.scatter [tilespmem:s9], [sflag:$0x1], $0x80, v3, vm0, $0xb8;
	[tilespmem:$0x18080] =	vst v63  }
0x7b: {  	v3 =	vld [tilespmem:$0x40];
	_ =	sdelay $0x4  }
0x7c: {  	v60 =	vshrl.u32 v3, $0x3  }
0x7d: {  	v4 =	vmul.u32 $0x30, v60  }
0x7e: {  	v3 =	vand.u32 $0x7, v3  }
0x7f: {  	v3 =	vor.u32 v3, v4  }
0x80: {  	v4 =	vperm.xlane v3, v0;
	_ =	sdelay $0x1  }
0x81: {  	v4 =	vadd.s32 v1, v4;
	_ =	sdelay $0x3  }
0x82: {  	s0 =	rddreg [dreg:$0x1c];
	v3 =	vperm.xlane v3, v2  }
0x83: {  	[hbm4b:s3+s2] =	stream.indirect_vreg.scatter [tilespmem:s0], [sflag:$0x1], $0x80, v4, vm0, $0xb8;
	[tilespmem:$0x18080] =	vst v63  }
0x84: {  	s9 =	rddreg [dreg:$0x1d];
	v3 =	vadd.s32 v1, v3  }
0x85: {  	[hbm4b:s4+s2] =	stream.indirect_vreg.scatter [tilespmem:s9], [sflag:$0x1], $0x80, v4, vm0, $0xb8;
	[tilespmem:$0x18080] =	vst v63  }
0x86: {  	s9 =	simm.s32 $0xD080  }
0x87: {  	[hbm4b:s5+s2] =	stream.indirect_vreg.scatter [tilespmem:s9], [sflag:$0x1], $0x80, v4, vm0, $0xb8;
	[tilespmem:$0x18080] =	vst v63  }
0x88: {  	_ = 	snop  }
0x89: {  	[hbm4b:s3+s2] =	stream.indirect_vreg.scatter [tilespmem:s10], [sflag:$0x1], $0x80, v3, vm0, $0xb8;
	[tilespmem:$0x18080] =	vst v63  }
0x8a: {  	_ = 	snop  }
0x8b: {  	[hbm4b:s4+s2] =	stream.indirect_vreg.scatter [tilespmem:s11], [sflag:$0x1], $0x80, v3, vm0, $0xb8;
	[tilespmem:$0x18080] =	vst v63  }
0x8c: {  	_ = 	snop  }
0x8d: {  	[hbm4b:s5+s2] =	stream.indirect_vreg.scatter [tilespmem:s12], [sflag:$0x1], $0x80, v3, vm0, $0xb8;
	[tilespmem:$0x18080] =	vst v63  }
0x8e: {  	v3 =	vld [tilespmem:$0x50];
	_ =	sdelay $0x4  }
0x8f: {  	v61 =	vshrl.u32 v3, $0x3  }
0x90: {  	v4 =	vmul.u32 $0x30, v61  }
0x91: {  	v3 =	vand.u32 $0x7, v3  }
0x92: {  	v3 =	vor.u32 v3, v4  }
0x93: {  	v4 =	vperm.xlane v3, v0;
	_ =	sdelay $0x1  }
0x94: {  	v4 =	vadd.s32 v1, v4;
	_ =	sdelay $0x3  }
0x95: {  	v3 =	vperm.xlane v3, v2  }
0x96: {  	[hbm4b:s3+s2] =	stream.indirect_vreg.scatter [tilespmem:s13], [sflag:$0x1], $0x80, v4, vm0, $0xb8;
	[tilespmem:$0x18080] =	vst v63  }
0x97: {  	v3 =	vadd.s32 v1, v3  }
0x98: {  	[hbm4b:s4+s2] =	stream.indirect_vreg.scatter [tilespmem:s14], [sflag:$0x1], $0x80, v4, vm0, $0xb8;
	[tilespmem:$0x18080] =	vst v63  }
0x99: {  	_ = 	snop  }
0x9a: {  	[hbm4b:s5+s2] =	stream.indirect_vreg.scatter [tilespmem:s15], [sflag:$0x1], $0x80, v4, vm0, $0xb8;
	[tilespmem:$0x18080] =	vst v63  }
0x9b: {  	_ = 	snop  }
0x9c: {  	[hbm4b:s3+s2] =	stream.indirect_vreg.scatter [tilespmem:s16], [sflag:$0x1], $0x80, v3, vm0, $0xb8;
	[tilespmem:$0x18080] =	vst v63  }
0x9d: {  	_ = 	snop  }
0x9e: {  	[hbm4b:s4+s2] =	stream.indirect_vreg.scatter [tilespmem:s17], [sflag:$0x1], $0x80, v3, vm0, $0xb8;
	[tilespmem:$0x18080] =	vst v63  }
0x9f: {  	_ = 	snop  }
0xa0: {  	[hbm4b:s5+s2] =	stream.indirect_vreg.scatter [tilespmem:s18], [sflag:$0x1], $0x80, v3, vm0, $0xb8;
	[tilespmem:$0x18080] =	vst v63  }
0xa1: {  	v3 =	vld [tilespmem:$0x60];
	_ =	sdelay $0x4  }
0xa2: {  	v62 =	vshrl.u32 v3, $0x3  }
0xa3: {  	v4 =	vmul.u32 $0x30, v62  }
0xa4: {  	v3 =	vand.u32 $0x7, v3  }
0xa5: {  	v3 =	vor.u32 v3, v4  }
0xa6: {  	v4 =	vperm.xlane v3, v0;
	_ =	sdelay $0x1  }
0xa7: {  	v4 =	vadd.s32 v1, v4;
	_ =	sdelay $0x3  }
0xa8: {  	v3 =	vperm.xlane v3, v2  }
0xa9: {  	[hbm4b:s3+s2] =	stream.indirect_vreg.scatter [tilespmem:s19], [sflag:$0x1], $0x80, v4, vm0, $0xb8;
	[tilespmem:$0x18080] =	vst v63  }
0xaa: {  	v3 =	vadd.s32 v1, v3  }
0xab: {  	[hbm4b:s4+s2] =	stream.indirect_vreg.scatter [tilespmem:s20], [sflag:$0x1], $0x80, v4, vm0, $0xb8;
	[tilespmem:$0x18080] =	vst v63  }
0xac: {  	_ = 	snop  }
0xad: {  	[hbm4b:s5+s2] =	stream.indirect_vreg.scatter [tilespmem:s21], [sflag:$0x1], $0x80, v4, vm0, $0xb8;
	[tilespmem:$0x18080] =	vst v63  }
0xae: {  	_ = 	snop  }
0xaf: {  	[hbm4b:s3+s2] =	stream.indirect_vreg.scatter [tilespmem:s22], [sflag:$0x1], $0x80, v3, vm0, $0xb8;
	[tilespmem:$0x18080] =	vst v63  }
0xb0: {  	_ = 	snop  }
0xb1: {  	[hbm4b:s4+s2] =	stream.indirect_vreg.scatter [tilespmem:s23], [sflag:$0x1], $0x80, v3, vm0, $0xb8;
	[tilespmem:$0x18080] =	vst v63  }
0xb2: {  	_ = 	snop  }
0xb3: {  	[hbm4b:s5+s2] =	stream.indirect_vreg.scatter [tilespmem:s24], [sflag:$0x1], $0x80, v3, vm0, $0xb8;
	[tilespmem:$0x18080] =	vst v63  }
0xb4: {  	v3 =	vld [tilespmem:$0x70];
	_ =	sdelay $0x4  }
0xb5: {  	v63 =	vshrl.u32 v3, $0x3  }
0xb6: {  	v4 =	vmul.u32 $0x30, v63  }
0xb7: {  	v3 =	vand.u32 $0x7, v3  }
0xb8: {  	v3 =	vor.u32 v3, v4  }
0xb9: {  	v4 =	vperm.xlane v3, v0;
	_ =	sdelay $0x1  }
0xba: {  	v4 =	vadd.s32 v1, v4;
	_ =	sdelay $0x3  }
0xbb: {  	v3 =	vperm.xlane v3, v2  }
0xbc: {  	[hbm4b:s3+s2] =	stream.indirect_vreg.scatter [tilespmem:s25], [sflag:$0x1], $0x80, v4, vm0, $0xb8;
	[tilespmem:$0x18080] =	vst v63  }
0xbd: {  	v3 =	vadd.s32 v1, v3  }
0xbe: {  	[hbm4b:s4+s2] =	stream.indirect_vreg.scatter [tilespmem:s26], [sflag:$0x1], $0x80, v4, vm0, $0xb8;
	[tilespmem:$0x18080] =	vst v63  }
0xbf: {  	_ = 	snop  }
0xc0: {  	[hbm4b:s5+s2] =	stream.indirect_vreg.scatter [tilespmem:s28], [sflag:$0x1], $0x80, v4, vm0, $0xb8;
	[tilespmem:$0x18080] =	vst v63  }
0xc1: {  	_ = 	snop  }
0xc2: {  	[hbm4b:s3+s2] =	stream.indirect_vreg.scatter [tilespmem:s29], [sflag:$0x1], $0x80, v3, vm0, $0xb8;
	[tilespmem:$0x18080] =	vst v63  }
0xc3: {  	p0 =	sne.s32 s6, $0x1  }
0xc4: {  	[hbm4b:s4+s2] =	stream.indirect_vreg.scatter [tilespmem:s30], [sflag:$0x1], $0x80, v3, vm0, $0xb8;
	[tilespmem:$0x18080] =	vst v63  }
.Ltmp0:
0xc5: {  	_ = 	snop;
	(pc) =	sbr.rel @p0 .LBB2_1-.Ltmp0, $4  }
0xc6: {  	[hbm4b:s5+s2] =	stream.indirect_vreg.scatter [tilespmem:s31], [sflag:$0x1], $0x80, v3, vm0, $0xb8;
	[tilespmem:$0x18080] =	vst v63  }
0xc7: {  	_ =	swait.ge [sflag:s1], $0x18000  }
0xc8: {  	[sflag:s1] =	ssyncset.done $0x0  }
0xc9: {  	s6 =	sadd.s32 $0xFFFFFFFF, s6;
	[sflag:s1] =	ssyncadd.s32 $0xFFFE8000  }
0xca: {  	_ =	sfence.sel $0x180000  }
0xcb: {  	[bflag:$0x0] =	sbarrier.arrive $0xFFFF  }
0xcc: {  	_ =	strace $0x90000047  }
0xcd: {  	s0 =	stileid.u32;
	[bflag:$0x2] =	sbarrier.arrive $0xFFFF  }
0xce: {  	p0 =	sne.s32 s0, $0x0;
	s0 =	rddreg [dreg:$0x2]  }
0xcf: {  	s0 =	sadd.s32 @!p0 $0x100000, s0  }
0xd0: {  	[sflag:s0] =	ssyncadd.tile.s32 @!p0 $0x1;
	_ =	shalt  }
.Lfunc_end2:
_tile_overlayer_lowered:
.L_overlay_start_2:
0xd1: {  	(tag) =	ssettag $0x2  }
0xd2: {  	s0 =	rddreg [dreg:$0x0];
	s2 =	stileid.u32  }
0xd3: {  	s1 =	rddreg [dreg:$0x1];
	p0 =	sne.s32 s2, $0x0  }
0xd4: {  	s3 =	rddreg [dreg:$0x2];
	[bflag:$0x3] =	sbarrier.arrive $0xFFFF;
	s2 =	simm.s32 @!p0 $0x1C02  }
0xd5: {  	[timem:s3], [sflag:s2] =	dma.local @!p0 [hbm:s0], s1  }
0xd6: {  	s0 =	simm.s32 @!p0 $0x2  }
0xd7: {  	_ =	swait.ge @!p0 [sflag:s0], s1  }
0xd8: {  	s1 =	ssub.s32 @!p0 $0x0, s1;
	[sflag:s0] =	ssyncset.done @!p0 $0x0  }
0xd9: {  	[sflag:s0] =	ssyncadd.s32 @!p0 s1  }
0xda: {  	[bflag:$0x3] =	sbarrier.arrive $0xFFFF  }
0xdb: {  	_ =	shalt  }

// kernel: kernel.18.cloned.1.call-start
scs
__scs_entry_jumppad:
0x0: {  	(pc) =	sbr.rel $0x88, $3  }
0x1: {  	(tag) =	ssettag $0x0;
	lr =	simm.s32 $0x1  }
0x2: {  	[smem:$0x3F8E] =	sst lr;
	_ =	strace $0xD0000000  }
0x3: {  	_ = 	snop  }
0x4: {  	_ = 	snop  }
0x5: {  	_ = 	snop  }
0x6: {  	_ = 	snop  }
0x7: {  	_ = 	snop  }
__scs_overlays_trampoline_lowered:
0x8: {  	[smem:$0x3F9D] =	sst s0  }
0x9: {  	[smem:$0x3F9E] =	sst s1  }
0xa: {  	[smem:$0x3F9F] =	sst s2  }
0xb: {  	[smem:$0x3FA0] =	sst s3  }
0xc: {  	[smem:$0x3FA1] =	sst s4  }
0xd: {  	[smem:$0x3FA2] =	sst s5  }
0xe: {  	[smem:$0x3FA3] =	sst s6  }
0xf: {  	[smem:$0x3FA4] =	sst s7  }
0x10: {  	[smem:$0x3FA5] =	sst s8  }
0x11: {  	[smem:$0x3FA6] =	sst s9;
	s0 =	simm.s32 @!p0 $0x0  }
0x12: {  	s1 =	sld [smem:$0x3F8C];
	s0 =	simm.s32 @p0 $0x1  }
0x13: {  	[smem:$0x3FA7] =	sst s0;
	s0 =	simm.s32 @!p1 $0x0  }
0x14: {  	s2 =	sld [smem:$0x3F8B];
	s0 =	simm.s32 @p1 $0x1  }
0x15: {  	[smem:$0x3FA8] =	sst s0;
	s0 =	simm.s32 @!p2 $0x0  }
0x16: {  	s3 =	sld [smem:$0x3FDB];
	s0 =	simm.s32 @p2 $0x1  }
0x17: {  	s4 =	simm.s32 $0x1BF5;
	[smem:$0x3FAA] =	sst s0  }
0x18: {  	s0 =	sld [smem:$0x3F8D];
	_ =	swait.ge [sflag:s4], $0x0  }
0x19: {  	s7 =	sld [smem:$0x3F8E]  }
0x1a: {  	s8 =	sadd.s32 $0xFFFFE003, lr  }
0x1b: {  	s9 =	sadd.s32 $0xFFFFFEF7, lr;
	s5 =	simm.s32 $0xFFFFFFFF;
	p2 =	slt.u32 s8, $0xFFFFF086  }
0x1c: {  	p1 =	slt.u32 s9, $0xF7A;
	s5 =	simm.s32 @!p2 $0x0  }
0x1d: {  	s5 =	simm.s32 @p1 $0x1;
	p0 =	seq.s32 s7, s2  }
0x1e: {  	s7 =	smul.u32 @!p0 $0xF7A, s2;
	p2 =	seq.s32 @!p0 s5, $0x0  }
0x1f: {  	s9 =	smul.u32 $0xF7A, s1;
	s8 =	simm.s32 @!p0 $0x1BF5;
	p2 =	por !p2, p0  }
0x20: {  	[sflag:s8] =	ssyncset.s32 @!p0 $0xFFFFF086;
	s6 =	sadd.s32 @!p0 s3, s7;
	s7 =	simm.s32 @!p0 $0x108  }
0x21: {  	s3 =	sadd.s32 s3, s9;
	s6 =	sadd.s32 @!p0 $0x88, s6;
	s7 =	simm.s32 @p2 $0x1082  }
0x22: {  	[simem:s7], [sflag:s8] =	dma.local @!p0 [hbm:s6], $0xF7A  }
0x23: {  	s9 =	sor.u32 $0xD0000000, s2;
	s6 =	simm.s32 $0x108;
	_ =	swait.ge @!p0 [sflag:s8], $0x0  }
0x24: {  	s3 =	sadd.s32 $0x88, s3;
	s6 =	simm.s32 @!p1 $0x1082;
	[sflag:s4] =	ssyncset.s32 $0xFFFFF086  }
0x25: {  	[simem:s6], [sflag:s4] =	dma.local [hbm:s3], $0xF7A  }
0x26: {  	[smem:$0x3F8E] =	sst s1;
	(tag) =	ssettag s2;
	_ =	strace s9  }
0x27: {  	s1 =	sld [smem:$0x3F9E]  }
0x28: {  	s2 =	sld [smem:$0x3F9F]  }
0x29: {  	s4 =	sld [smem:$0x3FA1]  }
0x2a: {  	p0 =	seq.s32 s5, $0x0;
	s5 =	sld [smem:$0x3FA2]  }
0x2b: {  	s6 =	sld [smem:$0x3FA3]  }
0x2c: {  	s7 =	sld [smem:$0x3FA4]  }
0x2d: {  	s3 =	simm.s32 $0x108;
	s8 =	sld [smem:$0x3FA5]  }
0x2e: {  	s3 =	simm.s32 @!p0 $0x1082;
	s9 =	sld [smem:$0x3FA6]  }
0x2f: {  	lr =	sadd.s32 s0, s3;
	s0 =	sld [smem:$0x3F9D]  }
0x30: {  	s3 =	sld [smem:$0x3FA0]  }
0x31: {  	[smem:$0x3FA9] =	sst s10  }
0x32: {  	s10 =	sld [smem:$0x3FA7];
	_ =	sdelay $0x3  }
0x33: {  	p0 =	seq.s32 s10, $0x1;
	s10 =	sld [smem:$0x3FA9];
	_ =	sdelay $0x3  }
0x34: {  	[smem:$0x3FA9] =	sst s10  }
0x35: {  	s10 =	sld [smem:$0x3FA8];
	_ =	sdelay $0x3  }
0x36: {  	p1 =	seq.s32 s10, $0x1;
	s10 =	sld [smem:$0x3FA9];
	_ =	sdelay $0x3  }
0x37: {  	[smem:$0x3FA9] =	sst s10  }
0x38: {  	s10 =	sld [smem:$0x3FAA]  }
0x39: {  	_ = 	snop;
	(pc) =	sbr.ind lr, $3  }
0x3a: {  	_ = 	snop  }
0x3b: {  	_ = 	snop  }
0x3c: {  	p2 =	seq.s32 s10, $0x1;
	s10 =	sld [smem:$0x3FA9]  }
0x3d: {  	_ =	shalt  }
0x3e: {  	_ =	shalt  }
0x3f: {  	_ =	shalt  }
0x40: {  	_ =	shalt  }
0x41: {  	_ =	shalt  }
0x42: {  	_ =	shalt  }
0x43: {  	_ =	shalt  }
0x44: {  	_ =	shalt  }
0x45: {  	_ =	shalt  }
0x46: {  	_ =	shalt  }
0x47: {  	_ =	shalt  }
0x48: {  	_ =	shalt  }
0x49: {  	_ =	shalt  }
0x4a: {  	_ =	shalt  }
0x4b: {  	_ =	shalt  }
0x4c: {  	_ =	shalt  }
0x4d: {  	_ =	shalt  }
0x4e: {  	_ =	shalt  }
0x4f: {  	_ =	shalt  }
0x50: {  	_ =	shalt  }
0x51: {  	_ =	shalt  }
0x52: {  	_ =	shalt  }
0x53: {  	_ =	shalt  }
0x54: {  	_ =	shalt  }
0x55: {  	_ =	shalt  }
0x56: {  	_ =	shalt  }
0x57: {  	_ =	shalt  }
0x58: {  	_ =	shalt  }
0x59: {  	_ =	shalt  }
0x5a: {  	_ =	shalt  }
0x5b: {  	_ =	shalt  }
0x5c: {  	_ =	shalt  }
0x5d: {  	_ =	shalt  }
0x5e: {  	_ =	shalt  }
0x5f: {  	_ =	shalt  }
0x60: {  	_ =	shalt  }
0x61: {  	_ =	shalt  }
0x62: {  	_ =	shalt  }
0x63: {  	_ =	shalt  }
0x64: {  	_ =	shalt  }
0x65: {  	_ =	shalt  }
0x66: {  	_ =	shalt  }
0x67: {  	_ =	shalt  }
0x68: {  	_ =	shalt  }
0x69: {  	_ =	shalt  }
0x6a: {  	_ =	shalt  }
0x6b: {  	_ =	shalt  }
0x6c: {  	_ =	shalt  }
0x6d: {  	_ =	shalt  }
0x6e: {  	_ =	shalt  }
0x6f: {  	_ =	shalt  }
0x70: {  	_ =	shalt  }
0x71: {  	_ =	shalt  }
0x72: {  	_ =	shalt  }
0x73: {  	_ =	shalt  }
0x74: {  	_ =	shalt  }
0x75: {  	_ =	shalt  }
0x76: {  	_ =	shalt  }
0x77: {  	_ =	shalt  }
0x78: {  	_ =	shalt  }
0x79: {  	_ =	shalt  }
0x7a: {  	_ =	shalt  }
0x7b: {  	_ =	shalt  }
0x7c: {  	_ =	shalt  }
0x7d: {  	_ =	shalt  }
0x7e: {  	_ =	shalt  }
0x7f: {  	_ =	shalt  }
0x80: {  	_ =	shalt  }
0x81: {  	_ =	shalt  }
0x82: {  	_ =	shalt  }
0x83: {  	_ =	shalt  }
0x84: {  	_ =	shalt  }
0x85: {  	_ =	shalt  }
0x86: {  	_ =	shalt  }
0x87: {  	_ =	shalt  }
.Lfunc_end0:
.L_simem_size_0:
called_computation.1_lowered:
.L_overlay_start_0:
0x88: {  	s2 =	sld [smem:$0x3FD9]  }
0x89: {  	s3 =	sld [smem:$0x3FFE];
	_ =	sdelay $0x1  }
0x8a: {  	s1 =	srdreg.scid  }
0x8b: {  	s0 =	sand.u32 $0x1, s1  }
0x8c: {  	s14 =	sshll.u32 s0, $0xA;
	s2 =	sadd.s32 s3, s2  }
0x8d: {  	s2 =	sadd.s32 s2, s14  }
0x8e: {  	[smem:$0x3FB5] =	sst s2  }
0x8f: {  	_ = 	snop  }
0x90: {  	s2 =	sld [smem:$0x3FD0];
	_ =	sdelay $0x2  }
0x91: {  	s15 =	simm.s32 $0xA;
	s4 =	simm.s32 $0x10  }
0x92: {  	[smem:s4], [sflag:s15] =	dma.local [hbm:s2], $0x1  }
0x93: {  	_ =	swait.eq [sflag:s15], $0x1  }
0x94: {  	[sflag:s15] =	ssyncset.done $0x0  }
0x95: {  	[sflag:s15] =	ssyncadd.s32 $0xFFFFFFFF  }
0x96: {  	s16 =	sld [smem:$0x10];
	(tm) =	ssettm $0x1  }
0x97: {  	s17 =	sld [smem:$0x3FFB];
	_ =	sdelay $0x3  }
0x98: {  	_ =	strace s17  }
0x99: {  	s3 =	sld [smem:$0x3FFC];
	_ =	sdelay $0x3  }
0x9a: {  	_ =	strace s3  }
0x9b: {  	s3 =	sld [smem:$0x3FFD];
	_ =	sdelay $0x3  }
0x9c: {  	_ =	strace s3  }
0x9d: {  	_ =	strace $0x8FFFFFFF  }
0x9e: {  	s18 =	sld [smem:$0x3FDB];
	_ =	sdelay $0x1  }
0x9f: {  	s19 =	simm.s32 $_scs_section_size  }
0xa0: {  	s5 =	simm.s32 $_size__tile_overlayer_lowered;
	s6 =	simm.s32 $_tile_overlayer_lowered  }
0xa1: {  	s22 =	simm.s32 $0x1BFF;
	s21 =	sshll.u32 s6, $0x1;
	s3 =	sadd.s32 s19, s18  }
0xa2: {  	s7 =	simm.s32 $0x0;
	s20 =	sshll.u32 s5, $0x1;
	s5 =	sadd.s32 s21, s3  }
0xa3: {  	[timem:s7], [sflag:s22] =	dma.local [hbm:s5], s20  }
0xa4: {  	_ =	swait.ge [sflag:s22], s20  }
0xa5: {  	s4 =	ssub.s32 $0x0, s20;
	[sflag:s22] =	ssyncset.done $0x0  }
0xa6: {  	[sflag:s22] =	ssyncadd.s32 s4;
	_ =	sdelay $0x1  }
0xa7: {  	s23 =	simm.s32 $0x1B8B  }
0xa8: {  	_ =	swait.ge [sflag:s23], $0x1  }
0xa9: {  	[sflag:s23] =	ssyncset.done $0x0  }
0xaa: {  	s25 =	simm.s32 $0x1B8E;
	s24 =	sld [smem:$0x3FFE];
	[sflag:s23] =	ssyncadd.s32 $0xFFFFFFFF  }
0xab: {  	s26 =	simm.s32 $execute0_lowered;
	[smem:$0x3FD2] =	sst s25  }
0xac: {  	s5 =	sshll.u32 s26, $0x1;
	_ =	strace $0x80000049;
	[dreg:$0x1] =	wrdreg $0xFFFFFFFF  }
0xad: {  	s28 =	simm.s32 $_size_execute0_lowered;
	s3 =	sadd.s32 s3, s5;
	[dreg:$0x0] =	wrdreg $0x0  }
0xae: {  	s5 =	sshll.u32 s28, $0x1;
	[dreg:$0x2] =	wrdreg s3  }
0xaf: {  	[dreg:$0x3] =	wrdreg s5  }
0xb0: {  	[dreg:$0x4] =	wrdreg $0xC0  }
0xb1: {  	_ =	task [dreg:s7], $0x5FFFF  }
0xb2: {  	[dreg:$0x1] =	wrdreg $0xFFFFFFFF  }
0xb3: {  	[dreg:$0x0] =	wrdreg $0x60  }
0xb4: {  	[dreg:$0x2] =	wrdreg s24  }
0xb5: {  	[dreg:$0x3] =	wrdreg s16  }
0xb6: {  	[dreg:$0x4] =	wrdreg $0x9  }
0xb7: {  	_ =	task.clear_ibuf [dreg:s7], $0x5FFFF;
	_ =	strace $0x90000049  }
0xb8: {  	s29 =	simm.s32 $0x9;
	_ =	strace $0x8000004B  }
0xb9: {  	_ =	swait.ge [sflag:s29], $0x1  }
0xba: {  	[sflag:s29] =	ssyncadd.s32 $0xFFFFFFFF  }
0xbb: {  	_ =	strace $0x9000004B  }
0xbc: {  	_ =	sfence  }
0xbd: {  	s30 =	sld [smem:$0x0];
	_ =	sdelay $0x2  }
0xbe: {  	s31 =	sshll.u32 s1, $0xD;
	s1 =	sshrl.u32 s1, $0x2  }
0xbf: {  	s3 =	sand.u32 $0x4000, s31;
	s1 =	sadd.s32 s1, s30  }
0xc0: {  	s0 =	sor.u32 s3, s0;
	s1 =	sshll.u32 s1, $0x11  }
0xc1: {  	s0 =	sor.u32 s1, s0  }
0xc2: {  	s0 =	sadd.s32 $0x8F2B, s0  }
0xc3: {  	[sflag:s0] =	ssyncadd.remote.s32 $0x1  }
0xc4: {  	_ =	sfence.sel $0xFFFF  }
0xc5: {  	[dreg:$0x0] =	wrdreg $0xFFFFFFFF;
	(pc) =	sbr.abs _section_cstart, $3  }
0xc6: {  	[dreg:$0x1] =	wrdreg $0xFFFFFFFF  }
0xc7: {  	_ =	task.clear_ibuf [dreg:s7], $0x2FFFF;
	_ =	strace $0x9FFFFFFF  }
0xc8: {  	(tm) =	ssettm $0x7FFFFFFF  }
0xc9: {  	_ =	shalt  }
tec
execute0_lowered:
.L_overlay_start_1:
0x0: {  	(tag) =	ssettag $0x1  }
0x1: {  	s2 =	srdreg.scid;
	s1 =	rddreg [dreg:$0x0]  }
0x2: {  	s3 =	rddreg [dreg:$0x1];
	s4 =	sand.u32 $0x1, s2;
	s2 =	simm.s32 $0x0  }
0x3: {  	s0 =	stileid.u32;
	s25 =	simm.s32 $0x880;
	[smem:$0x7FF] =	sst s2  }
0x4: {  	s26 =	simm.s32 $0x1080;
	_ =	strace $0x8000004A;
	[dreg:$0x5] =	wrdreg s25  }
0x5: {  	s5 =	sshll.u32 s0, $0x5;
	s0 =	simm.s32 $0x1880;
	[dreg:$0x6] =	wrdreg s26  }
0x6: {  	s7 =	simm.s32 $0x3080;
	[dreg:$0x7] =	wrdreg s0  }
0x7: {  	s8 =	simm.s32 $0x3880;
	[dreg:$0xa] =	wrdreg s7  }
0x8: {  	s9 =	simm.s32 $0x4080;
	[dreg:$0xb] =	wrdreg s8  }
0x9: {  	s10 =	simm.s32 $0x4880;
	[dreg:$0xc] =	wrdreg s9  }
0xa: {  	s11 =	simm.s32 $0x5080;
	[dreg:$0xd] =	wrdreg s10  }
0xb: {  	s12 =	simm.s32 $0x5880;
	[dreg:$0xe] =	wrdreg s11  }
0xc: {  	s13 =	simm.s32 $0x6080;
	[dreg:$0xf] =	wrdreg s12  }
0xd: {  	s14 =	simm.s32 $0x6880;
	[dreg:$0x10] =	wrdreg s13  }
0xe: {  	s15 =	simm.s32 $0x7080;
	[dreg:$0x11] =	wrdreg s14  }
0xf: {  	s16 =	simm.s32 $0x7880;
	s17 =	simm.s32 $0x8080;
	[dreg:$0x12] =	wrdreg s15  }
0x10: {  	s18 =	simm.s32 $0x8880;
	s19 =	simm.s32 $0x9080;
	[dreg:$0x13] =	wrdreg s16  }
0x11: {  	s21 =	simm.s32 $0x9880;
	s22 =	simm.s32 $0xA080;
	[dreg:$0x14] =	wrdreg s17  }
0x12: {  	s23 =	simm.s32 $0xB080;
	s24 =	simm.s32 $0xB880;
	[dreg:$0x15] =	wrdreg s18  }
0x13: {  	s28 =	simm.s32 $0x16080;
	s29 =	simm.s32 $0x16880;
	[dreg:$0x16] =	wrdreg s19  }
0x14: {  	s30 =	simm.s32 $0x17080;
	s31 =	simm.s32 $0x17880;
	[dreg:$0x17] =	wrdreg s21  }
0x15: {  	s6 =	sshll.u32 s4, $0x4;
	s4 =	ssub.s32 $0x2, s4;
	[dreg:$0x18] =	wrdreg s22  }
0x16: {  	s5 =	sor.u32 s6, s5;
	s20 =	sshrl.u32 s4, $0x1;
	[dreg:$0x1a] =	wrdreg s23  }
0x17: {  	s7 =	simm.s32 $0xA880;
	[dreg:$0x1b] =	wrdreg s24;
	s25 =	simm.s32 $0xC080  }
0x18: {  	s8 =	simm.s32 $0x80;
	s26 =	simm.s32 $0xC880;
	s10 =	simm.s32 $0xD880  }
0x19: {  	s11 =	simm.s32 $0xE080;
	s12 =	simm.s32 $0xE880;
	s13 =	simm.s32 $0xF080  }
0x1a: {  	s14 =	simm.s32 $0xF880;
	s15 =	simm.s32 $0x10080;
	s16 =	simm.s32 $0x10880  }
0x1b: {  	s17 =	simm.s32 $0x11080;
	s18 =	simm.s32 $0x11880;
	s19 =	simm.s32 $0x12080  }
0x1c: {  	s21 =	simm.s32 $0x13080;
	s22 =	simm.s32 $0x13880;
	[dreg:$0x19] =	wrdreg s7  }
0x1d: {  	s6 =	sadd.s32 s5, s1;
	s5 =	smul.u32 $0x300, s5;
	[dreg:$0x1c] =	wrdreg s25  }
0x1e: {  	s23 =	simm.s32 $0x14080;
	[dreg:$0x1d] =	wrdreg s26;
	s6 =	sadd.s32 $0x14BE00, s6  }
0x1f: {  	s24 =	simm.s32 $0x14880;
	[dreg:$0x3] =	wrdreg s6;
	s3 =	sadd.s32 s3, s5  }
0x20: {  	s7 =	simm.s32 $0x2;
	s5 =	simm.s32 $0x2080;
	[dreg:$0x4] =	wrdreg s3  }
0x21: {  	s25 =	simm.s32 $0x15080;
	s6 =	simm.s32 $0x2880;
	[dreg:$0x8] =	wrdreg s5  }
0x22: {  	v2 =	vlaneseq.u32;
	s26 =	simm.s32 $0x15880;
	[dreg:$0x9] =	wrdreg s6;
	s3 =	sadd.s32 $0xD3A00, s1  }
0x23: {  	vm0 =	vmmov $0xffff;
	v1 =	vshrl.u32 v2, $0x3;
	s6 =	ssub.s32 s4, s20;
	s4 =	sadd.s32 $0xD3B00, s1;
	s5 =	sadd.s32 $0xD3C00, s1  }
0x24: {  	v0 =	vand.u32 $0x7, v2;
	v2 =	vor.u32 $0x8, v2;
	v1 =	vmul.u32 $0x8, v1;
	s20 =	simm.s32 $0x12880;
	s1 =	simm.s32 $0x1;
	s6 =	smax.u32 s6, $0x1  }
.LBB2_1:
0x25: {  	s0 =	rddreg [dreg:$0x3]  }
0x26: {  	[tilespmem:s2], [sflag:$0x2] =	stream.linear.gather [hbm4b:s0+s2], $0x80, $0x38;
	[tilespmem:$0x18080] =	vst v63  }
0x27: {  	_ =	swait.ge [sflag:s7], $0x80  }
0x28: {  	[sflag:s7] =	ssyncset.done $0x0  }
0x29: {  	[sflag:s7] =	ssyncadd.s32 $0xFFFFFF80  }
0x2a: {  	v3 =	vld [tilespmem:$0x0];
	_ =	sdelay $0x4  }
0x2b: {  	v4 =	vshrl.u32 v3, $0x3  }
0x2c: {  	v4 =	vmul.u32 $0x30, v4  }
0x2d: {  	v3 =	vand.u32 $0x7, v3  }
0x2e: {  	v3 =	vor.u32 v3, v4  }
0x2f: {  	v4 =	vperm.xlane v3, v0;
	_ =	sdelay $0x1  }
0x30: {  	v4 =	vadd.s32 v1, v4;
	_ =	sdelay $0x3  }
0x31: {  	v3 =	vperm.xlane v3, v2  }
0x32: {  	[tilespmem:s8], [sflag:$0x1] =	stream.indirect_vreg.gather [hbm4b:s3+s2], $0x80, v4, vm0, $0xb8;
	[tilespmem:$0x18080] =	vst v63  }
0x33: {  	s0 =	rddreg [dreg:$0x5];
	v3 =	vadd.s32 v1, v3  }
0x34: {  	[tilespmem:s0], [sflag:$0x1] =	stream.indirect_vreg.gather [hbm4b:s4+s2], $0x80, v4, vm0, $0xb8;
	[tilespmem:$0x18080] =	vst v63  }
0x35: {  	s9 =	rddreg [dreg:$0x6]  }
0x36: {  	[tilespmem:s9], [sflag:$0x1] =	stream.indirect_vreg.gather [hbm4b:s5+s2], $0x80, v4, vm0, $0xb8;
	[tilespmem:$0x18080] =	vst v63  }
0x37: {  	s0 =	rddreg [dreg:$0x7]  }
0x38: {  	[tilespmem:s0], [sflag:$0x1] =	stream.indirect_vreg.gather [hbm4b:s3+s2], $0x80, v3, vm0, $0xb8;
	[tilespmem:$0x18080] =	vst v63  }
0x39: {  	s9 =	rddreg [dreg:$0x8]  }
0x3a: {  	[tilespmem:s9], [sflag:$0x1] =	stream.indirect_vreg.gather [hbm4b:s4+s2], $0x80, v3, vm0, $0xb8;
	[tilespmem:$0x18080] =	vst v63  }
0x3b: {  	s0 =	rddreg [dreg:$0x9]  }
0x3c: {  	[tilespmem:s0], [sflag:$0x1] =	stream.indirect_vreg.gather [hbm4b:s5+s2], $0x80, v3, vm0, $0xb8;
	[tilespmem:$0x18080] =	vst v63  }
0x3d: {  	v3 =	vld [tilespmem:$0x10];
	_ =	sdelay $0x4  }
0x3e: {  	v57 =	vshrl.u32 v3, $0x3  }
0x3f: {  	v4 =	vmul.u32 $0x30, v57  }
0x40: {  	v3 =	vand.u32 $0x7, v3  }
0x41: {  	v3 =	vor.u32 v3, v4  }
0x42: {  	v4 =	vperm.xlane v3, v0;
	_ =	sdelay $0x1  }
0x43: {  	v4 =	vadd.s32 v1, v4;
	_ =	sdelay $0x3  }
0x44: {  	s0 =	rddreg [dreg:$0xa];
	v3 =	vperm.xlane v3, v2  }
0x45: {  	[tilespmem:s0], [sflag:$0x1] =	stream.indirect_vreg.gather [hbm4b:s3+s2], $0x80, v4, vm0, $0xb8;
	[tilespmem:$0x18080] =	vst v63  }
0x46: {  	s9 =	rddreg [dreg:$0xb];
	v3 =	vadd.s32 v1, v3  }
0x47: {  	[tilespmem:s9], [sflag:$0x1] =	stream.indirect_vreg.gather [hbm4b:s4+s2], $0x80, v4, vm0, $0xb8;
	[tilespmem:$0x18080] =	vst v63  }
0x48: {  	s0 =	rddreg [dreg:$0xc]  }
0x49: {  	[tilespmem:s0], [sflag:$0x1] =	stream.indirect_vreg.gather [hbm4b:s5+s2], $0x80, v4, vm0, $0xb8;
	[tilespmem:$0x18080] =	vst v63  }
0x4a: {  	s9 =	rddreg [dreg:$0xd]  }
0x4b: {  	[tilespmem:s9], [sflag:$0x1] =	stream.indirect_vreg.gather [hbm4b:s3+s2], $0x80, v3, vm0, $0xb8;
	[tilespmem:$0x18080] =	vst v63  }
0x4c: {  	s0 =	rddreg [dreg:$0xe]  }
0x4d: {  	[tilespmem:s0], [sflag:$0x1] =	stream.indirect_vreg.gather [hbm4b:s4+s2], $0x80, v3, vm0, $0xb8;
	[tilespmem:$0x18080] =	vst v63  }
0x4e: {  	s9 =	rddreg [dreg:$0xf]  }
0x4f: {  	[tilespmem:s9], [sflag:$0x1] =	stream.indirect_vreg.gather [hbm4b:s5+s2], $0x80, v3, vm0, $0xb8;
	[tilespmem:$0x18080] =	vst v63  }
0x50: {  	v3 =	vld [tilespmem:$0x20];
	_ =	sdelay $0x4  }
0x51: {  	v58 =	vshrl.u32 v3, $0x3  }
0x52: {  	v4 =	vmul.u32 $0x30, v58  }
0x53: {  	v3 =	vand.u32 $0x7, v3  }
0x54: {  	v3 =	vor.u32 v3, v4  }
0x55: {  	v4 =	vperm.xlane v3, v0;
	_ =	sdelay $0x1  }
0x56: {  	v4 =	vadd.s32 v1, v4;
	_ =	sdelay $0x3  }
0x57: {  	s0 =	rddreg [dreg:$0x10];
	v3 =	vperm.xlane v3, v2  }
0x58: {  	[tilespmem:s0], [sflag:$0x1] =	stream.indirect_vreg.gather [hbm4b:s3+s2], $0x80, v4, vm0, $0xb8;
	[tilespmem:$0x18080] =	vst v63  }
0x59: {  	s9 =	rddreg [dreg:$0x11];
	v3 =	vadd.s32 v1, v3  }
0x5a: {  	[tilespmem:s9], [sflag:$0x1] =	stream.indirect_vreg.gather [hbm4b:s4+s2], $0x80, v4, vm0, $0xb8;
	[tilespmem:$0x18080] =	vst v63  }
0x5b: {  	s0 =	rddreg [dreg:$0x12]  }
0x5c: {  	[tilespmem:s0], [sflag:$0x1] =	stream.indirect_vreg.gather [hbm4b:s5+s2], $0x80, v4, vm0, $0xb8;
	[tilespmem:$0x18080] =	vst v63  }
0x5d: {  	s9 =	rddreg [dreg:$0x13]  }
0x5e: {  	[tilespmem:s9], [sflag:$0x1] =	stream.indirect_vreg.gather [hbm4b:s3+s2], $0x80, v3, vm0, $0xb8;
	[tilespmem:$0x18080] =	vst v63  }
0x5f: {  	s0 =	rddreg [dreg:$0x14]  }
0x60: {  	[tilespmem:s0], [sflag:$0x1] =	stream.indirect_vreg.gather [hbm4b:s4+s2], $0x80, v3, vm0, $0xb8;
	[tilespmem:$0x18080] =	vst v63  }
0x61: {  	s9 =	rddreg [dreg:$0x15]  }
0x62: {  	[tilespmem:s9], [sflag:$0x1] =	stream.indirect_vreg.gather [hbm4b:s5+s2], $0x80, v3, vm0, $0xb8;
	[tilespmem:$0x18080] =	vst v63  }
0x63: {  	v3 =	vld [tilespmem:$0x30];
	_ =	sdelay $0x4  }
0x64: {  	v59 =	vshrl.u32 v3, $0x3  }
0x65: {  	v4 =	vmul.u32 $0x30, v59  }
0x66: {  	v3 =	vand.u32 $0x7, v3  }
0x67: {  	v3 =	vor.u32 v3, v4  }
0x68: {  	v4 =	vperm.xlane v3, v0;
	_ =	sdelay $0x1  }
0x69: {  	v4 =	vadd.s32 v1, v4;
	_ =	sdelay $0x3  }
0x6a: {  	s0 =	rddreg [dreg:$0x16];
	v3 =	vperm.xlane v3, v2  }
0x6b: {  	[tilespmem:s0], [sflag:$0x1] =	stream.indirect_vreg.gather [hbm4b:s3+s2], $0x80, v4, vm0, $0xb8;
	[tilespmem:$0x18080] =	vst v63  }
0x6c: {  	s9 =	rddreg [dreg:$0x17];
	v3 =	vadd.s32 v1, v3  }
0x6d: {  	[tilespmem:s9], [sflag:$0x1] =	stream.indirect_vreg.gather [hbm4b:s4+s2], $0x80, v4, vm0, $0xb8;
	[tilespmem:$0x18080] =	vst v63  }
0x6e: {  	s0 =	rddreg [dreg:$0x18]  }
0x6f: {  	[tilespmem:s0], [sflag:$0x1] =	stream.indirect_vreg.gather [hbm4b:s5+s2], $0x80, v4, vm0, $0xb8;
	[tilespmem:$0x18080] =	vst v63  }
0x70: {  	s9 =	rddreg [dreg:$0x19]  }
0x71: {  	[tilespmem:s9], [sflag:$0x1] =	stream.indirect_vreg.gather [hbm4b:s3+s2], $0x80, v3, vm0, $0xb8;
	[tilespmem:$0x18080] =	vst v63  }
0x72: {  	s0 =	rddreg [dreg:$0x1a]  }
0x73: {  	[tilespmem:s0], [sflag:$0x1] =	stream.indirect_vreg.gather [hbm4b:s4+s2], $0x80, v3, vm0, $0xb8;
	[tilespmem:$0x18080] =	vst v63  }
0x74: {  	s9 =	rddreg [dreg:$0x1b]  }
0x75: {  	[tilespmem:s9], [sflag:$0x1] =	stream.indirect_vreg.gather [hbm4b:s5+s2], $0x80, v3, vm0, $0xb8;
	[tilespmem:$0x18080] =	vst v63  }
0x76: {  	v3 =	vld [tilespmem:$0x40];
	_ =	sdelay $0x4  }
0x77: {  	v60 =	vshrl.u32 v3, $0x3  }
0x78: {  	v4 =	vmul.u32 $0x30, v60  }
0x79: {  	v3 =	vand.u32 $0x7, v3  }
0x7a: {  	v3 =	vor.u32 v3, v4  }
0x7b: {  	v4 =	vperm.xlane v3, v0;
	_ =	sdelay $0x1  }
0x7c: {  	v4 =	vadd.s32 v1, v4;
	_ =	sdelay $0x3  }
0x7d: {  	s0 =	rddreg [dreg:$0x1c];
	v3 =	vperm.xlane v3, v2  }
0x7e: {  	[tilespmem:s0], [sflag:$0x1] =	stream.indirect_vreg.gather [hbm4b:s3+s2], $0x80, v4, vm0, $0xb8;
	[tilespmem:$0x18080] =	vst v63  }
0x7f: {  	s9 =	rddreg [dreg:$0x1d];
	v3 =	vadd.s32 v1, v3  }
0x80: {  	[tilespmem:s9], [sflag:$0x1] =	stream.indirect_vreg.gather [hbm4b:s4+s2], $0x80, v4, vm0, $0xb8;
	[tilespmem:$0x18080] =	vst v63  }
0x81: {  	s9 =	simm.s32 $0xD080  }
0x82: {  	[tilespmem:s9], [sflag:$0x1] =	stream.indirect_vreg.gather [hbm4b:s5+s2], $0x80, v4, vm0, $0xb8;
	[tilespmem:$0x18080] =	vst v63  }
0x83: {  	_ = 	snop  }
0x84: {  	[tilespmem:s10], [sflag:$0x1] =	stream.indirect_vreg.gather [hbm4b:s3+s2], $0x80, v3, vm0, $0xb8;
	[tilespmem:$0x18080] =	vst v63  }
0x85: {  	_ = 	snop  }
0x86: {  	[tilespmem:s11], [sflag:$0x1] =	stream.indirect_vreg.gather [hbm4b:s4+s2], $0x80, v3, vm0, $0xb8;
	[tilespmem:$0x18080] =	vst v63  }
0x87: {  	_ = 	snop  }
0x88: {  	[tilespmem:s12], [sflag:$0x1] =	stream.indirect_vreg.gather [hbm4b:s5+s2], $0x80, v3, vm0, $0xb8;
	[tilespmem:$0x18080] =	vst v63  }
0x89: {  	v3 =	vld [tilespmem:$0x50];
	_ =	sdelay $0x4  }
0x8a: {  	v61 =	vshrl.u32 v3, $0x3  }
0x8b: {  	v4 =	vmul.u32 $0x30, v61  }
0x8c: {  	v3 =	vand.u32 $0x7, v3  }
0x8d: {  	v3 =	vor.u32 v3, v4  }
0x8e: {  	v4 =	vperm.xlane v3, v0;
	_ =	sdelay $0x1  }
0x8f: {  	v4 =	vadd.s32 v1, v4;
	_ =	sdelay $0x3  }
0x90: {  	v3 =	vperm.xlane v3, v2  }
0x91: {  	[tilespmem:s13], [sflag:$0x1] =	stream.indirect_vreg.gather [hbm4b:s3+s2], $0x80, v4, vm0, $0xb8;
	[tilespmem:$0x18080] =	vst v63  }
0x92: {  	v3 =	vadd.s32 v1, v3  }
0x93: {  	[tilespmem:s14], [sflag:$0x1] =	stream.indirect_vreg.gather [hbm4b:s4+s2], $0x80, v4, vm0, $0xb8;
	[tilespmem:$0x18080] =	vst v63  }
0x94: {  	_ = 	snop  }
0x95: {  	[tilespmem:s15], [sflag:$0x1] =	stream.indirect_vreg.gather [hbm4b:s5+s2], $0x80, v4, vm0, $0xb8;
	[tilespmem:$0x18080] =	vst v63  }
0x96: {  	_ = 	snop  }
0x97: {  	[tilespmem:s16], [sflag:$0x1] =	stream.indirect_vreg.gather [hbm4b:s3+s2], $0x80, v3, vm0, $0xb8;
	[tilespmem:$0x18080] =	vst v63  }
0x98: {  	_ = 	snop  }
0x99: {  	[tilespmem:s17], [sflag:$0x1] =	stream.indirect_vreg.gather [hbm4b:s4+s2], $0x80, v3, vm0, $0xb8;
	[tilespmem:$0x18080] =	vst v63  }
0x9a: {  	_ = 	snop  }
0x9b: {  	[tilespmem:s18], [sflag:$0x1] =	stream.indirect_vreg.gather [hbm4b:s5+s2], $0x80, v3, vm0, $0xb8;
	[tilespmem:$0x18080] =	vst v63  }
0x9c: {  	v3 =	vld [tilespmem:$0x60];
	_ =	sdelay $0x4  }
0x9d: {  	v62 =	vshrl.u32 v3, $0x3  }
0x9e: {  	v4 =	vmul.u32 $0x30, v62  }
0x9f: {  	v3 =	vand.u32 $0x7, v3  }
0xa0: {  	v3 =	vor.u32 v3, v4  }
0xa1: {  	v4 =	vperm.xlane v3, v0;
	_ =	sdelay $0x1  }
0xa2: {  	v4 =	vadd.s32 v1, v4;
	_ =	sdelay $0x3  }
0xa3: {  	v3 =	vperm.xlane v3, v2  }
0xa4: {  	[tilespmem:s19], [sflag:$0x1] =	stream.indirect_vreg.gather [hbm4b:s3+s2], $0x80, v4, vm0, $0xb8;
	[tilespmem:$0x18080] =	vst v63  }
0xa5: {  	v3 =	vadd.s32 v1, v3  }
0xa6: {  	[tilespmem:s20], [sflag:$0x1] =	stream.indirect_vreg.gather [hbm4b:s4+s2], $0x80, v4, vm0, $0xb8;
	[tilespmem:$0x18080] =	vst v63  }
0xa7: {  	_ = 	snop  }
0xa8: {  	[tilespmem:s21], [sflag:$0x1] =	stream.indirect_vreg.gather [hbm4b:s5+s2], $0x80, v4, vm0, $0xb8;
	[tilespmem:$0x18080] =	vst v63  }
0xa9: {  	_ = 	snop  }
0xaa: {  	[tilespmem:s22], [sflag:$0x1] =	stream.indirect_vreg.gather [hbm4b:s3+s2], $0x80, v3, vm0, $0xb8;
	[tilespmem:$0x18080] =	vst v63  }
0xab: {  	_ = 	snop  }
0xac: {  	[tilespmem:s23], [sflag:$0x1] =	stream.indirect_vreg.gather [hbm4b:s4+s2], $0x80, v3, vm0, $0xb8;
	[tilespmem:$0x18080] =	vst v63  }
0xad: {  	_ = 	snop  }
0xae: {  	[tilespmem:s24], [sflag:$0x1] =	stream.indirect_vreg.gather [hbm4b:s5+s2], $0x80, v3, vm0, $0xb8;
	[tilespmem:$0x18080] =	vst v63  }
0xaf: {  	v3 =	vld [tilespmem:$0x70];
	_ =	sdelay $0x4  }
0xb0: {  	v63 =	vshrl.u32 v3, $0x3  }
0xb1: {  	v4 =	vmul.u32 $0x30, v63  }
0xb2: {  	v3 =	vand.u32 $0x7, v3  }
0xb3: {  	v3 =	vor.u32 v3, v4  }
0xb4: {  	v4 =	vperm.xlane v3, v0;
	_ =	sdelay $0x1  }
0xb5: {  	v4 =	vadd.s32 v1, v4;
	_ =	sdelay $0x3  }
0xb6: {  	v3 =	vperm.xlane v3, v2  }
0xb7: {  	[tilespmem:s25], [sflag:$0x1] =	stream.indirect_vreg.gather [hbm4b:s3+s2], $0x80, v4, vm0, $0xb8;
	[tilespmem:$0x18080] =	vst v63  }
0xb8: {  	v3 =	vadd.s32 v1, v3  }
0xb9: {  	[tilespmem:s26], [sflag:$0x1] =	stream.indirect_vreg.gather [hbm4b:s4+s2], $0x80, v4, vm0, $0xb8;
	[tilespmem:$0x18080] =	vst v63  }
0xba: {  	_ = 	snop  }
0xbb: {  	[tilespmem:s28], [sflag:$0x1] =	stream.indirect_vreg.gather [hbm4b:s5+s2], $0x80, v4, vm0, $0xb8;
	[tilespmem:$0x18080] =	vst v63  }
0xbc: {  	_ = 	snop  }
0xbd: {  	[tilespmem:s29], [sflag:$0x1] =	stream.indirect_vreg.gather [hbm4b:s3+s2], $0x80, v3, vm0, $0xb8;
	[tilespmem:$0x18080] =	vst v63  }
0xbe: {  	_ = 	snop  }
0xbf: {  	[tilespmem:s30], [sflag:$0x1] =	stream.indirect_vreg.gather [hbm4b:s4+s2], $0x80, v3, vm0, $0xb8;
	[tilespmem:$0x18080] =	vst v63  }
0xc0: {  	_ = 	snop  }
0xc1: {  	[tilespmem:s31], [sflag:$0x1] =	stream.indirect_vreg.gather [hbm4b:s5+s2], $0x80, v3, vm0, $0xb8;
	[tilespmem:$0x18080] =	vst v63  }
0xc2: {  	_ =	swait.ge [sflag:s1], $0x18000  }
0xc3: {  	p0 =	sne.s32 s6, $0x1;
	[sflag:s1] =	ssyncset.done $0x0  }
.Ltmp0:
0xc4: {  	s9 =	rddreg [dreg:$0x4];
	[sflag:s1] =	ssyncadd.s32 $0xFFFE8000;
	(pc) =	sbr.rel @p0 .LBB2_1-.Ltmp0, $4  }
0xc5: {  	[hbm4b:s9+s2] =	stream.linear.scatter [tilespmem:s8], [sflag:$0x2], $0x18000, $0x38;
	[tilespmem:$0x18080] =	vst v63  }
0xc6: {  	_ =	swait.ge [sflag:s7], $0x18000  }
0xc7: {  	[sflag:s7] =	ssyncset.done $0x0  }
0xc8: {  	s6 =	sadd.s32 $0xFFFFFFFF, s6;
	[sflag:s7] =	ssyncadd.s32 $0xFFFE8000  }
0xc9: {  	_ =	sfence.sel $0x180000  }
0xca: {  	[bflag:$0x0] =	sbarrier.arrive $0xFFFF  }
0xcb: {  	_ =	strace $0x9000004A  }
0xcc: {  	s0 =	stileid.u32;
	[bflag:$0x2] =	sbarrier.arrive $0xFFFF  }
0xcd: {  	p0 =	sne.s32 s0, $0x0;
	s0 =	rddreg [dreg:$0x2]  }
0xce: {  	s0 =	sadd.s32 @!p0 $0x100000, s0  }
0xcf: {  	[sflag:s0] =	ssyncadd.tile.s32 @!p0 $0x1;
	_ =	shalt  }
.Lfunc_end2:
_tile_overlayer_lowered:
.L_overlay_start_2:
0xd0: {  	(tag) =	ssettag $0x2  }
0xd1: {  	s0 =	rddreg [dreg:$0x0];
	s2 =	stileid.u32  }
0xd2: {  	s1 =	rddreg [dreg:$0x1];
	p0 =	sne.s32 s2, $0x0  }
0xd3: {  	s3 =	rddreg [dreg:$0x2];
	[bflag:$0x3] =	sbarrier.arrive $0xFFFF;
	s2 =	simm.s32 @!p0 $0x1C02  }
0xd4: {  	[timem:s3], [sflag:s2] =	dma.local @!p0 [hbm:s0], s1  }
0xd5: {  	s0 =	simm.s32 @!p0 $0x2  }
0xd6: {  	_ =	swait.ge @!p0 [sflag:s0], s1  }
0xd7: {  	s1 =	ssub.s32 @!p0 $0x0, s1;
	[sflag:s0] =	ssyncset.done @!p0 $0x0  }
0xd8: {  	[sflag:s0] =	ssyncadd.s32 @!p0 s1  }
0xd9: {  	[bflag:$0x3] =	sbarrier.arrive $0xFFFF  }
0xda: {  	_ =	shalt  }

// kernel: kernel.21.cloned.1.call-start
scs
__scs_entry_jumppad:
0x0: {  	(pc) =	sbr.rel $0x88, $3  }
0x1: {  	(tag) =	ssettag $0x0;
	lr =	simm.s32 $0x1  }
0x2: {  	[smem:$0x3F8E] =	sst lr;
	_ =	strace $0xD0000000  }
0x3: {  	_ = 	snop  }
0x4: {  	_ = 	snop  }
0x5: {  	_ = 	snop  }
0x6: {  	_ = 	snop  }
0x7: {  	_ = 	snop  }
__scs_overlays_trampoline_lowered:
0x8: {  	[smem:$0x3F9D] =	sst s0  }
0x9: {  	[smem:$0x3F9E] =	sst s1  }
0xa: {  	[smem:$0x3F9F] =	sst s2  }
0xb: {  	[smem:$0x3FA0] =	sst s3  }
0xc: {  	[smem:$0x3FA1] =	sst s4  }
0xd: {  	[smem:$0x3FA2] =	sst s5  }
0xe: {  	[smem:$0x3FA3] =	sst s6  }
0xf: {  	[smem:$0x3FA4] =	sst s7  }
0x10: {  	[smem:$0x3FA5] =	sst s8  }
0x11: {  	[smem:$0x3FA6] =	sst s9;
	s0 =	simm.s32 @!p0 $0x0  }
0x12: {  	s1 =	sld [smem:$0x3F8C];
	s0 =	simm.s32 @p0 $0x1  }
0x13: {  	[smem:$0x3FA7] =	sst s0;
	s0 =	simm.s32 @!p1 $0x0  }
0x14: {  	s2 =	sld [smem:$0x3F8B];
	s0 =	simm.s32 @p1 $0x1  }
0x15: {  	[smem:$0x3FA8] =	sst s0;
	s0 =	simm.s32 @!p2 $0x0  }
0x16: {  	s3 =	sld [smem:$0x3FDB];
	s0 =	simm.s32 @p2 $0x1  }
0x17: {  	s4 =	simm.s32 $0x1BF5;
	[smem:$0x3FAA] =	sst s0  }
0x18: {  	s0 =	sld [smem:$0x3F8D];
	_ =	swait.ge [sflag:s4], $0x0  }
0x19: {  	s7 =	sld [smem:$0x3F8E]  }
0x1a: {  	s8 =	sadd.s32 $0xFFFFE003, lr  }
0x1b: {  	s9 =	sadd.s32 $0xFFFFFEF7, lr;
	s5 =	simm.s32 $0xFFFFFFFF;
	p2 =	slt.u32 s8, $0xFFFFF086  }
0x1c: {  	p1 =	slt.u32 s9, $0xF7A;
	s5 =	simm.s32 @!p2 $0x0  }
0x1d: {  	s5 =	simm.s32 @p1 $0x1;
	p0 =	seq.s32 s7, s2  }
0x1e: {  	s7 =	smul.u32 @!p0 $0xF7A, s2;
	p2 =	seq.s32 @!p0 s5, $0x0  }
0x1f: {  	s9 =	smul.u32 $0xF7A, s1;
	s8 =	simm.s32 @!p0 $0x1BF5;
	p2 =	por !p2, p0  }
0x20: {  	[sflag:s8] =	ssyncset.s32 @!p0 $0xFFFFF086;
	s6 =	sadd.s32 @!p0 s3, s7;
	s7 =	simm.s32 @!p0 $0x108  }
0x21: {  	s3 =	sadd.s32 s3, s9;
	s6 =	sadd.s32 @!p0 $0x88, s6;
	s7 =	simm.s32 @p2 $0x1082  }
0x22: {  	[simem:s7], [sflag:s8] =	dma.local @!p0 [hbm:s6], $0xF7A  }
0x23: {  	s9 =	sor.u32 $0xD0000000, s2;
	s6 =	simm.s32 $0x108;
	_ =	swait.ge @!p0 [sflag:s8], $0x0  }
0x24: {  	s3 =	sadd.s32 $0x88, s3;
	s6 =	simm.s32 @!p1 $0x1082;
	[sflag:s4] =	ssyncset.s32 $0xFFFFF086  }
0x25: {  	[simem:s6], [sflag:s4] =	dma.local [hbm:s3], $0xF7A  }
0x26: {  	[smem:$0x3F8E] =	sst s1;
	(tag) =	ssettag s2;
	_ =	strace s9  }
0x27: {  	s1 =	sld [smem:$0x3F9E]  }
0x28: {  	s2 =	sld [smem:$0x3F9F]  }
0x29: {  	s4 =	sld [smem:$0x3FA1]  }
0x2a: {  	p0 =	seq.s32 s5, $0x0;
	s5 =	sld [smem:$0x3FA2]  }
0x2b: {  	s6 =	sld [smem:$0x3FA3]  }
0x2c: {  	s7 =	sld [smem:$0x3FA4]  }
0x2d: {  	s3 =	simm.s32 $0x108;
	s8 =	sld [smem:$0x3FA5]  }
0x2e: {  	s3 =	simm.s32 @!p0 $0x1082;
	s9 =	sld [smem:$0x3FA6]  }
0x2f: {  	lr =	sadd.s32 s0, s3;
	s0 =	sld [smem:$0x3F9D]  }
0x30: {  	s3 =	sld [smem:$0x3FA0]  }
0x31: {  	[smem:$0x3FA9] =	sst s10  }
0x32: {  	s10 =	sld [smem:$0x3FA7];
	_ =	sdelay $0x3  }
0x33: {  	p0 =	seq.s32 s10, $0x1;
	s10 =	sld [smem:$0x3FA9];
	_ =	sdelay $0x3  }
0x34: {  	[smem:$0x3FA9] =	sst s10  }
0x35: {  	s10 =	sld [smem:$0x3FA8];
	_ =	sdelay $0x3  }
0x36: {  	p1 =	seq.s32 s10, $0x1;
	s10 =	sld [smem:$0x3FA9];
	_ =	sdelay $0x3  }
0x37: {  	[smem:$0x3FA9] =	sst s10  }
0x38: {  	s10 =	sld [smem:$0x3FAA]  }
0x39: {  	_ = 	snop;
	(pc) =	sbr.ind lr, $3  }
0x3a: {  	_ = 	snop  }
0x3b: {  	_ = 	snop  }
0x3c: {  	p2 =	seq.s32 s10, $0x1;
	s10 =	sld [smem:$0x3FA9]  }
0x3d: {  	_ =	shalt  }
0x3e: {  	_ =	shalt  }
0x3f: {  	_ =	shalt  }
0x40: {  	_ =	shalt  }
0x41: {  	_ =	shalt  }
0x42: {  	_ =	shalt  }
0x43: {  	_ =	shalt  }
0x44: {  	_ =	shalt  }
0x45: {  	_ =	shalt  }
0x46: {  	_ =	shalt  }
0x47: {  	_ =	shalt  }
0x48: {  	_ =	shalt  }
0x49: {  	_ =	shalt  }
0x4a: {  	_ =	shalt  }
0x4b: {  	_ =	shalt  }
0x4c: {  	_ =	shalt  }
0x4d: {  	_ =	shalt  }
0x4e: {  	_ =	shalt  }
0x4f: {  	_ =	shalt  }
0x50: {  	_ =	shalt  }
0x51: {  	_ =	shalt  }
0x52: {  	_ =	shalt  }
0x53: {  	_ =	shalt  }
0x54: {  	_ =	shalt  }
0x55: {  	_ =	shalt  }
0x56: {  	_ =	shalt  }
0x57: {  	_ =	shalt  }
0x58: {  	_ =	shalt  }
0x59: {  	_ =	shalt  }
0x5a: {  	_ =	shalt  }
0x5b: {  	_ =	shalt  }
0x5c: {  	_ =	shalt  }
0x5d: {  	_ =	shalt  }
0x5e: {  	_ =	shalt  }
0x5f: {  	_ =	shalt  }
0x60: {  	_ =	shalt  }
0x61: {  	_ =	shalt  }
0x62: {  	_ =	shalt  }
0x63: {  	_ =	shalt  }
0x64: {  	_ =	shalt  }
0x65: {  	_ =	shalt  }
0x66: {  	_ =	shalt  }
0x67: {  	_ =	shalt  }
0x68: {  	_ =	shalt  }
0x69: {  	_ =	shalt  }
0x6a: {  	_ =	shalt  }
0x6b: {  	_ =	shalt  }
0x6c: {  	_ =	shalt  }
0x6d: {  	_ =	shalt  }
0x6e: {  	_ =	shalt  }
0x6f: {  	_ =	shalt  }
0x70: {  	_ =	shalt  }
0x71: {  	_ =	shalt  }
0x72: {  	_ =	shalt  }
0x73: {  	_ =	shalt  }
0x74: {  	_ =	shalt  }
0x75: {  	_ =	shalt  }
0x76: {  	_ =	shalt  }
0x77: {  	_ =	shalt  }
0x78: {  	_ =	shalt  }
0x79: {  	_ =	shalt  }
0x7a: {  	_ =	shalt  }
0x7b: {  	_ =	shalt  }
0x7c: {  	_ =	shalt  }
0x7d: {  	_ =	shalt  }
0x7e: {  	_ =	shalt  }
0x7f: {  	_ =	shalt  }
0x80: {  	_ =	shalt  }
0x81: {  	_ =	shalt  }
0x82: {  	_ =	shalt  }
0x83: {  	_ =	shalt  }
0x84: {  	_ =	shalt  }
0x85: {  	_ =	shalt  }
0x86: {  	_ =	shalt  }
0x87: {  	_ =	shalt  }
.Lfunc_end0:
.L_simem_size_0:
called_computation.2_lowered:
.L_overlay_start_0:
0x88: {  	s2 =	sld [smem:$0x3FD9]  }
0x89: {  	s3 =	sld [smem:$0x3FFE];
	_ =	sdelay $0x1  }
0x8a: {  	s1 =	srdreg.scid  }
0x8b: {  	s0 =	sand.u32 $0x1, s1  }
0x8c: {  	s16 =	sshll.u32 s0, $0xA;
	s2 =	sadd.s32 s3, s2  }
0x8d: {  	s2 =	sadd.s32 s2, s16  }
0x8e: {  	[smem:$0x3FB5] =	sst s2  }
0x8f: {  	_ = 	snop  }
0x90: {  	(tm) =	ssettm $0x1  }
0x91: {  	s17 =	sld [smem:$0x3FFB];
	_ =	sdelay $0x3  }
0x92: {  	_ =	strace s17  }
0x93: {  	s2 =	sld [smem:$0x3FFC];
	_ =	sdelay $0x3  }
0x94: {  	_ =	strace s2  }
0x95: {  	s2 =	sld [smem:$0x3FFD];
	_ =	sdelay $0x3  }
0x96: {  	_ =	strace s2  }
0x97: {  	_ =	strace $0x8FFFFFFF  }
0x98: {  	s18 =	sld [smem:$0x3FDB];
	_ =	sdelay $0x1  }
0x99: {  	s19 =	simm.s32 $_scs_section_size  }
0x9a: {  	s4 =	simm.s32 $_size__tile_overlayer_lowered;
	s5 =	simm.s32 $_tile_overlayer_lowered  }
0x9b: {  	s22 =	simm.s32 $0x1BFF;
	s21 =	sshll.u32 s5, $0x1;
	s2 =	sadd.s32 s19, s18  }
0x9c: {  	s6 =	simm.s32 $0x0;
	s20 =	sshll.u32 s4, $0x1;
	s4 =	sadd.s32 s21, s2  }
0x9d: {  	[timem:s6], [sflag:s22] =	dma.local [hbm:s4], s20  }
0x9e: {  	_ =	swait.ge [sflag:s22], s20  }
0x9f: {  	s3 =	ssub.s32 $0x0, s20;
	[sflag:s22] =	ssyncset.done $0x0  }
0xa0: {  	[sflag:s22] =	ssyncadd.s32 s3;
	_ =	sdelay $0x1  }
0xa1: {  	s23 =	simm.s32 $0x1B8B  }
0xa2: {  	_ =	swait.ge [sflag:s23], $0x1  }
0xa3: {  	[sflag:s23] =	ssyncset.done $0x0  }
0xa4: {  	s25 =	simm.s32 $0x1B8E;
	s24 =	sld [smem:$0x3FFE];
	[sflag:s23] =	ssyncadd.s32 $0xFFFFFFFF  }
0xa5: {  	s26 =	simm.s32 $execute0_lowered;
	[smem:$0x3FD2] =	sst s25  }
0xa6: {  	s4 =	sshll.u32 s26, $0x1;
	_ =	strace $0x8000004C;
	[dreg:$0x1] =	wrdreg $0xFFFFFFFF  }
0xa7: {  	s28 =	simm.s32 $_size_execute0_lowered;
	s2 =	sadd.s32 s2, s4;
	[dreg:$0x0] =	wrdreg $0x0  }
0xa8: {  	s4 =	sshll.u32 s28, $0x1;
	[dreg:$0x2] =	wrdreg s2  }
0xa9: {  	[dreg:$0x3] =	wrdreg s4  }
0xaa: {  	[dreg:$0x4] =	wrdreg $0xC0  }
0xab: {  	_ =	task [dreg:s6], $0x5FFFF  }
0xac: {  	[dreg:$0x1] =	wrdreg $0xFFFFFFFF  }
0xad: {  	[dreg:$0x0] =	wrdreg $0x60  }
0xae: {  	[dreg:$0x2] =	wrdreg s24  }
0xaf: {  	[dreg:$0x3] =	wrdreg $0x9  }
0xb0: {  	_ =	task.clear_ibuf [dreg:s6], $0x4FFFF;
	_ =	strace $0x9000004C  }
0xb1: {  	s29 =	simm.s32 $0x9;
	_ =	strace $0x8000004E  }
0xb2: {  	_ =	swait.ge [sflag:s29], $0x1  }
0xb3: {  	[sflag:s29] =	ssyncadd.s32 $0xFFFFFFFF  }
0xb4: {  	_ =	strace $0x9000004E  }
0xb5: {  	_ =	sfence  }
0xb6: {  	s30 =	sld [smem:$0x0];
	_ =	sdelay $0x2  }
0xb7: {  	s31 =	sshll.u32 s1, $0xD;
	s1 =	sshrl.u32 s1, $0x2  }
0xb8: {  	s3 =	sand.u32 $0x4000, s31;
	s1 =	sadd.s32 s1, s30  }
0xb9: {  	s0 =	sor.u32 s3, s0;
	s1 =	sshll.u32 s1, $0x11  }
0xba: {  	s0 =	sor.u32 s1, s0  }
0xbb: {  	s0 =	sadd.s32 $0x8F2B, s0  }
0xbc: {  	[sflag:s0] =	ssyncadd.remote.s32 $0x1  }
0xbd: {  	_ =	sfence.sel $0xFFFF  }
0xbe: {  	[dreg:$0x0] =	wrdreg $0xFFFFFFFF;
	(pc) =	sbr.abs _section_cstart, $3  }
0xbf: {  	[dreg:$0x1] =	wrdreg $0xFFFFFFFF  }
0xc0: {  	_ =	task.clear_ibuf [dreg:s6], $0x2FFFF;
	_ =	strace $0x9FFFFFFF  }
0xc1: {  	(tm) =	ssettm $0x7FFFFFFF  }
tec
execute0_lowered:
.L_overlay_start_1:
0x0: {  	(tag) =	ssettag $0x1  }
0x1: {  	s1 =	srdreg.scid  }
0x2: {  	s0 =	stileid.u32;
	s1 =	sand.u32 $0x1, s1  }
0x3: {  	s2 =	sshll.u32 s0, $0x5;
	s3 =	sshll.u32 s1, $0x4  }
0x4: {  	s5 =	rddreg [dreg:$0x0];
	s3 =	sor.u32 s3, s2;
	s2 =	simm.s32 $0x0  }
0x5: {  	s26 =	simm.s32 $0x880;
	[smem:$0x7FF] =	sst s2  }
0x6: {  	s0 =	simm.s32 $0x1080;
	_ =	strace $0x8000004D;
	[dreg:$0x4] =	wrdreg s26  }
0x7: {  	s6 =	simm.s32 $0x2080;
	[dreg:$0x5] =	wrdreg s0  }
0x8: {  	s7 =	simm.s32 $0x2880;
	[dreg:$0x7] =	wrdreg s6  }
0x9: {  	s8 =	simm.s32 $0x3080;
	[dreg:$0x8] =	wrdreg s7  }
0xa: {  	s9 =	simm.s32 $0x3880;
	[dreg:$0x9] =	wrdreg s8  }
0xb: {  	s10 =	simm.s32 $0x4080;
	[dreg:$0xa] =	wrdreg s9  }
0xc: {  	s11 =	simm.s32 $0x4880;
	[dreg:$0xb] =	wrdreg s10  }
0xd: {  	s12 =	simm.s32 $0x5080;
	[dreg:$0xc] =	wrdreg s11  }
0xe: {  	s13 =	simm.s32 $0x5880;
	[dreg:$0xd] =	wrdreg s12  }
0xf: {  	s14 =	simm.s32 $0x6080;
	[dreg:$0xe] =	wrdreg s13  }
0x10: {  	s15 =	simm.s32 $0x6880;
	[dreg:$0xf] =	wrdreg s14  }
0x11: {  	s16 =	simm.s32 $0x7080;
	[dreg:$0x10] =	wrdreg s15  }
0x12: {  	s17 =	simm.s32 $0x7880;
	s18 =	simm.s32 $0x8080;
	[dreg:$0x11] =	wrdreg s16  }
0x13: {  	s19 =	simm.s32 $0x8880;
	s20 =	simm.s32 $0x9080;
	[dreg:$0x12] =	wrdreg s17  }
0x14: {  	s21 =	simm.s32 $0x9880;
	s22 =	simm.s32 $0xA080;
	[dreg:$0x13] =	wrdreg s18  }
0x15: {  	s23 =	simm.s32 $0xA880;
	s24 =	simm.s32 $0xB880;
	[dreg:$0x14] =	wrdreg s19  }
0x16: {  	s28 =	simm.s32 $0x16080;
	s29 =	simm.s32 $0x16880;
	[dreg:$0x15] =	wrdreg s20  }
0x17: {  	s30 =	simm.s32 $0x17080;
	s31 =	simm.s32 $0x17880;
	[dreg:$0x16] =	wrdreg s21  }
0x18: {  	s4 =	smul.u32 $0x300, s3;
	s3 =	sadd.s32 s3, s5;
	[dreg:$0x17] =	wrdreg s22  }
0x19: {  	s1 =	ssub.s32 $0x2, s1;
	s3 =	sadd.s32 $0xC3800, s3;
	[dreg:$0x18] =	wrdreg s23  }
0x1a: {  	s6 =	sshrl.u32 s1, $0x1;
	s7 =	simm.s32 $0xB080;
	[dreg:$0x1a] =	wrdreg s24  }
0x1b: {  	s8 =	simm.s32 $0x80;
	s26 =	simm.s32 $0xC880;
	s10 =	simm.s32 $0xD880  }
0x1c: {  	s11 =	simm.s32 $0xE080;
	s12 =	simm.s32 $0xE880;
	s13 =	simm.s32 $0xF080  }
0x1d: {  	s14 =	simm.s32 $0xF880;
	s15 =	simm.s32 $0x10080;
	s16 =	simm.s32 $0x10880  }
0x1e: {  	s17 =	simm.s32 $0x11080;
	s18 =	simm.s32 $0x11880;
	s19 =	simm.s32 $0x12080  }
0x1f: {  	s20 =	simm.s32 $0x12880;
	s21 =	simm.s32 $0x13080;
	s22 =	simm.s32 $0x13880  }
0x20: {  	s23 =	simm.s32 $0x14080;
	s24 =	simm.s32 $0x14880;
	[dreg:$0x2] =	wrdreg s3  }
0x21: {  	s4 =	sadd.s32 s4, s5;
	s3 =	sadd.s32 $0xD3A00, s5;
	[dreg:$0x19] =	wrdreg s7  }
0x22: {  	s1 =	ssub.s32 s1, s6;
	s7 =	simm.s32 $0x2;
	[dreg:$0x1c] =	wrdreg s26  }
0x23: {  	s26 =	simm.s32 $0x15880;
	s25 =	sadd.s32 $0x3800, s4;
	s4 =	simm.s32 $0x1880  }
0x24: {  	v2 =	vlaneseq.u32;
	s6 =	smax.u32 s1, $0x1;
	s1 =	simm.s32 $0x1;
	[dreg:$0x3] =	wrdreg s25  }
0x25: {  	vm0 =	vmmov $0xffff;
	v1 =	vshrl.u32 v2, $0x3;
	[dreg:$0x6] =	wrdreg s4;
	s4 =	sadd.s32 $0xD3B00, s5;
	s25 =	simm.s32 $0xC080  }
0x26: {  	v0 =	vand.u32 $0x7, v2;
	v2 =	vor.u32 $0x8, v2;
	v1 =	vmul.u32 $0x8, v1;
	s5 =	sadd.s32 $0xD3C00, s5;
	[dreg:$0x1b] =	wrdreg s25;
	s25 =	simm.s32 $0x15080  }
.LBB2_1:
0x27: {  	s0 =	rddreg [dreg:$0x2]  }
0x28: {  	[tilespmem:s2], [sflag:$0x2] =	stream.linear.gather [hbm4b:s0+s2], $0x80, $0x38;
	[tilespmem:$0x18080] =	vst v63  }
0x29: {  	_ =	swait.ge [sflag:s7], $0x80  }
0x2a: {  	[sflag:s7] =	ssyncset.done $0x0  }
0x2b: {  	s9 =	rddreg [dreg:$0x3];
	[sflag:s7] =	ssyncadd.s32 $0xFFFFFF80  }
0x2c: {  	[tilespmem:s8], [sflag:$0x2] =	stream.linear.gather [hbm4b:s9+s2], $0x18000, $0x38;
	[tilespmem:$0x18080] =	vst v63  }
0x2d: {  	_ =	swait.ge [sflag:s7], $0x18000  }
0x2e: {  	[sflag:s7] =	ssyncset.done $0x0  }
0x2f: {  	[sflag:s7] =	ssyncadd.s32 $0xFFFE8000  }
0x30: {  	v3 =	vld [tilespmem:$0x0];
	_ =	sdelay $0x4  }
0x31: {  	v4 =	vshrl.u32 v3, $0x3  }
0x32: {  	v4 =	vmul.u32 $0x30, v4  }
0x33: {  	v3 =	vand.u32 $0x7, v3  }
0x34: {  	v3 =	vor.u32 v3, v4  }
0x35: {  	v4 =	vperm.xlane v3, v0;
	_ =	sdelay $0x1  }
0x36: {  	v4 =	vadd.s32 v1, v4;
	_ =	sdelay $0x3  }
0x37: {  	v3 =	vperm.xlane v3, v2  }
0x38: {  	[hbm4b:s3+s2] =	stream.indirect_vreg.scatter [tilespmem:s8], [sflag:$0x1], $0x80, v4, vm0, $0xb8;
	[tilespmem:$0x18080] =	vst v63  }
0x39: {  	s0 =	rddreg [dreg:$0x4];
	v3 =	vadd.s32 v1, v3  }
0x3a: {  	[hbm4b:s4+s2] =	stream.indirect_vreg.scatter [tilespmem:s0], [sflag:$0x1], $0x80, v4, vm0, $0xb8;
	[tilespmem:$0x18080] =	vst v63  }
0x3b: {  	s9 =	rddreg [dreg:$0x5]  }
0x3c: {  	[hbm4b:s5+s2] =	stream.indirect_vreg.scatter [tilespmem:s9], [sflag:$0x1], $0x80, v4, vm0, $0xb8;
	[tilespmem:$0x18080] =	vst v63  }
0x3d: {  	s0 =	rddreg [dreg:$0x6]  }
0x3e: {  	[hbm4b:s3+s2] =	stream.indirect_vreg.scatter [tilespmem:s0], [sflag:$0x1], $0x80, v3, vm0, $0xb8;
	[tilespmem:$0x18080] =	vst v63  }
0x3f: {  	s9 =	rddreg [dreg:$0x7]  }
0x40: {  	[hbm4b:s4+s2] =	stream.indirect_vreg.scatter [tilespmem:s9], [sflag:$0x1], $0x80, v3, vm0, $0xb8;
	[tilespmem:$0x18080] =	vst v63  }
0x41: {  	s0 =	rddreg [dreg:$0x8]  }
0x42: {  	[hbm4b:s5+s2] =	stream.indirect_vreg.scatter [tilespmem:s0], [sflag:$0x1], $0x80, v3, vm0, $0xb8;
	[tilespmem:$0x18080] =	vst v63  }
0x43: {  	v3 =	vld [tilespmem:$0x10];
	_ =	sdelay $0x4  }
0x44: {  	v57 =	vshrl.u32 v3, $0x3  }
0x45: {  	v4 =	vmul.u32 $0x30, v57  }
0x46: {  	v3 =	vand.u32 $0x7, v3  }
0x47: {  	v3 =	vor.u32 v3, v4  }
0x48: {  	v4 =	vperm.xlane v3, v0;
	_ =	sdelay $0x1  }
0x49: {  	v4 =	vadd.s32 v1, v4;
	_ =	sdelay $0x3  }
0x4a: {  	s0 =	rddreg [dreg:$0x9];
	v3 =	vperm.xlane v3, v2  }
0x4b: {  	[hbm4b:s3+s2] =	stream.indirect_vreg.scatter [tilespmem:s0], [sflag:$0x1], $0x80, v4, vm0, $0xb8;
	[tilespmem:$0x18080] =	vst v63  }
0x4c: {  	s9 =	rddreg [dreg:$0xa];
	v3 =	vadd.s32 v1, v3  }
0x4d: {  	[hbm4b:s4+s2] =	stream.indirect_vreg.scatter [tilespmem:s9], [sflag:$0x1], $0x80, v4, vm0, $0xb8;
	[tilespmem:$0x18080] =	vst v63  }
0x4e: {  	s0 =	rddreg [dreg:$0xb]  }
0x4f: {  	[hbm4b:s5+s2] =	stream.indirect_vreg.scatter [tilespmem:s0], [sflag:$0x1], $0x80, v4, vm0, $0xb8;
	[tilespmem:$0x18080] =	vst v63  }
0x50: {  	s9 =	rddreg [dreg:$0xc]  }
0x51: {  	[hbm4b:s3+s2] =	stream.indirect_vreg.scatter [tilespmem:s9], [sflag:$0x1], $0x80, v3, vm0, $0xb8;
	[tilespmem:$0x18080] =	vst v63  }
0x52: {  	s0 =	rddreg [dreg:$0xd]  }
0x53: {  	[hbm4b:s4+s2] =	stream.indirect_vreg.scatter [tilespmem:s0], [sflag:$0x1], $0x80, v3, vm0, $0xb8;
	[tilespmem:$0x18080] =	vst v63  }
0x54: {  	s9 =	rddreg [dreg:$0xe]  }
0x55: {  	[hbm4b:s5+s2] =	stream.indirect_vreg.scatter [tilespmem:s9], [sflag:$0x1], $0x80, v3, vm0, $0xb8;
	[tilespmem:$0x18080] =	vst v63  }
0x56: {  	v3 =	vld [tilespmem:$0x20];
	_ =	sdelay $0x4  }
0x57: {  	v58 =	vshrl.u32 v3, $0x3  }
0x58: {  	v4 =	vmul.u32 $0x30, v58  }
0x59: {  	v3 =	vand.u32 $0x7, v3  }
0x5a: {  	v3 =	vor.u32 v3, v4  }
0x5b: {  	v4 =	vperm.xlane v3, v0;
	_ =	sdelay $0x1  }
0x5c: {  	v4 =	vadd.s32 v1, v4;
	_ =	sdelay $0x3  }
0x5d: {  	s0 =	rddreg [dreg:$0xf];
	v3 =	vperm.xlane v3, v2  }
0x5e: {  	[hbm4b:s3+s2] =	stream.indirect_vreg.scatter [tilespmem:s0], [sflag:$0x1], $0x80, v4, vm0, $0xb8;
	[tilespmem:$0x18080] =	vst v63  }
0x5f: {  	s9 =	rddreg [dreg:$0x10];
	v3 =	vadd.s32 v1, v3  }
0x60: {  	[hbm4b:s4+s2] =	stream.indirect_vreg.scatter [tilespmem:s9], [sflag:$0x1], $0x80, v4, vm0, $0xb8;
	[tilespmem:$0x18080] =	vst v63  }
0x61: {  	s0 =	rddreg [dreg:$0x11]  }
0x62: {  	[hbm4b:s5+s2] =	stream.indirect_vreg.scatter [tilespmem:s0], [sflag:$0x1], $0x80, v4, vm0, $0xb8;
	[tilespmem:$0x18080] =	vst v63  }
0x63: {  	s9 =	rddreg [dreg:$0x12]  }
0x64: {  	[hbm4b:s3+s2] =	stream.indirect_vreg.scatter [tilespmem:s9], [sflag:$0x1], $0x80, v3, vm0, $0xb8;
	[tilespmem:$0x18080] =	vst v63  }
0x65: {  	s0 =	rddreg [dreg:$0x13]  }
0x66: {  	[hbm4b:s4+s2] =	stream.indirect_vreg.scatter [tilespmem:s0], [sflag:$0x1], $0x80, v3, vm0, $0xb8;
	[tilespmem:$0x18080] =	vst v63  }
0x67: {  	s9 =	rddreg [dreg:$0x14]  }
0x68: {  	[hbm4b:s5+s2] =	stream.indirect_vreg.scatter [tilespmem:s9], [sflag:$0x1], $0x80, v3, vm0, $0xb8;
	[tilespmem:$0x18080] =	vst v63  }
0x69: {  	v3 =	vld [tilespmem:$0x30];
	_ =	sdelay $0x4  }
0x6a: {  	v59 =	vshrl.u32 v3, $0x3  }
0x6b: {  	v4 =	vmul.u32 $0x30, v59  }
0x6c: {  	v3 =	vand.u32 $0x7, v3  }
0x6d: {  	v3 =	vor.u32 v3, v4  }
0x6e: {  	v4 =	vperm.xlane v3, v0;
	_ =	sdelay $0x1  }
0x6f: {  	v4 =	vadd.s32 v1, v4;
	_ =	sdelay $0x3  }
0x70: {  	s0 =	rddreg [dreg:$0x15];
	v3 =	vperm.xlane v3, v2  }
0x71: {  	[hbm4b:s3+s2] =	stream.indirect_vreg.scatter [tilespmem:s0], [sflag:$0x1], $0x80, v4, vm0, $0xb8;
	[tilespmem:$0x18080] =	vst v63  }
0x72: {  	s9 =	rddreg [dreg:$0x16];
	v3 =	vadd.s32 v1, v3  }
0x73: {  	[hbm4b:s4+s2] =	stream.indirect_vreg.scatter [tilespmem:s9], [sflag:$0x1], $0x80, v4, vm0, $0xb8;
	[tilespmem:$0x18080] =	vst v63  }
0x74: {  	s0 =	rddreg [dreg:$0x17]  }
0x75: {  	[hbm4b:s5+s2] =	stream.indirect_vreg.scatter [tilespmem:s0], [sflag:$0x1], $0x80, v4, vm0, $0xb8;
	[tilespmem:$0x18080] =	vst v63  }
0x76: {  	s9 =	rddreg [dreg:$0x18]  }
0x77: {  	[hbm4b:s3+s2] =	stream.indirect_vreg.scatter [tilespmem:s9], [sflag:$0x1], $0x80, v3, vm0, $0xb8;
	[tilespmem:$0x18080] =	vst v63  }
0x78: {  	s0 =	rddreg [dreg:$0x19]  }
0x79: {  	[hbm4b:s4+s2] =	stream.indirect_vreg.scatter [tilespmem:s0], [sflag:$0x1], $0x80, v3, vm0, $0xb8;
	[tilespmem:$0x18080] =	vst v63  }
0x7a: {  	s9 =	rddreg [dreg:$0x1a]  }
0x7b: {  	[hbm4b:s5+s2] =	stream.indirect_vreg.scatter [tilespmem:s9], [sflag:$0x1], $0x80, v3, vm0, $0xb8;
	[tilespmem:$0x18080] =	vst v63  }
0x7c: {  	v3 =	vld [tilespmem:$0x40];
	_ =	sdelay $0x4  }
0x7d: {  	v60 =	vshrl.u32 v3, $0x3  }
0x7e: {  	v4 =	vmul.u32 $0x30, v60  }
0x7f: {  	v3 =	vand.u32 $0x7, v3  }
0x80: {  	v3 =	vor.u32 v3, v4  }
0x81: {  	v4 =	vperm.xlane v3, v0;
	_ =	sdelay $0x1  }
0x82: {  	v4 =	vadd.s32 v1, v4;
	_ =	sdelay $0x3  }
0x83: {  	s0 =	rddreg [dreg:$0x1b];
	v3 =	vperm.xlane v3, v2  }
0x84: {  	[hbm4b:s3+s2] =	stream.indirect_vreg.scatter [tilespmem:s0], [sflag:$0x1], $0x80, v4, vm0, $0xb8;
	[tilespmem:$0x18080] =	vst v63  }
0x85: {  	s9 =	rddreg [dreg:$0x1c];
	v3 =	vadd.s32 v1, v3  }
0x86: {  	[hbm4b:s4+s2] =	stream.indirect_vreg.scatter [tilespmem:s9], [sflag:$0x1], $0x80, v4, vm0, $0xb8;
	[tilespmem:$0x18080] =	vst v63  }
0x87: {  	s9 =	simm.s32 $0xD080  }
0x88: {  	[hbm4b:s5+s2] =	stream.indirect_vreg.scatter [tilespmem:s9], [sflag:$0x1], $0x80, v4, vm0, $0xb8;
	[tilespmem:$0x18080] =	vst v63  }
0x89: {  	_ = 	snop  }
0x8a: {  	[hbm4b:s3+s2] =	stream.indirect_vreg.scatter [tilespmem:s10], [sflag:$0x1], $0x80, v3, vm0, $0xb8;
	[tilespmem:$0x18080] =	vst v63  }
0x8b: {  	_ = 	snop  }
0x8c: {  	[hbm4b:s4+s2] =	stream.indirect_vreg.scatter [tilespmem:s11], [sflag:$0x1], $0x80, v3, vm0, $0xb8;
	[tilespmem:$0x18080] =	vst v63  }
0x8d: {  	_ = 	snop  }
0x8e: {  	[hbm4b:s5+s2] =	stream.indirect_vreg.scatter [tilespmem:s12], [sflag:$0x1], $0x80, v3, vm0, $0xb8;
	[tilespmem:$0x18080] =	vst v63  }
0x8f: {  	v3 =	vld [tilespmem:$0x50];
	_ =	sdelay $0x4  }
0x90: {  	v61 =	vshrl.u32 v3, $0x3  }
0x91: {  	v4 =	vmul.u32 $0x30, v61  }
0x92: {  	v3 =	vand.u32 $0x7, v3  }
0x93: {  	v3 =	vor.u32 v3, v4  }
0x94: {  	v4 =	vperm.xlane v3, v0;
	_ =	sdelay $0x1  }
0x95: {  	v4 =	vadd.s32 v1, v4;
	_ =	sdelay $0x3  }
0x96: {  	v3 =	vperm.xlane v3, v2  }
0x97: {  	[hbm4b:s3+s2] =	stream.indirect_vreg.scatter [tilespmem:s13], [sflag:$0x1], $0x80, v4, vm0, $0xb8;
	[tilespmem:$0x18080] =	vst v63  }
0x98: {  	v3 =	vadd.s32 v1, v3  }
0x99: {  	[hbm4b:s4+s2] =	stream.indirect_vreg.scatter [tilespmem:s14], [sflag:$0x1], $0x80, v4, vm0, $0xb8;
	[tilespmem:$0x18080] =	vst v63  }
0x9a: {  	_ = 	snop  }
0x9b: {  	[hbm4b:s5+s2] =	stream.indirect_vreg.scatter [tilespmem:s15], [sflag:$0x1], $0x80, v4, vm0, $0xb8;
	[tilespmem:$0x18080] =	vst v63  }
0x9c: {  	_ = 	snop  }
0x9d: {  	[hbm4b:s3+s2] =	stream.indirect_vreg.scatter [tilespmem:s16], [sflag:$0x1], $0x80, v3, vm0, $0xb8;
	[tilespmem:$0x18080] =	vst v63  }
0x9e: {  	_ = 	snop  }
0x9f: {  	[hbm4b:s4+s2] =	stream.indirect_vreg.scatter [tilespmem:s17], [sflag:$0x1], $0x80, v3, vm0, $0xb8;
	[tilespmem:$0x18080] =	vst v63  }
0xa0: {  	_ = 	snop  }
0xa1: {  	[hbm4b:s5+s2] =	stream.indirect_vreg.scatter [tilespmem:s18], [sflag:$0x1], $0x80, v3, vm0, $0xb8;
	[tilespmem:$0x18080] =	vst v63  }
0xa2: {  	v3 =	vld [tilespmem:$0x60];
	_ =	sdelay $0x4  }
0xa3: {  	v62 =	vshrl.u32 v3, $0x3  }
0xa4: {  	v4 =	vmul.u32 $0x30, v62  }
0xa5: {  	v3 =	vand.u32 $0x7, v3  }
0xa6: {  	v3 =	vor.u32 v3, v4  }
0xa7: {  	v4 =	vperm.xlane v3, v0;
	_ =	sdelay $0x1  }
0xa8: {  	v4 =	vadd.s32 v1, v4;
	_ =	sdelay $0x3  }
0xa9: {  	v3 =	vperm.xlane v3, v2  }
0xaa: {  	[hbm4b:s3+s2] =	stream.indirect_vreg.scatter [tilespmem:s19], [sflag:$0x1], $0x80, v4, vm0, $0xb8;
	[tilespmem:$0x18080] =	vst v63  }
0xab: {  	v3 =	vadd.s32 v1, v3  }
0xac: {  	[hbm4b:s4+s2] =	stream.indirect_vreg.scatter [tilespmem:s20], [sflag:$0x1], $0x80, v4, vm0, $0xb8;
	[tilespmem:$0x18080] =	vst v63  }
0xad: {  	_ = 	snop  }
0xae: {  	[hbm4b:s5+s2] =	stream.indirect_vreg.scatter [tilespmem:s21], [sflag:$0x1], $0x80, v4, vm0, $0xb8;
	[tilespmem:$0x18080] =	vst v63  }
0xaf: {  	_ = 	snop  }
0xb0: {  	[hbm4b:s3+s2] =	stream.indirect_vreg.scatter [tilespmem:s22], [sflag:$0x1], $0x80, v3, vm0, $0xb8;
	[tilespmem:$0x18080] =	vst v63  }
0xb1: {  	_ = 	snop  }
0xb2: {  	[hbm4b:s4+s2] =	stream.indirect_vreg.scatter [tilespmem:s23], [sflag:$0x1], $0x80, v3, vm0, $0xb8;
	[tilespmem:$0x18080] =	vst v63  }
0xb3: {  	_ = 	snop  }
0xb4: {  	[hbm4b:s5+s2] =	stream.indirect_vreg.scatter [tilespmem:s24], [sflag:$0x1], $0x80, v3, vm0, $0xb8;
	[tilespmem:$0x18080] =	vst v63  }
0xb5: {  	v3 =	vld [tilespmem:$0x70];
	_ =	sdelay $0x4  }
0xb6: {  	v63 =	vshrl.u32 v3, $0x3  }
0xb7: {  	v4 =	vmul.u32 $0x30, v63  }
0xb8: {  	v3 =	vand.u32 $0x7, v3  }
0xb9: {  	v3 =	vor.u32 v3, v4  }
0xba: {  	v4 =	vperm.xlane v3, v0;
	_ =	sdelay $0x1  }
0xbb: {  	v4 =	vadd.s32 v1, v4;
	_ =	sdelay $0x3  }
0xbc: {  	v3 =	vperm.xlane v3, v2  }
0xbd: {  	[hbm4b:s3+s2] =	stream.indirect_vreg.scatter [tilespmem:s25], [sflag:$0x1], $0x80, v4, vm0, $0xb8;
	[tilespmem:$0x18080] =	vst v63  }
0xbe: {  	v3 =	vadd.s32 v1, v3  }
0xbf: {  	[hbm4b:s4+s2] =	stream.indirect_vreg.scatter [tilespmem:s26], [sflag:$0x1], $0x80, v4, vm0, $0xb8;
	[tilespmem:$0x18080] =	vst v63  }
0xc0: {  	_ = 	snop  }
0xc1: {  	[hbm4b:s5+s2] =	stream.indirect_vreg.scatter [tilespmem:s28], [sflag:$0x1], $0x80, v4, vm0, $0xb8;
	[tilespmem:$0x18080] =	vst v63  }
0xc2: {  	_ = 	snop  }
0xc3: {  	[hbm4b:s3+s2] =	stream.indirect_vreg.scatter [tilespmem:s29], [sflag:$0x1], $0x80, v3, vm0, $0xb8;
	[tilespmem:$0x18080] =	vst v63  }
0xc4: {  	p0 =	sne.s32 s6, $0x1  }
0xc5: {  	[hbm4b:s4+s2] =	stream.indirect_vreg.scatter [tilespmem:s30], [sflag:$0x1], $0x80, v3, vm0, $0xb8;
	[tilespmem:$0x18080] =	vst v63  }
.Ltmp0:
0xc6: {  	_ = 	snop;
	(pc) =	sbr.rel @p0 .LBB2_1-.Ltmp0, $4  }
0xc7: {  	[hbm4b:s5+s2] =	stream.indirect_vreg.scatter [tilespmem:s31], [sflag:$0x1], $0x80, v3, vm0, $0xb8;
	[tilespmem:$0x18080] =	vst v63  }
0xc8: {  	_ =	swait.ge [sflag:s1], $0x18000  }
0xc9: {  	[sflag:s1] =	ssyncset.done $0x0  }
0xca: {  	s6 =	sadd.s32 $0xFFFFFFFF, s6;
	[sflag:s1] =	ssyncadd.s32 $0xFFFE8000  }
0xcb: {  	_ =	sfence.sel $0x180000  }
0xcc: {  	[bflag:$0x0] =	sbarrier.arrive $0xFFFF  }
0xcd: {  	_ =	strace $0x9000004D  }
0xce: {  	s0 =	stileid.u32;
	[bflag:$0x2] =	sbarrier.arrive $0xFFFF  }
0xcf: {  	p0 =	sne.s32 s0, $0x0;
	s0 =	rddreg [dreg:$0x1]  }
0xd0: {  	s0 =	sadd.s32 @!p0 $0x100000, s0  }
0xd1: {  	[sflag:s0] =	ssyncadd.tile.s32 @!p0 $0x1;
	_ =	shalt  }
.Lfunc_end2:
_tile_overlayer_lowered:
.L_overlay_start_2:
0xd2: {  	(tag) =	ssettag $0x2  }
0xd3: {  	s0 =	rddreg [dreg:$0x0];
	s2 =	stileid.u32  }
0xd4: {  	s1 =	rddreg [dreg:$0x1];
	p0 =	sne.s32 s2, $0x0  }
0xd5: {  	s3 =	rddreg [dreg:$0x2];
	[bflag:$0x3] =	sbarrier.arrive $0xFFFF;
	s2 =	simm.s32 @!p0 $0x1C02  }
0xd6: {  	[timem:s3], [sflag:s2] =	dma.local @!p0 [hbm:s0], s1  }
0xd7: {  	s0 =	simm.s32 @!p0 $0x2  }
0xd8: {  	_ =	swait.ge @!p0 [sflag:s0], s1  }
0xd9: {  	s1 =	ssub.s32 @!p0 $0x0, s1;
	[sflag:s0] =	ssyncset.done @!p0 $0x0  }
0xda: {  	[sflag:s0] =	ssyncadd.s32 @!p0 s1  }
0xdb: {  	[bflag:$0x3] =	sbarrier.arrive $0xFFFF  }
0xdc: {  	_ =	shalt  }

// kernel: kernel.24.cloned.1.call-start
scs
__scs_entry_jumppad:
0x0: {  	(pc) =	sbr.rel $0x88, $3  }
0x1: {  	(tag) =	ssettag $0x0;
	lr =	simm.s32 $0x1  }
0x2: {  	[smem:$0x3F8E] =	sst lr;
	_ =	strace $0xD0000000  }
0x3: {  	_ = 	snop  }
0x4: {  	_ = 	snop  }
0x5: {  	_ = 	snop  }
0x6: {  	_ = 	snop  }
0x7: {  	_ = 	snop  }
__scs_overlays_trampoline_lowered:
0x8: {  	[smem:$0x3F9D] =	sst s0  }
0x9: {  	[smem:$0x3F9E] =	sst s1  }
0xa: {  	[smem:$0x3F9F] =	sst s2  }
0xb: {  	[smem:$0x3FA0] =	sst s3  }
0xc: {  	[smem:$0x3FA1] =	sst s4  }
0xd: {  	[smem:$0x3FA2] =	sst s5  }
0xe: {  	[smem:$0x3FA3] =	sst s6  }
0xf: {  	[smem:$0x3FA4] =	sst s7  }
0x10: {  	[smem:$0x3FA5] =	sst s8  }
0x11: {  	[smem:$0x3FA6] =	sst s9;
	s0 =	simm.s32 @!p0 $0x0  }
0x12: {  	s1 =	sld [smem:$0x3F8C];
	s0 =	simm.s32 @p0 $0x1  }
0x13: {  	[smem:$0x3FA7] =	sst s0;
	s0 =	simm.s32 @!p1 $0x0  }
0x14: {  	s2 =	sld [smem:$0x3F8B];
	s0 =	simm.s32 @p1 $0x1  }
0x15: {  	[smem:$0x3FA8] =	sst s0;
	s0 =	simm.s32 @!p2 $0x0  }
0x16: {  	s3 =	sld [smem:$0x3FDB];
	s0 =	simm.s32 @p2 $0x1  }
0x17: {  	s4 =	simm.s32 $0x1BF5;
	[smem:$0x3FAA] =	sst s0  }
0x18: {  	s0 =	sld [smem:$0x3F8D];
	_ =	swait.ge [sflag:s4], $0x0  }
0x19: {  	s7 =	sld [smem:$0x3F8E]  }
0x1a: {  	s8 =	sadd.s32 $0xFFFFE003, lr  }
0x1b: {  	s9 =	sadd.s32 $0xFFFFFEF7, lr;
	s5 =	simm.s32 $0xFFFFFFFF;
	p2 =	slt.u32 s8, $0xFFFFF086  }
0x1c: {  	p1 =	slt.u32 s9, $0xF7A;
	s5 =	simm.s32 @!p2 $0x0  }
0x1d: {  	s5 =	simm.s32 @p1 $0x1;
	p0 =	seq.s32 s7, s2  }
0x1e: {  	s7 =	smul.u32 @!p0 $0xF7A, s2;
	p2 =	seq.s32 @!p0 s5, $0x0  }
0x1f: {  	s9 =	smul.u32 $0xF7A, s1;
	s8 =	simm.s32 @!p0 $0x1BF5;
	p2 =	por !p2, p0  }
0x20: {  	[sflag:s8] =	ssyncset.s32 @!p0 $0xFFFFF086;
	s6 =	sadd.s32 @!p0 s3, s7;
	s7 =	simm.s32 @!p0 $0x108  }
0x21: {  	s3 =	sadd.s32 s3, s9;
	s6 =	sadd.s32 @!p0 $0x88, s6;
	s7 =	simm.s32 @p2 $0x1082  }
0x22: {  	[simem:s7], [sflag:s8] =	dma.local @!p0 [hbm:s6], $0xF7A  }
0x23: {  	s9 =	sor.u32 $0xD0000000, s2;
	s6 =	simm.s32 $0x108;
	_ =	swait.ge @!p0 [sflag:s8], $0x0  }
0x24: {  	s3 =	sadd.s32 $0x88, s3;
	s6 =	simm.s32 @!p1 $0x1082;
	[sflag:s4] =	ssyncset.s32 $0xFFFFF086  }
0x25: {  	[simem:s6], [sflag:s4] =	dma.local [hbm:s3], $0xF7A  }
0x26: {  	[smem:$0x3F8E] =	sst s1;
	(tag) =	ssettag s2;
	_ =	strace s9  }
0x27: {  	s1 =	sld [smem:$0x3F9E]  }
0x28: {  	s2 =	sld [smem:$0x3F9F]  }
0x29: {  	s4 =	sld [smem:$0x3FA1]  }
0x2a: {  	p0 =	seq.s32 s5, $0x0;
	s5 =	sld [smem:$0x3FA2]  }
0x2b: {  	s6 =	sld [smem:$0x3FA3]  }
0x2c: {  	s7 =	sld [smem:$0x3FA4]  }
0x2d: {  	s3 =	simm.s32 $0x108;
	s8 =	sld [smem:$0x3FA5]  }
0x2e: {  	s3 =	simm.s32 @!p0 $0x1082;
	s9 =	sld [smem:$0x3FA6]  }
0x2f: {  	lr =	sadd.s32 s0, s3;
	s0 =	sld [smem:$0x3F9D]  }
0x30: {  	s3 =	sld [smem:$0x3FA0]  }
0x31: {  	[smem:$0x3FA9] =	sst s10  }
0x32: {  	s10 =	sld [smem:$0x3FA7];
	_ =	sdelay $0x3  }
0x33: {  	p0 =	seq.s32 s10, $0x1;
	s10 =	sld [smem:$0x3FA9];
	_ =	sdelay $0x3  }
0x34: {  	[smem:$0x3FA9] =	sst s10  }
0x35: {  	s10 =	sld [smem:$0x3FA8];
	_ =	sdelay $0x3  }
0x36: {  	p1 =	seq.s32 s10, $0x1;
	s10 =	sld [smem:$0x3FA9];
	_ =	sdelay $0x3  }
0x37: {  	[smem:$0x3FA9] =	sst s10  }
0x38: {  	s10 =	sld [smem:$0x3FAA]  }
0x39: {  	_ = 	snop;
	(pc) =	sbr.ind lr, $3  }
0x3a: {  	_ = 	snop  }
0x3b: {  	_ = 	snop  }
0x3c: {  	p2 =	seq.s32 s10, $0x1;
	s10 =	sld [smem:$0x3FA9]  }
0x3d: {  	_ =	shalt  }
0x3e: {  	_ =	shalt  }
0x3f: {  	_ =	shalt  }
0x40: {  	_ =	shalt  }
0x41: {  	_ =	shalt  }
0x42: {  	_ =	shalt  }
0x43: {  	_ =	shalt  }
0x44: {  	_ =	shalt  }
0x45: {  	_ =	shalt  }
0x46: {  	_ =	shalt  }
0x47: {  	_ =	shalt  }
0x48: {  	_ =	shalt  }
0x49: {  	_ =	shalt  }
0x4a: {  	_ =	shalt  }
0x4b: {  	_ =	shalt  }
0x4c: {  	_ =	shalt  }
0x4d: {  	_ =	shalt  }
0x4e: {  	_ =	shalt  }
0x4f: {  	_ =	shalt  }
0x50: {  	_ =	shalt  }
0x51: {  	_ =	shalt  }
0x52: {  	_ =	shalt  }
0x53: {  	_ =	shalt  }
0x54: {  	_ =	shalt  }
0x55: {  	_ =	shalt  }
0x56: {  	_ =	shalt  }
0x57: {  	_ =	shalt  }
0x58: {  	_ =	shalt  }
0x59: {  	_ =	shalt  }
0x5a: {  	_ =	shalt  }
0x5b: {  	_ =	shalt  }
0x5c: {  	_ =	shalt  }
0x5d: {  	_ =	shalt  }
0x5e: {  	_ =	shalt  }
0x5f: {  	_ =	shalt  }
0x60: {  	_ =	shalt  }
0x61: {  	_ =	shalt  }
0x62: {  	_ =	shalt  }
0x63: {  	_ =	shalt  }
0x64: {  	_ =	shalt  }
0x65: {  	_ =	shalt  }
0x66: {  	_ =	shalt  }
0x67: {  	_ =	shalt  }
0x68: {  	_ =	shalt  }
0x69: {  	_ =	shalt  }
0x6a: {  	_ =	shalt  }
0x6b: {  	_ =	shalt  }
0x6c: {  	_ =	shalt  }
0x6d: {  	_ =	shalt  }
0x6e: {  	_ =	shalt  }
0x6f: {  	_ =	shalt  }
0x70: {  	_ =	shalt  }
0x71: {  	_ =	shalt  }
0x72: {  	_ =	shalt  }
0x73: {  	_ =	shalt  }
0x74: {  	_ =	shalt  }
0x75: {  	_ =	shalt  }
0x76: {  	_ =	shalt  }
0x77: {  	_ =	shalt  }
0x78: {  	_ =	shalt  }
0x79: {  	_ =	shalt  }
0x7a: {  	_ =	shalt  }
0x7b: {  	_ =	shalt  }
0x7c: {  	_ =	shalt  }
0x7d: {  	_ =	shalt  }
0x7e: {  	_ =	shalt  }
0x7f: {  	_ =	shalt  }
0x80: {  	_ =	shalt  }
0x81: {  	_ =	shalt  }
0x82: {  	_ =	shalt  }
0x83: {  	_ =	shalt  }
0x84: {  	_ =	shalt  }
0x85: {  	_ =	shalt  }
0x86: {  	_ =	shalt  }
0x87: {  	_ =	shalt  }
.Lfunc_end0:
.L_simem_size_0:
called_computation.3_lowered:
.L_overlay_start_0:
0x88: {  	s2 =	sld [smem:$0x3FD9]  }
0x89: {  	s3 =	sld [smem:$0x3FFE];
	_ =	sdelay $0x1  }
0x8a: {  	s1 =	srdreg.scid  }
0x8b: {  	s0 =	sand.u32 $0x1, s1  }
0x8c: {  	s16 =	sshll.u32 s0, $0xA;
	s2 =	sadd.s32 s3, s2  }
0x8d: {  	s2 =	sadd.s32 s2, s16  }
0x8e: {  	[smem:$0x3FB5] =	sst s2  }
0x8f: {  	_ = 	snop  }
0x90: {  	(tm) =	ssettm $0x1  }
0x91: {  	s17 =	sld [smem:$0x3FFB];
	_ =	sdelay $0x3  }
0x92: {  	_ =	strace s17  }
0x93: {  	s2 =	sld [smem:$0x3FFC];
	_ =	sdelay $0x3  }
0x94: {  	_ =	strace s2  }
0x95: {  	s2 =	sld [smem:$0x3FFD];
	_ =	sdelay $0x3  }
0x96: {  	_ =	strace s2  }
0x97: {  	_ =	strace $0x8FFFFFFF  }
0x98: {  	s18 =	sld [smem:$0x3FDB];
	_ =	sdelay $0x1  }
0x99: {  	s19 =	simm.s32 $_scs_section_size  }
0x9a: {  	s4 =	simm.s32 $_size__tile_overlayer_lowered;
	s5 =	simm.s32 $_tile_overlayer_lowered  }
0x9b: {  	s22 =	simm.s32 $0x1BFF;
	s21 =	sshll.u32 s5, $0x1;
	s2 =	sadd.s32 s19, s18  }
0x9c: {  	s6 =	simm.s32 $0x0;
	s20 =	sshll.u32 s4, $0x1;
	s4 =	sadd.s32 s21, s2  }
0x9d: {  	[timem:s6], [sflag:s22] =	dma.local [hbm:s4], s20  }
0x9e: {  	_ =	swait.ge [sflag:s22], s20  }
0x9f: {  	s3 =	ssub.s32 $0x0, s20;
	[sflag:s22] =	ssyncset.done $0x0  }
0xa0: {  	[sflag:s22] =	ssyncadd.s32 s3;
	_ =	sdelay $0x1  }
0xa1: {  	s23 =	simm.s32 $0x1B8B  }
0xa2: {  	_ =	swait.ge [sflag:s23], $0x1  }
0xa3: {  	[sflag:s23] =	ssyncset.done $0x0  }
0xa4: {  	s25 =	simm.s32 $0x1B8E;
	s24 =	sld [smem:$0x3FFE];
	[sflag:s23] =	ssyncadd.s32 $0xFFFFFFFF  }
0xa5: {  	s26 =	simm.s32 $execute0_lowered;
	[smem:$0x3FD2] =	sst s25  }
0xa6: {  	s4 =	sshll.u32 s26, $0x1;
	_ =	strace $0x8000004F;
	[dreg:$0x1] =	wrdreg $0xFFFFFFFF  }
0xa7: {  	s28 =	simm.s32 $_size_execute0_lowered;
	s2 =	sadd.s32 s2, s4;
	[dreg:$0x0] =	wrdreg $0x0  }
0xa8: {  	s4 =	sshll.u32 s28, $0x1;
	[dreg:$0x2] =	wrdreg s2  }
0xa9: {  	[dreg:$0x3] =	wrdreg s4  }
0xaa: {  	[dreg:$0x4] =	wrdreg $0xC0  }
0xab: {  	_ =	task [dreg:s6], $0x5FFFF  }
0xac: {  	[dreg:$0x1] =	wrdreg $0xFFFFFFFF  }
0xad: {  	[dreg:$0x0] =	wrdreg $0x60  }
0xae: {  	[dreg:$0x2] =	wrdreg s24  }
0xaf: {  	[dreg:$0x3] =	wrdreg $0x9  }
0xb0: {  	_ =	task.clear_ibuf [dreg:s6], $0x4FFFF;
	_ =	strace $0x9000004F  }
0xb1: {  	s29 =	simm.s32 $0x9;
	_ =	strace $0x80000051  }
0xb2: {  	_ =	swait.ge [sflag:s29], $0x1  }
0xb3: {  	[sflag:s29] =	ssyncadd.s32 $0xFFFFFFFF  }
0xb4: {  	_ =	strace $0x90000051  }
0xb5: {  	_ =	sfence  }
0xb6: {  	s30 =	sld [smem:$0x0];
	_ =	sdelay $0x2  }
0xb7: {  	s31 =	sshll.u32 s1, $0xD;
	s1 =	sshrl.u32 s1, $0x2  }
0xb8: {  	s3 =	sand.u32 $0x4000, s31;
	s1 =	sadd.s32 s1, s30  }
0xb9: {  	s0 =	sor.u32 s3, s0;
	s1 =	sshll.u32 s1, $0x11  }
0xba: {  	s0 =	sor.u32 s1, s0  }
0xbb: {  	s0 =	sadd.s32 $0x8F2B, s0  }
0xbc: {  	[sflag:s0] =	ssyncadd.remote.s32 $0x1  }
0xbd: {  	_ =	sfence.sel $0xFFFF  }
0xbe: {  	[dreg:$0x0] =	wrdreg $0xFFFFFFFF;
	(pc) =	sbr.abs _section_cstart, $3  }
0xbf: {  	[dreg:$0x1] =	wrdreg $0xFFFFFFFF  }
0xc0: {  	_ =	task.clear_ibuf [dreg:s6], $0x2FFFF;
	_ =	strace $0x9FFFFFFF  }
0xc1: {  	(tm) =	ssettm $0x7FFFFFFF  }
tec
execute0_lowered:
.L_overlay_start_1:
0x0: {  	(tag) =	ssettag $0x1  }
0x1: {  	s1 =	srdreg.scid  }
0x2: {  	s0 =	stileid.u32;
	s1 =	sand.u32 $0x1, s1  }
0x3: {  	s2 =	sshll.u32 s0, $0x5;
	s3 =	sshll.u32 s1, $0x4  }
0x4: {  	s5 =	rddreg [dreg:$0x0];
	s3 =	sor.u32 s3, s2;
	s2 =	simm.s32 $0x0  }
0x5: {  	s26 =	simm.s32 $0x880;
	[smem:$0x7FF] =	sst s2  }
0x6: {  	s0 =	simm.s32 $0x1080;
	_ =	strace $0x80000050;
	[dreg:$0x4] =	wrdreg s26  }
0x7: {  	s6 =	simm.s32 $0x2080;
	[dreg:$0x5] =	wrdreg s0  }
0x8: {  	s7 =	simm.s32 $0x2880;
	[dreg:$0x7] =	wrdreg s6  }
0x9: {  	s8 =	simm.s32 $0x3080;
	[dreg:$0x8] =	wrdreg s7  }
0xa: {  	s9 =	simm.s32 $0x3880;
	[dreg:$0x9] =	wrdreg s8  }
0xb: {  	s10 =	simm.s32 $0x4080;
	[dreg:$0xa] =	wrdreg s9  }
0xc: {  	s11 =	simm.s32 $0x4880;
	[dreg:$0xb] =	wrdreg s10  }
0xd: {  	s12 =	simm.s32 $0x5080;
	[dreg:$0xc] =	wrdreg s11  }
0xe: {  	s13 =	simm.s32 $0x5880;
	[dreg:$0xd] =	wrdreg s12  }
0xf: {  	s14 =	simm.s32 $0x6080;
	[dreg:$0xe] =	wrdreg s13  }
0x10: {  	s15 =	simm.s32 $0x6880;
	[dreg:$0xf] =	wrdreg s14  }
0x11: {  	s16 =	simm.s32 $0x7080;
	[dreg:$0x10] =	wrdreg s15  }
0x12: {  	s17 =	simm.s32 $0x7880;
	s18 =	simm.s32 $0x8080;
	[dreg:$0x11] =	wrdreg s16  }
0x13: {  	s19 =	simm.s32 $0x8880;
	s20 =	simm.s32 $0x9080;
	[dreg:$0x12] =	wrdreg s17  }
0x14: {  	s21 =	simm.s32 $0x9880;
	s22 =	simm.s32 $0xA080;
	[dreg:$0x13] =	wrdreg s18  }
0x15: {  	s23 =	simm.s32 $0xA880;
	s24 =	simm.s32 $0xB880;
	[dreg:$0x14] =	wrdreg s19  }
0x16: {  	s28 =	simm.s32 $0x16080;
	s29 =	simm.s32 $0x16880;
	[dreg:$0x15] =	wrdreg s20  }
0x17: {  	s30 =	simm.s32 $0x17080;
	s31 =	simm.s32 $0x17880;
	[dreg:$0x16] =	wrdreg s21  }
0x18: {  	s4 =	smul.u32 $0x300, s3;
	s3 =	sadd.s32 s3, s5;
	[dreg:$0x17] =	wrdreg s22  }
0x19: {  	s1 =	ssub.s32 $0x2, s1;
	s3 =	sadd.s32 $0xC3A00, s3;
	[dreg:$0x18] =	wrdreg s23  }
0x1a: {  	s6 =	sshrl.u32 s1, $0x1;
	s7 =	simm.s32 $0xB080;
	[dreg:$0x1a] =	wrdreg s24  }
0x1b: {  	s8 =	simm.s32 $0x80;
	s26 =	simm.s32 $0xC880;
	s10 =	simm.s32 $0xD880  }
0x1c: {  	s11 =	simm.s32 $0xE080;
	s12 =	simm.s32 $0xE880;
	s13 =	simm.s32 $0xF080  }
0x1d: {  	s14 =	simm.s32 $0xF880;
	s15 =	simm.s32 $0x10080;
	s16 =	simm.s32 $0x10880  }
0x1e: {  	s17 =	simm.s32 $0x11080;
	s18 =	simm.s32 $0x11880;
	s19 =	simm.s32 $0x12080  }
0x1f: {  	s20 =	simm.s32 $0x12880;
	s21 =	simm.s32 $0x13080;
	s22 =	simm.s32 $0x13880  }
0x20: {  	s23 =	simm.s32 $0x14080;
	s24 =	simm.s32 $0x14880;
	[dreg:$0x2] =	wrdreg s3  }
0x21: {  	s4 =	sadd.s32 s4, s5;
	s3 =	sadd.s32 $0xD3A00, s5;
	[dreg:$0x19] =	wrdreg s7  }
0x22: {  	s1 =	ssub.s32 s1, s6;
	s7 =	simm.s32 $0x2;
	[dreg:$0x1c] =	wrdreg s26  }
0x23: {  	s26 =	simm.s32 $0x15880;
	s25 =	sadd.s32 $0x3800, s4;
	s4 =	simm.s32 $0x1880  }
0x24: {  	v2 =	vlaneseq.u32;
	s6 =	smax.u32 s1, $0x1;
	s1 =	simm.s32 $0x1;
	[dreg:$0x3] =	wrdreg s25  }
0x25: {  	vm0 =	vmmov $0xffff;
	v1 =	vshrl.u32 v2, $0x3;
	[dreg:$0x6] =	wrdreg s4;
	s4 =	sadd.s32 $0xD3B00, s5;
	s25 =	simm.s32 $0xC080  }
0x26: {  	v0 =	vand.u32 $0x7, v2;
	v2 =	vor.u32 $0x8, v2;
	v1 =	vmul.u32 $0x8, v1;
	s5 =	sadd.s32 $0xD3C00, s5;
	[dreg:$0x1b] =	wrdreg s25;
	s25 =	simm.s32 $0x15080  }
.LBB2_1:
0x27: {  	s0 =	rddreg [dreg:$0x2]  }
0x28: {  	[tilespmem:s2], [sflag:$0x2] =	stream.linear.gather [hbm4b:s0+s2], $0x80, $0x38;
	[tilespmem:$0x18080] =	vst v63  }
0x29: {  	_ =	swait.ge [sflag:s7], $0x80  }
0x2a: {  	[sflag:s7] =	ssyncset.done $0x0  }
0x2b: {  	[sflag:s7] =	ssyncadd.s32 $0xFFFFFF80  }
0x2c: {  	v3 =	vld [tilespmem:$0x0];
	_ =	sdelay $0x4  }
0x2d: {  	v4 =	vshrl.u32 v3, $0x3  }
0x2e: {  	v4 =	vmul.u32 $0x30, v4  }
0x2f: {  	v3 =	vand.u32 $0x7, v3  }
0x30: {  	v3 =	vor.u32 v3, v4  }
0x31: {  	v4 =	vperm.xlane v3, v0;
	_ =	sdelay $0x1  }
0x32: {  	v4 =	vadd.s32 v1, v4;
	_ =	sdelay $0x3  }
0x33: {  	v3 =	vperm.xlane v3, v2  }
0x34: {  	[tilespmem:s8], [sflag:$0x1] =	stream.indirect_vreg.gather [hbm4b:s3+s2], $0x80, v4, vm0, $0xb8;
	[tilespmem:$0x18080] =	vst v63  }
0x35: {  	s0 =	rddreg [dreg:$0x4];
	v3 =	vadd.s32 v1, v3  }
0x36: {  	[tilespmem:s0], [sflag:$0x1] =	stream.indirect_vreg.gather [hbm4b:s4+s2], $0x80, v4, vm0, $0xb8;
	[tilespmem:$0x18080] =	vst v63  }
0x37: {  	s9 =	rddreg [dreg:$0x5]  }
0x38: {  	[tilespmem:s9], [sflag:$0x1] =	stream.indirect_vreg.gather [hbm4b:s5+s2], $0x80, v4, vm0, $0xb8;
	[tilespmem:$0x18080] =	vst v63  }
0x39: {  	s0 =	rddreg [dreg:$0x6]  }
0x3a: {  	[tilespmem:s0], [sflag:$0x1] =	stream.indirect_vreg.gather [hbm4b:s3+s2], $0x80, v3, vm0, $0xb8;
	[tilespmem:$0x18080] =	vst v63  }
0x3b: {  	s9 =	rddreg [dreg:$0x7]  }
0x3c: {  	[tilespmem:s9], [sflag:$0x1] =	stream.indirect_vreg.gather [hbm4b:s4+s2], $0x80, v3, vm0, $0xb8;
	[tilespmem:$0x18080] =	vst v63  }
0x3d: {  	s0 =	rddreg [dreg:$0x8]  }
0x3e: {  	[tilespmem:s0], [sflag:$0x1] =	stream.indirect_vreg.gather [hbm4b:s5+s2], $0x80, v3, vm0, $0xb8;
	[tilespmem:$0x18080] =	vst v63  }
0x3f: {  	v3 =	vld [tilespmem:$0x10];
	_ =	sdelay $0x4  }
0x40: {  	v57 =	vshrl.u32 v3, $0x3  }
0x41: {  	v4 =	vmul.u32 $0x30, v57  }
0x42: {  	v3 =	vand.u32 $0x7, v3  }
0x43: {  	v3 =	vor.u32 v3, v4  }
0x44: {  	v4 =	vperm.xlane v3, v0;
	_ =	sdelay $0x1  }
0x45: {  	v4 =	vadd.s32 v1, v4;
	_ =	sdelay $0x3  }
0x46: {  	s0 =	rddreg [dreg:$0x9];
	v3 =	vperm.xlane v3, v2  }
0x47: {  	[tilespmem:s0], [sflag:$0x1] =	stream.indirect_vreg.gather [hbm4b:s3+s2], $0x80, v4, vm0, $0xb8;
	[tilespmem:$0x18080] =	vst v63  }
0x48: {  	s9 =	rddreg [dreg:$0xa];
	v3 =	vadd.s32 v1, v3  }
0x49: {  	[tilespmem:s9], [sflag:$0x1] =	stream.indirect_vreg.gather [hbm4b:s4+s2], $0x80, v4, vm0, $0xb8;
	[tilespmem:$0x18080] =	vst v63  }
0x4a: {  	s0 =	rddreg [dreg:$0xb]  }
0x4b: {  	[tilespmem:s0], [sflag:$0x1] =	stream.indirect_vreg.gather [hbm4b:s5+s2], $0x80, v4, vm0, $0xb8;
	[tilespmem:$0x18080] =	vst v63  }
0x4c: {  	s9 =	rddreg [dreg:$0xc]  }
0x4d: {  	[tilespmem:s9], [sflag:$0x1] =	stream.indirect_vreg.gather [hbm4b:s3+s2], $0x80, v3, vm0, $0xb8;
	[tilespmem:$0x18080] =	vst v63  }
0x4e: {  	s0 =	rddreg [dreg:$0xd]  }
0x4f: {  	[tilespmem:s0], [sflag:$0x1] =	stream.indirect_vreg.gather [hbm4b:s4+s2], $0x80, v3, vm0, $0xb8;
	[tilespmem:$0x18080] =	vst v63  }
0x50: {  	s9 =	rddreg [dreg:$0xe]  }
0x51: {  	[tilespmem:s9], [sflag:$0x1] =	stream.indirect_vreg.gather [hbm4b:s5+s2], $0x80, v3, vm0, $0xb8;
	[tilespmem:$0x18080] =	vst v63  }
0x52: {  	v3 =	vld [tilespmem:$0x20];
	_ =	sdelay $0x4  }
0x53: {  	v58 =	vshrl.u32 v3, $0x3  }
0x54: {  	v4 =	vmul.u32 $0x30, v58  }
0x55: {  	v3 =	vand.u32 $0x7, v3  }
0x56: {  	v3 =	vor.u32 v3, v4  }
0x57: {  	v4 =	vperm.xlane v3, v0;
	_ =	sdelay $0x1  }
0x58: {  	v4 =	vadd.s32 v1, v4;
	_ =	sdelay $0x3  }
0x59: {  	s0 =	rddreg [dreg:$0xf];
	v3 =	vperm.xlane v3, v2  }
0x5a: {  	[tilespmem:s0], [sflag:$0x1] =	stream.indirect_vreg.gather [hbm4b:s3+s2], $0x80, v4, vm0, $0xb8;
	[tilespmem:$0x18080] =	vst v63  }
0x5b: {  	s9 =	rddreg [dreg:$0x10];
	v3 =	vadd.s32 v1, v3  }
0x5c: {  	[tilespmem:s9], [sflag:$0x1] =	stream.indirect_vreg.gather [hbm4b:s4+s2], $0x80, v4, vm0, $0xb8;
	[tilespmem:$0x18080] =	vst v63  }
0x5d: {  	s0 =	rddreg [dreg:$0x11]  }
0x5e: {  	[tilespmem:s0], [sflag:$0x1] =	stream.indirect_vreg.gather [hbm4b:s5+s2], $0x80, v4, vm0, $0xb8;
	[tilespmem:$0x18080] =	vst v63  }
0x5f: {  	s9 =	rddreg [dreg:$0x12]  }
0x60: {  	[tilespmem:s9], [sflag:$0x1] =	stream.indirect_vreg.gather [hbm4b:s3+s2], $0x80, v3, vm0, $0xb8;
	[tilespmem:$0x18080] =	vst v63  }
0x61: {  	s0 =	rddreg [dreg:$0x13]  }
0x62: {  	[tilespmem:s0], [sflag:$0x1] =	stream.indirect_vreg.gather [hbm4b:s4+s2], $0x80, v3, vm0, $0xb8;
	[tilespmem:$0x18080] =	vst v63  }
0x63: {  	s9 =	rddreg [dreg:$0x14]  }
0x64: {  	[tilespmem:s9], [sflag:$0x1] =	stream.indirect_vreg.gather [hbm4b:s5+s2], $0x80, v3, vm0, $0xb8;
	[tilespmem:$0x18080] =	vst v63  }
0x65: {  	v3 =	vld [tilespmem:$0x30];
	_ =	sdelay $0x4  }
0x66: {  	v59 =	vshrl.u32 v3, $0x3  }
0x67: {  	v4 =	vmul.u32 $0x30, v59  }
0x68: {  	v3 =	vand.u32 $0x7, v3  }
0x69: {  	v3 =	vor.u32 v3, v4  }
0x6a: {  	v4 =	vperm.xlane v3, v0;
	_ =	sdelay $0x1  }
0x6b: {  	v4 =	vadd.s32 v1, v4;
	_ =	sdelay $0x3  }
0x6c: {  	s0 =	rddreg [dreg:$0x15];
	v3 =	vperm.xlane v3, v2  }
0x6d: {  	[tilespmem:s0], [sflag:$0x1] =	stream.indirect_vreg.gather [hbm4b:s3+s2], $0x80, v4, vm0, $0xb8;
	[tilespmem:$0x18080] =	vst v63  }
0x6e: {  	s9 =	rddreg [dreg:$0x16];
	v3 =	vadd.s32 v1, v3  }
0x6f: {  	[tilespmem:s9], [sflag:$0x1] =	stream.indirect_vreg.gather [hbm4b:s4+s2], $0x80, v4, vm0, $0xb8;
	[tilespmem:$0x18080] =	vst v63  }
0x70: {  	s0 =	rddreg [dreg:$0x17]  }
0x71: {  	[tilespmem:s0], [sflag:$0x1] =	stream.indirect_vreg.gather [hbm4b:s5+s2], $0x80, v4, vm0, $0xb8;
	[tilespmem:$0x18080] =	vst v63  }
0x72: {  	s9 =	rddreg [dreg:$0x18]  }
0x73: {  	[tilespmem:s9], [sflag:$0x1] =	stream.indirect_vreg.gather [hbm4b:s3+s2], $0x80, v3, vm0, $0xb8;
	[tilespmem:$0x18080] =	vst v63  }
0x74: {  	s0 =	rddreg [dreg:$0x19]  }
0x75: {  	[tilespmem:s0], [sflag:$0x1] =	stream.indirect_vreg.gather [hbm4b:s4+s2], $0x80, v3, vm0, $0xb8;
	[tilespmem:$0x18080] =	vst v63  }
0x76: {  	s9 =	rddreg [dreg:$0x1a]  }
0x77: {  	[tilespmem:s9], [sflag:$0x1] =	stream.indirect_vreg.gather [hbm4b:s5+s2], $0x80, v3, vm0, $0xb8;
	[tilespmem:$0x18080] =	vst v63  }
0x78: {  	v3 =	vld [tilespmem:$0x40];
	_ =	sdelay $0x4  }
0x79: {  	v60 =	vshrl.u32 v3, $0x3  }
0x7a: {  	v4 =	vmul.u32 $0x30, v60  }
0x7b: {  	v3 =	vand.u32 $0x7, v3  }
0x7c: {  	v3 =	vor.u32 v3, v4  }
0x7d: {  	v4 =	vperm.xlane v3, v0;
	_ =	sdelay $0x1  }
0x7e: {  	v4 =	vadd.s32 v1, v4;
	_ =	sdelay $0x3  }
0x7f: {  	s0 =	rddreg [dreg:$0x1b];
	v3 =	vperm.xlane v3, v2  }
0x80: {  	[tilespmem:s0], [sflag:$0x1] =	stream.indirect_vreg.gather [hbm4b:s3+s2], $0x80, v4, vm0, $0xb8;
	[tilespmem:$0x18080] =	vst v63  }
0x81: {  	s9 =	rddreg [dreg:$0x1c];
	v3 =	vadd.s32 v1, v3  }
0x82: {  	[tilespmem:s9], [sflag:$0x1] =	stream.indirect_vreg.gather [hbm4b:s4+s2], $0x80, v4, vm0, $0xb8;
	[tilespmem:$0x18080] =	vst v63  }
0x83: {  	s9 =	simm.s32 $0xD080  }
0x84: {  	[tilespmem:s9], [sflag:$0x1] =	stream.indirect_vreg.gather [hbm4b:s5+s2], $0x80, v4, vm0, $0xb8;
	[tilespmem:$0x18080] =	vst v63  }
0x85: {  	_ = 	snop  }
0x86: {  	[tilespmem:s10], [sflag:$0x1] =	stream.indirect_vreg.gather [hbm4b:s3+s2], $0x80, v3, vm0, $0xb8;
	[tilespmem:$0x18080] =	vst v63  }
0x87: {  	_ = 	snop  }
0x88: {  	[tilespmem:s11], [sflag:$0x1] =	stream.indirect_vreg.gather [hbm4b:s4+s2], $0x80, v3, vm0, $0xb8;
	[tilespmem:$0x18080] =	vst v63  }
0x89: {  	_ = 	snop  }
0x8a: {  	[tilespmem:s12], [sflag:$0x1] =	stream.indirect_vreg.gather [hbm4b:s5+s2], $0x80, v3, vm0, $0xb8;
	[tilespmem:$0x18080] =	vst v63  }
0x8b: {  	v3 =	vld [tilespmem:$0x50];
	_ =	sdelay $0x4  }
0x8c: {  	v61 =	vshrl.u32 v3, $0x3  }
0x8d: {  	v4 =	vmul.u32 $0x30, v61  }
0x8e: {  	v3 =	vand.u32 $0x7, v3  }
0x8f: {  	v3 =	vor.u32 v3, v4  }
0x90: {  	v4 =	vperm.xlane v3, v0;
	_ =	sdelay $0x1  }
0x91: {  	v4 =	vadd.s32 v1, v4;
	_ =	sdelay $0x3  }
0x92: {  	v3 =	vperm.xlane v3, v2  }
0x93: {  	[tilespmem:s13], [sflag:$0x1] =	stream.indirect_vreg.gather [hbm4b:s3+s2], $0x80, v4, vm0, $0xb8;
	[tilespmem:$0x18080] =	vst v63  }
0x94: {  	v3 =	vadd.s32 v1, v3  }
0x95: {  	[tilespmem:s14], [sflag:$0x1] =	stream.indirect_vreg.gather [hbm4b:s4+s2], $0x80, v4, vm0, $0xb8;
	[tilespmem:$0x18080] =	vst v63  }
0x96: {  	_ = 	snop  }
0x97: {  	[tilespmem:s15], [sflag:$0x1] =	stream.indirect_vreg.gather [hbm4b:s5+s2], $0x80, v4, vm0, $0xb8;
	[tilespmem:$0x18080] =	vst v63  }
0x98: {  	_ = 	snop  }
0x99: {  	[tilespmem:s16], [sflag:$0x1] =	stream.indirect_vreg.gather [hbm4b:s3+s2], $0x80, v3, vm0, $0xb8;
	[tilespmem:$0x18080] =	vst v63  }
0x9a: {  	_ = 	snop  }
0x9b: {  	[tilespmem:s17], [sflag:$0x1] =	stream.indirect_vreg.gather [hbm4b:s4+s2], $0x80, v3, vm0, $0xb8;
	[tilespmem:$0x18080] =	vst v63  }
0x9c: {  	_ = 	snop  }
0x9d: {  	[tilespmem:s18], [sflag:$0x1] =	stream.indirect_vreg.gather [hbm4b:s5+s2], $0x80, v3, vm0, $0xb8;
	[tilespmem:$0x18080] =	vst v63  }
0x9e: {  	v3 =	vld [tilespmem:$0x60];
	_ =	sdelay $0x4  }
0x9f: {  	v62 =	vshrl.u32 v3, $0x3  }
0xa0: {  	v4 =	vmul.u32 $0x30, v62  }
0xa1: {  	v3 =	vand.u32 $0x7, v3  }
0xa2: {  	v3 =	vor.u32 v3, v4  }
0xa3: {  	v4 =	vperm.xlane v3, v0;
	_ =	sdelay $0x1  }
0xa4: {  	v4 =	vadd.s32 v1, v4;
	_ =	sdelay $0x3  }
0xa5: {  	v3 =	vperm.xlane v3, v2  }
0xa6: {  	[tilespmem:s19], [sflag:$0x1] =	stream.indirect_vreg.gather [hbm4b:s3+s2], $0x80, v4, vm0, $0xb8;
	[tilespmem:$0x18080] =	vst v63  }
0xa7: {  	v3 =	vadd.s32 v1, v3  }
0xa8: {  	[tilespmem:s20], [sflag:$0x1] =	stream.indirect_vreg.gather [hbm4b:s4+s2], $0x80, v4, vm0, $0xb8;
	[tilespmem:$0x18080] =	vst v63  }
0xa9: {  	_ = 	snop  }
0xaa: {  	[tilespmem:s21], [sflag:$0x1] =	stream.indirect_vreg.gather [hbm4b:s5+s2], $0x80, v4, vm0, $0xb8;
	[tilespmem:$0x18080] =	vst v63  }
0xab: {  	_ = 	snop  }
0xac: {  	[tilespmem:s22], [sflag:$0x1] =	stream.indirect_vreg.gather [hbm4b:s3+s2], $0x80, v3, vm0, $0xb8;
	[tilespmem:$0x18080] =	vst v63  }
0xad: {  	_ = 	snop  }
0xae: {  	[tilespmem:s23], [sflag:$0x1] =	stream.indirect_vreg.gather [hbm4b:s4+s2], $0x80, v3, vm0, $0xb8;
	[tilespmem:$0x18080] =	vst v63  }
0xaf: {  	_ = 	snop  }
0xb0: {  	[tilespmem:s24], [sflag:$0x1] =	stream.indirect_vreg.gather [hbm4b:s5+s2], $0x80, v3, vm0, $0xb8;
	[tilespmem:$0x18080] =	vst v63  }
0xb1: {  	v3 =	vld [tilespmem:$0x70];
	_ =	sdelay $0x4  }
0xb2: {  	v63 =	vshrl.u32 v3, $0x3  }
0xb3: {  	v4 =	vmul.u32 $0x30, v63  }
0xb4: {  	v3 =	vand.u32 $0x7, v3  }
0xb5: {  	v3 =	vor.u32 v3, v4  }
0xb6: {  	v4 =	vperm.xlane v3, v0;
	_ =	sdelay $0x1  }
0xb7: {  	v4 =	vadd.s32 v1, v4;
	_ =	sdelay $0x3  }
0xb8: {  	v3 =	vperm.xlane v3, v2  }
0xb9: {  	[tilespmem:s25], [sflag:$0x1] =	stream.indirect_vreg.gather [hbm4b:s3+s2], $0x80, v4, vm0, $0xb8;
	[tilespmem:$0x18080] =	vst v63  }
0xba: {  	v3 =	vadd.s32 v1, v3  }
0xbb: {  	[tilespmem:s26], [sflag:$0x1] =	stream.indirect_vreg.gather [hbm4b:s4+s2], $0x80, v4, vm0, $0xb8;
	[tilespmem:$0x18080] =	vst v63  }
0xbc: {  	_ = 	snop  }
0xbd: {  	[tilespmem:s28], [sflag:$0x1] =	stream.indirect_vreg.gather [hbm4b:s5+s2], $0x80, v4, vm0, $0xb8;
	[tilespmem:$0x18080] =	vst v63  }
0xbe: {  	_ = 	snop  }
0xbf: {  	[tilespmem:s29], [sflag:$0x1] =	stream.indirect_vreg.gather [hbm4b:s3+s2], $0x80, v3, vm0, $0xb8;
	[tilespmem:$0x18080] =	vst v63  }
0xc0: {  	_ = 	snop  }
0xc1: {  	[tilespmem:s30], [sflag:$0x1] =	stream.indirect_vreg.gather [hbm4b:s4+s2], $0x80, v3, vm0, $0xb8;
	[tilespmem:$0x18080] =	vst v63  }
0xc2: {  	_ = 	snop  }
0xc3: {  	[tilespmem:s31], [sflag:$0x1] =	stream.indirect_vreg.gather [hbm4b:s5+s2], $0x80, v3, vm0, $0xb8;
	[tilespmem:$0x18080] =	vst v63  }
0xc4: {  	_ =	swait.ge [sflag:s1], $0x18000  }
0xc5: {  	p0 =	sne.s32 s6, $0x1;
	[sflag:s1] =	ssyncset.done $0x0  }
.Ltmp0:
0xc6: {  	s9 =	rddreg [dreg:$0x3];
	[sflag:s1] =	ssyncadd.s32 $0xFFFE8000;
	(pc) =	sbr.rel @p0 .LBB2_1-.Ltmp0, $4  }
0xc7: {  	[hbm4b:s9+s2] =	stream.linear.scatter [tilespmem:s8], [sflag:$0x2], $0x18000, $0x38;
	[tilespmem:$0x18080] =	vst v63  }
0xc8: {  	_ =	swait.ge [sflag:s7], $0x18000  }
0xc9: {  	[sflag:s7] =	ssyncset.done $0x0  }
0xca: {  	s6 =	sadd.s32 $0xFFFFFFFF, s6;
	[sflag:s7] =	ssyncadd.s32 $0xFFFE8000  }
0xcb: {  	_ =	sfence.sel $0x180000  }
0xcc: {  	[bflag:$0x0] =	sbarrier.arrive $0xFFFF  }
0xcd: {  	_ =	strace $0x90000050  }
0xce: {  	s0 =	stileid.u32;
	[bflag:$0x2] =	sbarrier.arrive $0xFFFF  }
0xcf: {  	p0 =	sne.s32 s0, $0x0;
	s0 =	rddreg [dreg:$0x1]  }
0xd0: {  	s0 =	sadd.s32 @!p0 $0x100000, s0  }
0xd1: {  	[sflag:s0] =	ssyncadd.tile.s32 @!p0 $0x1;
	_ =	shalt  }
.Lfunc_end2:
_tile_overlayer_lowered:
.L_overlay_start_2:
0xd2: {  	(tag) =	ssettag $0x2  }
0xd3: {  	s0 =	rddreg [dreg:$0x0];
	s2 =	stileid.u32  }
0xd4: {  	s1 =	rddreg [dreg:$0x1];
	p0 =	sne.s32 s2, $0x0  }
0xd5: {  	s3 =	rddreg [dreg:$0x2];
	[bflag:$0x3] =	sbarrier.arrive $0xFFFF;
	s2 =	simm.s32 @!p0 $0x1C02  }
0xd6: {  	[timem:s3], [sflag:s2] =	dma.local @!p0 [hbm:s0], s1  }
0xd7: {  	s0 =	simm.s32 @!p0 $0x2  }
0xd8: {  	_ =	swait.ge @!p0 [sflag:s0], s1  }
0xd9: {  	s1 =	ssub.s32 @!p0 $0x0, s1;
	[sflag:s0] =	ssyncset.done @!p0 $0x0  }
0xda: {  	[sflag:s0] =	ssyncadd.s32 @!p0 s1  }
0xdb: {  	[bflag:$0x3] =	sbarrier.arrive $0xFFFF  }
0xdc: {  	_ =	shalt  }

</sc_bundles>
